<compile_context>
chip_gen: v7x
topology: tpu7x:2x2x1
jax: 0.10.2.dev20260603
libtpu: 0.0.44.dev20260713+nightly
codegen_flags: <defaults>
</compile_context>

<pallas_src>
import functools

import jax
import jax.numpy as jnp
from jax import lax
from jax.experimental import pallas as pl
from jax.experimental.pallas import tpu as pltpu
from jax.experimental.pallas import tpu_sc as plsc

N = 10000
E = 320000
D = 128

NC = 2
NS = 16
NW = NC * NS
CHUNK = 128
EPW = E // NW
NFULL = EPW // CHUNK
TAIL = EPW - NFULL * CHUNK
NCHUNK = 80
E_PAD = CHUNK * NCHUNK * NW
N_PAD = 10240
ROWS_PER_TILE = N_PAD // NS
RB = ROWS_PER_TILE // CHUNK


_MESH = plsc.VectorSubcoreMesh(core_axis_name="c", subcore_axis_name="s")


def _make_agg():
    scratch = [
        pltpu.VMEM((EPW,), jnp.int32),
        pltpu.VMEM((CHUNK,), jnp.int32),
        pltpu.VMEM((CHUNK,), jnp.int32),
        pltpu.VMEM((CHUNK, D), jnp.float32),
        pltpu.VMEM((CHUNK, D), jnp.float32),
        pltpu.VMEM((TAIL, D), jnp.float32),
        pltpu.VMEM((TAIL,), jnp.int32),
        pltpu.VMEM_SHARED((N_PAD, D), jnp.float32),
        pltpu.SemaphoreType.DMA,
        pltpu.SemaphoreType.DMA,
        pltpu.SemaphoreType.DMA,
        pltpu.SemaphoreType.DMA,
        pltpu.SemaphoreType.DMA,
        pltpu.SemaphoreType.DMA,
    ]

    def body(h_hbm, src_hbm, dst_hbm, out_hbm, src_v, dst0, dst1,
             rows0, rows1, rows_t, dst_t, acc, g0, g1, d0, d1, s0, s1):
        c = lax.axis_index("c")
        s = lax.axis_index("s")
        wid = s * NC + c
        e0 = wid * EPW

        zv = jnp.zeros((16,), jnp.float32)
        def fill_body(i, _):
            r = i // 8
            cc = (i % 8) * 16
            rows0[r, pl.ds(cc, 16)] = zv
            return 0
        lax.fori_loop(0, CHUNK * 8, fill_body, 0)

        pltpu.sync_copy(src_hbm.at[pl.ds(e0, EPW)], src_v)

        def zero_body(j, _):
            r0 = s * ROWS_PER_TILE + j * CHUNK
            pltpu.sync_copy(rows0, acc.at[pl.ds(r0, CHUNK)])
            return 0
        lax.fori_loop(0, RB, zero_body, 0)
        plsc.subcore_barrier()

        def sidx(j):
            return src_v.at[pl.ds(j * CHUNK, CHUNK)]

        def issue_g(b_rows, b_sem, j):
            pltpu.async_copy(h_hbm.at[sidx(j)], b_rows, b_sem)

        def wait_g(b_rows, b_sem, j):
            pltpu.make_async_copy(h_hbm.at[sidx(j)], b_rows, b_sem).wait()

        def issue_d(b_dst, b_sem, j):
            pltpu.async_copy(dst_hbm.at[pl.ds(e0 + j * CHUNK, CHUNK)],
                             b_dst, b_sem)

        def wait_d(b_dst, b_sem, j):
            pltpu.make_async_copy(dst_hbm.at[pl.ds(e0 + j * CHUNK, CHUNK)],
                                  b_dst, b_sem).wait()

        def wait_s(b_rows, b_dst, b_sem):
            pltpu.make_async_copy(b_rows, acc.at[b_dst], b_sem).wait()

        issue_g(rows0, g0, 0)
        issue_d(dst0, d0, 0)
        wait_g(rows0, g0, 0)
        wait_d(dst0, d0, 0)
        pltpu.async_copy(rows0, acc.at[dst0], s0, add=True)
        issue_g(rows1, g1, 1)
        issue_d(dst1, d1, 1)

        def pair_body(jp, _):
            j = 2 * jp + 1
            wait_g(rows1, g1, j)
            wait_d(dst1, d1, j)
            pltpu.async_copy(rows1, acc.at[dst1], s1, add=True)
            wait_s(rows0, dst0, s0)
            issue_g(rows0, g0, j + 1)
            issue_d(dst0, d0, j + 1)
            wait_g(rows0, g0, j + 1)
            wait_d(dst0, d0, j + 1)
            pltpu.async_copy(rows0, acc.at[dst0], s0, add=True)
            wait_s(rows1, dst1, s1)
            issue_g(rows1, g1, j + 2)
            issue_d(dst1, d1, j + 2)
            return 0
        lax.fori_loop(0, NFULL // 2 - 1, pair_body, 0)

        jl = NFULL - 1
        wait_g(rows1, g1, jl)
        wait_d(dst1, d1, jl)
        pltpu.async_copy(rows1, acc.at[dst1], s1, add=True)
        t0 = NFULL * CHUNK
        pltpu.async_copy(h_hbm.at[src_v.at[pl.ds(t0, TAIL)]], rows_t, g0)
        pltpu.async_copy(dst_hbm.at[pl.ds(e0 + t0, TAIL)], dst_t, d0)
        pltpu.make_async_copy(h_hbm.at[src_v.at[pl.ds(t0, TAIL)]], rows_t,
                              g0).wait()
        pltpu.make_async_copy(dst_hbm.at[pl.ds(e0 + t0, TAIL)], dst_t,
                              d0).wait()
        pltpu.sync_copy(rows_t, acc.at[dst_t], add=True)
        wait_s(rows0, dst0, s0)
        wait_s(rows1, dst1, s1)
        plsc.subcore_barrier()

        def rb_body(j, _):
            r0 = s * ROWS_PER_TILE + j * CHUNK
            pltpu.sync_copy(acc.at[pl.ds(r0, CHUNK)],
                            out_hbm.at[pl.ds(c * N_PAD + r0, CHUNK)])
            return 0
        lax.fori_loop(0, RB, rb_body, 0)

    return pl.kernel(body, mesh=_MESH,
                     out_type=jax.ShapeDtypeStruct((NC * N_PAD, D),
                                                   jnp.float32),
                     scratch_types=scratch)


def _make_cnt():
    scratch = [
        pltpu.VMEM((NCHUNK, CHUNK), jnp.int32),
        pltpu.VMEM((CHUNK,), jnp.float32),
        pltpu.VMEM((CHUNK,), jnp.float32),
        pltpu.VMEM_SHARED((N_PAD,), jnp.float32),
    ]

    def body(dst_hbm, cnt_hbm, dst_v, ones_v, z_v, cnt_acc):
        c = lax.axis_index("c")
        s = lax.axis_index("s")
        wid = s * NC + c

        zv = jnp.zeros((16,), jnp.float32)
        ov = jnp.ones((16,), jnp.float32)
        def fill_body(i, _):
            ones_v[pl.ds(i * 16, 16)] = ov
            z_v[pl.ds(i * 16, 16)] = zv
            return 0
        lax.fori_loop(0, CHUNK // 16, fill_body, 0)

        pltpu.sync_copy(dst_hbm.at[pl.ds(wid * NCHUNK, NCHUNK)], dst_v)

        def zero_body(j, _):
            r0 = s * ROWS_PER_TILE + j * CHUNK
            pltpu.sync_copy(z_v, cnt_acc.at[pl.ds(r0, CHUNK)])
            return 0
        lax.fori_loop(0, RB, zero_body, 0)
        plsc.subcore_barrier()

        def edge_body(j, _):
            pltpu.sync_copy(ones_v, cnt_acc.at[dst_v.at[j]], add=True)
            return 0
        lax.fori_loop(0, NCHUNK, edge_body, 0)
        plsc.subcore_barrier()

        def rb_body(j, _):
            r0 = s * ROWS_PER_TILE + j * CHUNK
            pltpu.sync_copy(cnt_acc.at[pl.ds(r0, CHUNK)],
                            cnt_hbm.at[pl.ds(c * N_PAD + r0, CHUNK)])
            return 0
        lax.fori_loop(0, RB, rb_body, 0)

    return pl.kernel(body, mesh=_MESH,
                     out_type=jax.ShapeDtypeStruct((NC * N_PAD,),
                                                   jnp.float32),
                     scratch_types=scratch)


_agg = _make_agg()
_cnt = _make_cnt()


def _tc_self(h, Ws, b):
    B = 2048

    def body(h_ref, ws_ref, b_ref, o_ref):
        acc = jnp.dot(h_ref[...], ws_ref[...],
                      preferred_element_type=jnp.float32)
        o_ref[...] = acc + b_ref[...]

    return pl.pallas_call(
        body,
        grid=(N_PAD // B,),
        in_specs=[
            pl.BlockSpec((B, D), lambda i: (i, 0)),
            pl.BlockSpec((D, D), lambda i: (0, 0)),
            pl.BlockSpec((1, D), lambda i: (0, 0)),
        ],
        out_specs=pl.BlockSpec((B, D), lambda i: (i, 0)),
        out_shape=jax.ShapeDtypeStruct((N_PAD, D), jnp.float32),
    )(h, Ws, b.reshape(1, D))


def _tc_comb(p, cnt, sself, Wn, relu):
    B = 2048

    def body(p0_ref, p1_ref, c0_ref, c1_ref, s_ref, wn_ref, o_ref):
        cnt_col = c0_ref[...] + c1_ref[...]
        inv = 1.0 / jnp.maximum(cnt_col, 1.0)
        mean = (p0_ref[...] + p1_ref[...]) * inv
        acc = jnp.dot(mean, wn_ref[...], preferred_element_type=jnp.float32)
        acc = acc + s_ref[...]
        o_ref[...] = jnp.maximum(acc, 0.0) if relu else acc

    nb = N_PAD // B
    return pl.pallas_call(
        body,
        grid=(N_PAD // B,),
        in_specs=[
            pl.BlockSpec((B, D), lambda i: (i, 0)),
            pl.BlockSpec((B, D), lambda i, _nb=nb: (i + _nb, 0)),
            pl.BlockSpec((B, 1), lambda i: (i, 0)),
            pl.BlockSpec((B, 1), lambda i, _nb=nb: (i + _nb, 0)),
            pl.BlockSpec((B, D), lambda i: (i, 0)),
            pl.BlockSpec((D, D), lambda i: (0, 0)),
        ],
        out_specs=pl.BlockSpec((B, D), lambda i: (i, 0)),
        out_shape=jax.ShapeDtypeStruct((N_PAD, D), jnp.float32),
    )(p, p, cnt.reshape(NC * N_PAD, 1), cnt.reshape(NC * N_PAD, 1), sself,
      Wn)


def kernel(x, edge_index, Wn0, Ws0, b0, Wn1, Ws1, b1, Wn2, Ws2, b2):
    src = edge_index[0]
    dst = edge_index[1]
    pad = E_PAD - E
    pad_dst = N + jnp.arange(pad, dtype=jnp.int32) % (N_PAD - N)
    dst_p = jnp.concatenate([dst, pad_dst]).reshape(NW * NCHUNK, CHUNK)
    xp = jnp.pad(x, ((0, N_PAD - N), (0, 0)))

    cnt = _cnt(dst_p)
    s0 = _tc_self(xp, Ws0, b0)
    p = _agg(xp, src, dst)
    h1 = _tc_comb(p, cnt, s0, Wn0, True)
    s1 = _tc_self(h1, Ws1, b1)
    p = _agg(h1, src, dst)
    h2 = _tc_comb(p, cnt, s1, Wn1, True)
    s2 = _tc_self(h2, Ws2, b2)
    p = _agg(h2, src, dst)
    h3 = _tc_comb(p, cnt, s2, Wn2, False)
    return h3[:N]

# --- scband reference (transcript-rebuilt; emitter-appended) ---
"""Pipeline reference for scband-graph-sage-29669634081436 (READ-ONLY COPY).

The authoritative reference and input builder live on the scoring server;
editing this copy changes nothing except your own understanding.
"""

import jax, jax.numpy as jnp
import numpy as np

N = 10000
E = 320000
D = 128
H = 128
O = 128


def setup_inputs(seed: int = 0) -> dict:
    key = jax.random.key(seed)
    ks = jax.random.split(key, 12)
    x = jax.random.normal(ks[0], (N, D), dtype=jnp.float32)
    edge_index = jax.random.randint(ks[1], (2, E), 0, N, dtype=jnp.int32)
    s0 = 1.0 / np.sqrt(D)
    s1 = 1.0 / np.sqrt(H)
    Wn0 = jax.random.uniform(ks[2], (D, H), jnp.float32, -s0, s0)
    Ws0 = jax.random.uniform(ks[3], (D, H), jnp.float32, -s0, s0)
    b0 = jax.random.uniform(ks[4], (H,), jnp.float32, -s0, s0)
    Wn1 = jax.random.uniform(ks[5], (H, H), jnp.float32, -s1, s1)
    Ws1 = jax.random.uniform(ks[6], (H, H), jnp.float32, -s1, s1)
    b1 = jax.random.uniform(ks[7], (H,), jnp.float32, -s1, s1)
    Wn2 = jax.random.uniform(ks[8], (H, O), jnp.float32, -s1, s1)
    Ws2 = jax.random.uniform(ks[9], (H, O), jnp.float32, -s1, s1)
    b2 = jax.random.uniform(ks[10], (O,), jnp.float32, -s1, s1)
    return {"x": x, "edge_index": edge_index, "Wn0": Wn0, "Ws0": Ws0, "b0": b0,
            "Wn1": Wn1, "Ws1": Ws1, "b1": b1, "Wn2": Wn2, "Ws2": Ws2, "b2": b2}


def _sage_layer(h, src, dst, Wn, Ws, b):
    # mean aggregation over incoming edges (src -> dst)
    msgs = jnp.take(h, src, axis=0)
    summed = jax.ops.segment_sum(msgs, dst, num_segments=N)
    cnt = jax.ops.segment_sum(jnp.ones((src.shape[0],), h.dtype), dst, num_segments=N)
    mean = summed / jnp.maximum(cnt, 1.0)[:, None]
    # SAGEConv: lin on aggregated neighbors + lin on root (self)
    return mean @ Wn + h @ Ws + b


def reference(x, edge_index, Wn0, Ws0, b0, Wn1, Ws1, b1, Wn2, Ws2, b2):
    src = edge_index[0]
    dst = edge_index[1]
    h = _sage_layer(x, src, dst, Wn0, Ws0, b0)
    h = jax.nn.relu(h)  # dropout p=0.5 is identity in eval mode
    h = _sage_layer(h, src, dst, Wn1, Ws1, b1)
    h = jax.nn.relu(h)
    h = _sage_layer(h, src, dst, Wn2, Ws2, b2)
    return h

if __name__ == "__main__":
    import jax
    _d = setup_inputs()
    print(jax.jit(kernel)(*tuple(_d.values())))

</pallas_src>

<mosaic_0001>
#map = affine_map<(d0, d1) -> (0, 0)>
#map1 = affine_map<(d0, d1) -> (0)>
module attributes {stable_mosaic.version = 14 : i64} {
  func.func @body(%arg0: i32, %arg1: i32, %arg2: memref<10240x128xf32, #tpu.memory_space<hbm>>, %arg3: memref<320000xi32, #tpu.memory_space<hbm>>, %arg4: memref<320000xi32, #tpu.memory_space<hbm>>, %arg5: memref<20480x128xf32, #tpu.memory_space<hbm>>, %arg6: memref<10000xi32, #tpu.memory_space<vmem>>, %arg7: memref<128xi32, #tpu.memory_space<vmem>>, %arg8: memref<128xi32, #tpu.memory_space<vmem>>, %arg9: memref<128x128xf32, #tpu.memory_space<vmem>>, %arg10: memref<128x128xf32, #tpu.memory_space<vmem>>, %arg11: memref<16x128xf32, #tpu.memory_space<vmem>>, %arg12: memref<16xi32, #tpu.memory_space<vmem>>, %arg13: memref<10240x128xf32, #tpu.memory_space<vmem_shared>>, %arg14: memref<!tpu.dma_semaphore, #tpu.memory_space<semaphore_mem>>, %arg15: memref<!tpu.dma_semaphore, #tpu.memory_space<semaphore_mem>>, %arg16: memref<!tpu.dma_semaphore, #tpu.memory_space<semaphore_mem>>, %arg17: memref<!tpu.dma_semaphore, #tpu.memory_space<semaphore_mem>>, %arg18: memref<!tpu.dma_semaphore, #tpu.memory_space<semaphore_mem>>, %arg19: memref<!tpu.dma_semaphore, #tpu.memory_space<semaphore_mem>>) attributes {dimension_semantics = [#tpu.dimension_semantics<core_parallel>, #tpu.dimension_semantics<subcore_parallel>], iteration_bounds = array<i64: 2, 16>, scalar_prefetch = 0 : i64, scratch_operands = 14 : i64, tpu.core_type = #tpu.core_type<sc_vector_subcore>, window_params = [{transform_indices = #map}, {transform_indices = #map1}, {transform_indices = #map1}, {transform_indices = #map}]} {
    %mul3A = arith.constant 2 : i32
    %mul3A_0 = arith.muli %arg1, %mul3A : i32
    %add3A = arith.addi %mul3A_0, %arg0 : i32
    %mul3A_1 = arith.constant 10000 : i32
    %mul3A_2 = arith.muli %add3A, %mul3A_1 : i32
    %broadcast_in_dim3A = arith.constant 0.000000e+00 : f32
    %broadcast_in_dim3A_3 = vector.broadcast %broadcast_in_dim3A : f32 to vector<16xf32>
    %scan3A = arith.constant 0 : i32
    %scan3A_4 = arith.constant 0 : i32
    %scan3A_5 = arith.constant 1024 : i32
    %scan3A_6 = arith.addi %scan3A_4, %scan3A_5 : i32
    %scan3A_7 = arith.constant 1 : i32
    %scan3A_8 = scf.for %scan3A_96 = %scan3A_4 to %scan3A_6 step %scan3A_7 iter_args(%scan3A_97 = %scan3A) -> (i32)  : i32 {
      %jit3A = arith.constant 8 : i32
      %div3A = arith.divsi %scan3A_96, %jit3A : i32
      %sign3A = arith.constant 0 : i32
      %sign3A_98 = arith.cmpi sgt, %scan3A_96, %sign3A : i32
      %sign3A_99 = arith.extui %sign3A_98 : i1 to i32
      %sign3A_100 = arith.constant 0 : i32
      %sign3A_101 = arith.cmpi slt, %scan3A_96, %sign3A_100 : i32
      %sign3A_102 = arith.extui %sign3A_101 : i1 to i32
      %sign3A_103 = arith.subi %sign3A_99, %sign3A_102 : i32
      %sign3A_104 = arith.constant 0 : i32
      %sign3A_105 = arith.cmpi sgt, %jit3A, %sign3A_104 : i32
      %sign3A_106 = arith.extui %sign3A_105 : i1 to i32
      %sign3A_107 = arith.constant 0 : i32
      %sign3A_108 = arith.cmpi slt, %jit3A, %sign3A_107 : i32
      %sign3A_109 = arith.extui %sign3A_108 : i1 to i32
      %sign3A_110 = arith.subi %sign3A_106, %sign3A_109 : i32
      %ne3A = arith.cmpi ne, %sign3A_103, %sign3A_110 : i32
      %rem3A = arith.remsi %scan3A_96, %jit3A : i32
      %ne3A_111 = arith.constant 0 : i32
      %ne3A_112 = arith.cmpi ne, %rem3A, %ne3A_111 : i32
      %and3A = arith.andi %ne3A, %ne3A_112 : i1
      %sub3A = arith.constant 1 : i32
      %sub3A_113 = arith.subi %div3A, %sub3A : i32
      %select_n3A = arith.select %and3A, %sub3A_113, %div3A : i32
      %jit3A_114 = arith.constant 8 : i32
      %eq3A = arith.constant 0 : i32
      %eq3A_115 = arith.cmpi eq, %jit3A_114, %eq3A : i32
      %jit3A_116 = arith.constant 1 : i32
      %select_n3A_117 = arith.select %eq3A_115, %jit3A_116, %jit3A_114 : i32
      %rem3A_118 = arith.remsi %scan3A_96, %select_n3A_117 : i32
      %ne3A_119 = arith.constant 0 : i32
      %ne3A_120 = arith.cmpi ne, %rem3A_118, %ne3A_119 : i32
      %lt3A = arith.constant 0 : i32
      %lt3A_121 = arith.cmpi slt, %rem3A_118, %lt3A : i32
      %lt3A_122 = arith.constant 0 : i32
      %lt3A_123 = arith.cmpi slt, %select_n3A_117, %lt3A_122 : i32
      %ne3A_124 = arith.xori %lt3A_121, %lt3A_123 : i1
      %and3A_125 = arith.andi %ne3A_124, %ne3A_120 : i1
      %add3A_126 = arith.addi %rem3A_118, %select_n3A_117 : i32
      %select_n3A_127 = arith.select %and3A_125, %add3A_126, %rem3A_118 : i32
      %mul3A_128 = arith.constant 16 : i32
      %mul3A_129 = arith.muli %select_n3A_127, %mul3A_128 : i32
      %swap3A = arith.index_cast %select_n3A : i32 to index
      %swap3A_130 = arith.index_cast %mul3A_129 : i32 to index
      %swap3A_131 = tpu.vector_load %arg9[%swap3A, %swap3A_130] {strides = array<i32>} : memref<128x128xf32, #tpu.memory_space<vmem>>, vector<1x16xf32>,
      %swap3A_132 = vector.shape_cast %swap3A_131 : vector<1x16xf32> to vector<16xf32>
      %swap3A_133 = vector.shape_cast %broadcast_in_dim3A_3 : vector<16xf32> to vector<1x16xf32>
      tpu.vector_store %arg9[%swap3A, %swap3A_130], %swap3A_133 {strides = array<i32>} : memref<128x128xf32, #tpu.memory_space<vmem>>, vector<1x16xf32>,
      %scan3A_134 = arith.constant 0 : i32
      scf.yield %scan3A_134 : i32
    }
    %scan3A_9 = arith.constant 1024 : i32
    "tpu.region"() ({
      %run_scoped3A = tpu.sem_alloc : memref<!tpu.dma_semaphore, #tpu.memory_space<semaphore_mem>>
      %dma_start3A_96 = tpu.memref_slice %arg3[%mul3A_2] : memref<320000xi32, #tpu.memory_space<hbm>> -> memref<10000xi32, #tpu.memory_space<hbm>>
      %dma_start3A_97 = tpu.memref_slice %arg3[%mul3A_2] : memref<320000xi32, #tpu.memory_space<hbm>> -> memref<10000xi32, #tpu.memory_space<hbm>>
      tpu.enqueue_dma source(%dma_start3A_97 : memref<10000xi32, #tpu.memory_space<hbm>>) target(%arg6 : memref<10000xi32, #tpu.memory_space<vmem>>) target_semaphore(%run_scoped3A : memref<!tpu.dma_semaphore, #tpu.memory_space<semaphore_mem>>)
      %dma_wait3A_98 = tpu.memref_slice %arg3[%mul3A_2] : memref<320000xi32, #tpu.memory_space<hbm>> -> memref<10000xi32, #tpu.memory_space<hbm>>
      %dma_wait3A_99 = tpu.memref_slice %arg3[%mul3A_2] : memref<320000xi32, #tpu.memory_space<hbm>> -> memref<10000xi32, #tpu.memory_space<hbm>>
      tpu.wait_dma2 semaphore(%run_scoped3A : memref<!tpu.dma_semaphore, #tpu.memory_space<semaphore_mem>>) src(%dma_wait3A_99 : memref<10000xi32, #tpu.memory_space<hbm>>) dst(%arg6 : memref<10000xi32, #tpu.memory_space<vmem>>)
      tpu.yield
    }) : () -> ()
    %scan3A_10 = arith.constant 0 : i32
    %scan3A_11 = arith.constant 0 : i32
    %scan3A_12 = arith.constant 5 : i32
    %scan3A_13 = arith.addi %scan3A_11, %scan3A_12 : i32
    %scan3A_14 = arith.constant 1 : i32
    %scan3A_15 = scf.for %scan3A_96 = %scan3A_11 to %scan3A_13 step %scan3A_14 iter_args(%scan3A_97 = %scan3A_10) -> (i32)  : i32 {
      %mul3A_98 = arith.constant 640 : i32
      %mul3A_99 = arith.muli %arg1, %mul3A_98 : i32
      %mul3A_100 = arith.constant 128 : i32
      %mul3A_101 = arith.muli %scan3A_96, %mul3A_100 : i32
      %add3A_102 = arith.addi %mul3A_99, %mul3A_101 : i32
      "tpu.region"() ({
        %run_scoped3A = tpu.sem_alloc : memref<!tpu.dma_semaphore, #tpu.memory_space<semaphore_mem>>
        %dma_start3A_104 = arith.constant 0 : i32
        %dma_start3A_105 = tpu.memref_slice %arg13[%add3A_102, %dma_start3A_104] : memref<10240x128xf32, #tpu.memory_space<vmem_shared>> -> memref<128x128xf32, #tpu.memory_space<vmem_shared>>
        %dma_start3A_106 = arith.constant 0 : i32
        %dma_start3A_107 = tpu.memref_slice %arg13[%add3A_102, %dma_start3A_106] : memref<10240x128xf32, #tpu.memory_space<vmem_shared>> -> memref<128x128xf32, #tpu.memory_space<vmem_shared>>
        tpu.enqueue_dma source(%arg9 : memref<128x128xf32, #tpu.memory_space<vmem>>) target(%dma_start3A_107 : memref<128x128xf32, #tpu.memory_space<vmem_shared>>) target_semaphore(%run_scoped3A : memref<!tpu.dma_semaphore, #tpu.memory_space<semaphore_mem>>)
        %dma_wait3A_108 = arith.constant 0 : i32
        %dma_wait3A_109 = tpu.memref_slice %arg13[%add3A_102, %dma_wait3A_108] : memref<10240x128xf32, #tpu.memory_space<vmem_shared>> -> memref<128x128xf32, #tpu.memory_space<vmem_shared>>
        %dma_wait3A_110 = arith.constant 0 : i32
        %dma_wait3A_111 = tpu.memref_slice %arg13[%add3A_102, %dma_wait3A_110] : memref<10240x128xf32, #tpu.memory_space<vmem_shared>> -> memref<128x128xf32, #tpu.memory_space<vmem_shared>>
        tpu.wait_dma2 semaphore(%run_scoped3A : memref<!tpu.dma_semaphore, #tpu.memory_space<semaphore_mem>>) src(%arg9 : memref<128x128xf32, #tpu.memory_space<vmem>>) dst(%dma_wait3A_111 : memref<128x128xf32, #tpu.memory_space<vmem_shared>>)
        tpu.yield
      }) : () -> ()
      %scan3A_103 = arith.constant 0 : i32
      scf.yield %scan3A_103 : i32
    }
    %scan3A_16 = arith.constant 5 : i32
    %barrier3A = arith.constant 0 : index
    tpu.barrier barrier_id(%barrier3A)
    %dma_start3A = arith.constant 0 : i32
    %dma_start3A_17 = tpu.memref_slice %arg6[%dma_start3A] : memref<10000xi32, #tpu.memory_space<vmem>> -> memref<128xi32, #tpu.memory_space<vmem>>
    %dma_start3A_18 = arith.constant 0 : i32
    %dma_start3A_19 = arith.constant 0 : i32
    %dma_start3A_20 = tpu.memref_slice %arg2[%dma_start3A_18, %dma_start3A_19] : memref<10240x128xf32, #tpu.memory_space<hbm>> -> memref<10240x128xf32, #tpu.memory_space<hbm>>
    tpu.enqueue_indirect_dma source(%dma_start3A_20 : memref<10240x128xf32, #tpu.memory_space<hbm>>) target(%arg9 : memref<128x128xf32, #tpu.memory_space<vmem>>) offsets(%dma_start3A_17 : memref<128xi32, #tpu.memory_space<vmem>>) semaphore(%arg14 : memref<!tpu.dma_semaphore, #tpu.memory_space<semaphore_mem>>)
    %add3A_21 = arith.constant 0 : i32
    %add3A_22 = arith.addi %mul3A_2, %add3A_21 : i32
    %dma_start3A_23 = tpu.memref_slice %arg4[%add3A_22] : memref<320000xi32, #tpu.memory_space<hbm>> -> memref<128xi32, #tpu.memory_space<hbm>>
    %dma_start3A_24 = tpu.memref_slice %arg4[%add3A_22] : memref<320000xi32, #tpu.memory_space<hbm>> -> memref<128xi32, #tpu.memory_space<hbm>>
    tpu.enqueue_dma source(%dma_start3A_24 : memref<128xi32, #tpu.memory_space<hbm>>) target(%arg7 : memref<128xi32, #tpu.memory_space<vmem>>) target_semaphore(%arg16 : memref<!tpu.dma_semaphore, #tpu.memory_space<semaphore_mem>>)
    %dma_wait3A = arith.constant 0 : i32
    %dma_wait3A_25 = tpu.memref_slice %arg6[%dma_wait3A] : memref<10000xi32, #tpu.memory_space<vmem>> -> memref<128xi32, #tpu.memory_space<vmem>>
    %dma_wait3A_26 = arith.constant 0 : i32
    %dma_wait3A_27 = arith.constant 0 : i32
    %dma_wait3A_28 = tpu.memref_slice %arg2[%dma_wait3A_26, %dma_wait3A_27] : memref<10240x128xf32, #tpu.memory_space<hbm>> -> memref<10240x128xf32, #tpu.memory_space<hbm>>
    tpu.wait_indirect_dma semaphore(%arg14 : memref<!tpu.dma_semaphore, #tpu.memory_space<semaphore_mem>>) src(%dma_wait3A_28 : memref<10240x128xf32, #tpu.memory_space<hbm>>) dst(%arg9 : memref<128x128xf32, #tpu.memory_space<vmem>>)
    %add3A_29 = arith.constant 0 : i32
    %add3A_30 = arith.addi %mul3A_2, %add3A_29 : i32
    %dma_wait3A_31 = tpu.memref_slice %arg4[%add3A_30] : memref<320000xi32, #tpu.memory_space<hbm>> -> memref<128xi32, #tpu.memory_space<hbm>>
    %dma_wait3A_32 = tpu.memref_slice %arg4[%add3A_30] : memref<320000xi32, #tpu.memory_space<hbm>> -> memref<128xi32, #tpu.memory_space<hbm>>
    tpu.wait_dma2 semaphore(%arg16 : memref<!tpu.dma_semaphore, #tpu.memory_space<semaphore_mem>>) src(%dma_wait3A_32 : memref<128xi32, #tpu.memory_space<hbm>>) dst(%arg7 : memref<128xi32, #tpu.memory_space<vmem>>)
    %dma_start3A_33 = arith.constant 0 : i32
    %dma_start3A_34 = arith.constant 0 : i32
    %dma_start3A_35 = tpu.memref_slice %arg13[%dma_start3A_33, %dma_start3A_34] : memref<10240x128xf32, #tpu.memory_space<vmem_shared>> -> memref<10240x128xf32, #tpu.memory_space<vmem_shared>>
    tpu.enqueue_indirect_dma source(%arg9 : memref<128x128xf32, #tpu.memory_space<vmem>>) target(%dma_start3A_35 : memref<10240x128xf32, #tpu.memory_space<vmem_shared>>) offsets(%arg7 : memref<128xi32, #tpu.memory_space<vmem>>) semaphore(%arg18 : memref<!tpu.dma_semaphore, #tpu.memory_space<semaphore_mem>>) {add = true}
    %dma_start3A_36 = arith.constant 128 : i32
    %dma_start3A_37 = tpu.memref_slice %arg6[%dma_start3A_36] : memref<10000xi32, #tpu.memory_space<vmem>> -> memref<128xi32, #tpu.memory_space<vmem>>
    %dma_start3A_38 = arith.constant 0 : i32
    %dma_start3A_39 = arith.constant 0 : i32
    %dma_start3A_40 = tpu.memref_slice %arg2[%dma_start3A_38, %dma_start3A_39] : memref<10240x128xf32, #tpu.memory_space<hbm>> -> memref<10240x128xf32, #tpu.memory_space<hbm>>
    tpu.enqueue_indirect_dma source(%dma_start3A_40 : memref<10240x128xf32, #tpu.memory_space<hbm>>) target(%arg10 : memref<128x128xf32, #tpu.memory_space<vmem>>) offsets(%dma_start3A_37 : memref<128xi32, #tpu.memory_space<vmem>>) semaphore(%arg15 : memref<!tpu.dma_semaphore, #tpu.memory_space<semaphore_mem>>)
    %add3A_41 = arith.constant 128 : i32
    %add3A_42 = arith.addi %mul3A_2, %add3A_41 : i32
    %dma_start3A_43 = tpu.memref_slice %arg4[%add3A_42] : memref<320000xi32, #tpu.memory_space<hbm>> -> memref<128xi32, #tpu.memory_space<hbm>>
    %dma_start3A_44 = tpu.memref_slice %arg4[%add3A_42] : memref<320000xi32, #tpu.memory_space<hbm>> -> memref<128xi32, #tpu.memory_space<hbm>>
    tpu.enqueue_dma source(%dma_start3A_44 : memref<128xi32, #tpu.memory_space<hbm>>) target(%arg8 : memref<128xi32, #tpu.memory_space<vmem>>) target_semaphore(%arg17 : memref<!tpu.dma_semaphore, #tpu.memory_space<semaphore_mem>>)
    %scan3A_45 = arith.constant 0 : i32
    %scan3A_46 = arith.constant 0 : i32
    %scan3A_47 = arith.constant 38 : i32
    %scan3A_48 = arith.addi %scan3A_46, %scan3A_47 : i32
    %scan3A_49 = arith.constant 1 : i32
    %scan3A_50 = scf.for %scan3A_96 = %scan3A_46 to %scan3A_48 step %scan3A_49 iter_args(%scan3A_97 = %scan3A_45) -> (i32)  : i32 {
      %mul3A_98 = arith.constant 2 : i32
      %mul3A_99 = arith.muli %mul3A_98, %scan3A_96 : i32
      %add3A_100 = arith.constant 1 : i32
      %add3A_101 = arith.addi %mul3A_99, %add3A_100 : i32
      %mul3A_102 = arith.constant 128 : i32
      %mul3A_103 = arith.muli %add3A_101, %mul3A_102 : i32
      %dma_wait3A_104 = tpu.memref_slice %arg6[%mul3A_103] : memref<10000xi32, #tpu.memory_space<vmem>> -> memref<128xi32, #tpu.memory_space<vmem>>
      %dma_wait3A_105 = arith.constant 0 : i32
      %dma_wait3A_106 = arith.constant 0 : i32
      %dma_wait3A_107 = tpu.memref_slice %arg2[%dma_wait3A_105, %dma_wait3A_106] : memref<10240x128xf32, #tpu.memory_space<hbm>> -> memref<10240x128xf32, #tpu.memory_space<hbm>>
      tpu.wait_indirect_dma semaphore(%arg15 : memref<!tpu.dma_semaphore, #tpu.memory_space<semaphore_mem>>) src(%dma_wait3A_107 : memref<10240x128xf32, #tpu.memory_space<hbm>>) dst(%arg10 : memref<128x128xf32, #tpu.memory_space<vmem>>)
      %mul3A_108 = arith.constant 128 : i32
      %mul3A_109 = arith.muli %add3A_101, %mul3A_108 : i32
      %add3A_110 = arith.addi %mul3A_2, %mul3A_109 : i32
      %dma_wait3A_111 = tpu.memref_slice %arg4[%add3A_110] : memref<320000xi32, #tpu.memory_space<hbm>> -> memref<128xi32, #tpu.memory_space<hbm>>
      %dma_wait3A_112 = tpu.memref_slice %arg4[%add3A_110] : memref<320000xi32, #tpu.memory_space<hbm>> -> memref<128xi32, #tpu.memory_space<hbm>>
      tpu.wait_dma2 semaphore(%arg17 : memref<!tpu.dma_semaphore, #tpu.memory_space<semaphore_mem>>) src(%dma_wait3A_112 : memref<128xi32, #tpu.memory_space<hbm>>) dst(%arg8 : memref<128xi32, #tpu.memory_space<vmem>>)
      %dma_start3A_113 = arith.constant 0 : i32
      %dma_start3A_114 = arith.constant 0 : i32
      %dma_start3A_115 = tpu.memref_slice %arg13[%dma_start3A_113, %dma_start3A_114] : memref<10240x128xf32, #tpu.memory_space<vmem_shared>> -> memref<10240x128xf32, #tpu.memory_space<vmem_shared>>
      tpu.enqueue_indirect_dma source(%arg10 : memref<128x128xf32, #tpu.memory_space<vmem>>) target(%dma_start3A_115 : memref<10240x128xf32, #tpu.memory_space<vmem_shared>>) offsets(%arg8 : memref<128xi32, #tpu.memory_space<vmem>>) semaphore(%arg19 : memref<!tpu.dma_semaphore, #tpu.memory_space<semaphore_mem>>) {add = true}
      %dma_wait3A_116 = arith.constant 0 : i32
      %dma_wait3A_117 = arith.constant 0 : i32
      %dma_wait3A_118 = tpu.memref_slice %arg13[%dma_wait3A_116, %dma_wait3A_117] : memref<10240x128xf32, #tpu.memory_space<vmem_shared>> -> memref<10240x128xf32, #tpu.memory_space<vmem_shared>>
      tpu.wait_indirect_dma semaphore(%arg18 : memref<!tpu.dma_semaphore, #tpu.memory_space<semaphore_mem>>) src(%arg9 : memref<128x128xf32, #tpu.memory_space<vmem>>) dst(%dma_wait3A_118 : memref<10240x128xf32, #tpu.memory_space<vmem_shared>>)
      %add3A_119 = arith.constant 1 : i32
      %add3A_120 = arith.addi %add3A_101, %add3A_119 : i32
      %mul3A_121 = arith.constant 128 : i32
      %mul3A_122 = arith.muli %add3A_120, %mul3A_121 : i32
      %dma_start3A_123 = tpu.memref_slice %arg6[%mul3A_122] : memref<10000xi32, #tpu.memory_space<vmem>> -> memref<128xi32, #tpu.memory_space<vmem>>
      %dma_start3A_124 = arith.constant 0 : i32
      %dma_start3A_125 = arith.constant 0 : i32
      %dma_start3A_126 = tpu.memref_slice %arg2[%dma_start3A_124, %dma_start3A_125] : memref<10240x128xf32, #tpu.memory_space<hbm>> -> memref<10240x128xf32, #tpu.memory_space<hbm>>
      tpu.enqueue_indirect_dma source(%dma_start3A_126 : memref<10240x128xf32, #tpu.memory_space<hbm>>) target(%arg9 : memref<128x128xf32, #tpu.memory_space<vmem>>) offsets(%dma_start3A_123 : memref<128xi32, #tpu.memory_space<vmem>>) semaphore(%arg14 : memref<!tpu.dma_semaphore, #tpu.memory_space<semaphore_mem>>)
      %add3A_127 = arith.constant 1 : i32
      %add3A_128 = arith.addi %add3A_101, %add3A_127 : i32
      %mul3A_129 = arith.constant 128 : i32
      %mul3A_130 = arith.muli %add3A_128, %mul3A_129 : i32
      %add3A_131 = arith.addi %mul3A_2, %mul3A_130 : i32
      %dma_start3A_132 = tpu.memref_slice %arg4[%add3A_131] : memref<320000xi32, #tpu.memory_space<hbm>> -> memref<128xi32, #tpu.memory_space<hbm>>
      %dma_start3A_133 = tpu.memref_slice %arg4[%add3A_131] : memref<320000xi32, #tpu.memory_space<hbm>> -> memref<128xi32, #tpu.memory_space<hbm>>
      tpu.enqueue_dma source(%dma_start3A_133 : memref<128xi32, #tpu.memory_space<hbm>>) target(%arg7 : memref<128xi32, #tpu.memory_space<vmem>>) target_semaphore(%arg16 : memref<!tpu.dma_semaphore, #tpu.memory_space<semaphore_mem>>)
      %add3A_134 = arith.constant 1 : i32
      %add3A_135 = arith.addi %add3A_101, %add3A_134 : i32
      %mul3A_136 = arith.constant 128 : i32
      %mul3A_137 = arith.muli %add3A_135, %mul3A_136 : i32
      %dma_wait3A_138 = tpu.memref_slice %arg6[%mul3A_137] : memref<10000xi32, #tpu.memory_space<vmem>> -> memref<128xi32, #tpu.memory_space<vmem>>
      %dma_wait3A_139 = arith.constant 0 : i32
      %dma_wait3A_140 = arith.constant 0 : i32
      %dma_wait3A_141 = tpu.memref_slice %arg2[%dma_wait3A_139, %dma_wait3A_140] : memref<10240x128xf32, #tpu.memory_space<hbm>> -> memref<10240x128xf32, #tpu.memory_space<hbm>>
      tpu.wait_indirect_dma semaphore(%arg14 : memref<!tpu.dma_semaphore, #tpu.memory_space<semaphore_mem>>) src(%dma_wait3A_141 : memref<10240x128xf32, #tpu.memory_space<hbm>>) dst(%arg9 : memref<128x128xf32, #tpu.memory_space<vmem>>)
      %add3A_142 = arith.constant 1 : i32
      %add3A_143 = arith.addi %add3A_101, %add3A_142 : i32
      %mul3A_144 = arith.constant 128 : i32
      %mul3A_145 = arith.muli %add3A_143, %mul3A_144 : i32
      %add3A_146 = arith.addi %mul3A_2, %mul3A_145 : i32
      %dma_wait3A_147 = tpu.memref_slice %arg4[%add3A_146] : memref<320000xi32, #tpu.memory_space<hbm>> -> memref<128xi32, #tpu.memory_space<hbm>>
      %dma_wait3A_148 = tpu.memref_slice %arg4[%add3A_146] : memref<320000xi32, #tpu.memory_space<hbm>> -> memref<128xi32, #tpu.memory_space<hbm>>
      tpu.wait_dma2 semaphore(%arg16 : memref<!tpu.dma_semaphore, #tpu.memory_space<semaphore_mem>>) src(%dma_wait3A_148 : memref<128xi32, #tpu.memory_space<hbm>>) dst(%arg7 : memref<128xi32, #tpu.memory_space<vmem>>)
      %dma_start3A_149 = arith.constant 0 : i32
      %dma_start3A_150 = arith.constant 0 : i32
      %dma_start3A_151 = tpu.memref_slice %arg13[%dma_start3A_149, %dma_start3A_150] : memref<10240x128xf32, #tpu.memory_space<vmem_shared>> -> memref<10240x128xf32, #tpu.memory_space<vmem_shared>>
      tpu.enqueue_indirect_dma source(%arg9 : memref<128x128xf32, #tpu.memory_space<vmem>>) target(%dma_start3A_151 : memref<10240x128xf32, #tpu.memory_space<vmem_shared>>) offsets(%arg7 : memref<128xi32, #tpu.memory_space<vmem>>) semaphore(%arg18 : memref<!tpu.dma_semaphore, #tpu.memory_space<semaphore_mem>>) {add = true}
      %dma_wait3A_152 = arith.constant 0 : i32
      %dma_wait3A_153 = arith.constant 0 : i32
      %dma_wait3A_154 = tpu.memref_slice %arg13[%dma_wait3A_152, %dma_wait3A_153] : memref<10240x128xf32, #tpu.memory_space<vmem_shared>> -> memref<10240x128xf32, #tpu.memory_space<vmem_shared>>
      tpu.wait_indirect_dma semaphore(%arg19 : memref<!tpu.dma_semaphore, #tpu.memory_space<semaphore_mem>>) src(%arg10 : memref<128x128xf32, #tpu.memory_space<vmem>>) dst(%dma_wait3A_154 : memref<10240x128xf32, #tpu.memory_space<vmem_shared>>)
      %add3A_155 = arith.constant 2 : i32
      %add3A_156 = arith.addi %add3A_101, %add3A_155 : i32
      %mul3A_157 = arith.constant 128 : i32
      %mul3A_158 = arith.muli %add3A_156, %mul3A_157 : i32
      %dma_start3A_159 = tpu.memref_slice %arg6[%mul3A_158] : memref<10000xi32, #tpu.memory_space<vmem>> -> memref<128xi32, #tpu.memory_space<vmem>>
      %dma_start3A_160 = arith.constant 0 : i32
      %dma_start3A_161 = arith.constant 0 : i32
      %dma_start3A_162 = tpu.memref_slice %arg2[%dma_start3A_160, %dma_start3A_161] : memref<10240x128xf32, #tpu.memory_space<hbm>> -> memref<10240x128xf32, #tpu.memory_space<hbm>>
      tpu.enqueue_indirect_dma source(%dma_start3A_162 : memref<10240x128xf32, #tpu.memory_space<hbm>>) target(%arg10 : memref<128x128xf32, #tpu.memory_space<vmem>>) offsets(%dma_start3A_159 : memref<128xi32, #tpu.memory_space<vmem>>) semaphore(%arg15 : memref<!tpu.dma_semaphore, #tpu.memory_space<semaphore_mem>>)
      %add3A_163 = arith.constant 2 : i32
      %add3A_164 = arith.addi %add3A_101, %add3A_163 : i32
      %mul3A_165 = arith.constant 128 : i32
      %mul3A_166 = arith.muli %add3A_164, %mul3A_165 : i32
      %add3A_167 = arith.addi %mul3A_2, %mul3A_166 : i32
      %dma_start3A_168 = tpu.memref_slice %arg4[%add3A_167] : memref<320000xi32, #tpu.memory_space<hbm>> -> memref<128xi32, #tpu.memory_space<hbm>>
      %dma_start3A_169 = tpu.memref_slice %arg4[%add3A_167] : memref<320000xi32, #tpu.memory_space<hbm>> -> memref<128xi32, #tpu.memory_space<hbm>>
      tpu.enqueue_dma source(%dma_start3A_169 : memref<128xi32, #tpu.memory_space<hbm>>) target(%arg8 : memref<128xi32, #tpu.memory_space<vmem>>) target_semaphore(%arg17 : memref<!tpu.dma_semaphore, #tpu.memory_space<semaphore_mem>>)
      %scan3A_170 = arith.constant 0 : i32
      scf.yield %scan3A_170 : i32
    }
    %scan3A_51 = arith.constant 38 : i32
    %dma_wait3A_52 = arith.constant 9856 : i32
    %dma_wait3A_53 = tpu.memref_slice %arg6[%dma_wait3A_52] : memref<10000xi32, #tpu.memory_space<vmem>> -> memref<128xi32, #tpu.memory_space<vmem>>
    %dma_wait3A_54 = arith.constant 0 : i32
    %dma_wait3A_55 = arith.constant 0 : i32
    %dma_wait3A_56 = tpu.memref_slice %arg2[%dma_wait3A_54, %dma_wait3A_55] : memref<10240x128xf32, #tpu.memory_space<hbm>> -> memref<10240x128xf32, #tpu.memory_space<hbm>>
    tpu.wait_indirect_dma semaphore(%arg15 : memref<!tpu.dma_semaphore, #tpu.memory_space<semaphore_mem>>) src(%dma_wait3A_56 : memref<10240x128xf32, #tpu.memory_space<hbm>>) dst(%arg10 : memref<128x128xf32, #tpu.memory_space<vmem>>)
    %add3A_57 = arith.constant 9856 : i32
    %add3A_58 = arith.addi %mul3A_2, %add3A_57 : i32
    %dma_wait3A_59 = tpu.memref_slice %arg4[%add3A_58] : memref<320000xi32, #tpu.memory_space<hbm>> -> memref<128xi32, #tpu.memory_space<hbm>>
    %dma_wait3A_60 = tpu.memref_slice %arg4[%add3A_58] : memref<320000xi32, #tpu.memory_space<hbm>> -> memref<128xi32, #tpu.memory_space<hbm>>
    tpu.wait_dma2 semaphore(%arg17 : memref<!tpu.dma_semaphore, #tpu.memory_space<semaphore_mem>>) src(%dma_wait3A_60 : memref<128xi32, #tpu.memory_space<hbm>>) dst(%arg8 : memref<128xi32, #tpu.memory_space<vmem>>)
    %dma_start3A_61 = arith.constant 0 : i32
    %dma_start3A_62 = arith.constant 0 : i32
    %dma_start3A_63 = tpu.memref_slice %arg13[%dma_start3A_61, %dma_start3A_62] : memref<10240x128xf32, #tpu.memory_space<vmem_shared>> -> memref<10240x128xf32, #tpu.memory_space<vmem_shared>>
    tpu.enqueue_indirect_dma source(%arg10 : memref<128x128xf32, #tpu.memory_space<vmem>>) target(%dma_start3A_63 : memref<10240x128xf32, #tpu.memory_space<vmem_shared>>) offsets(%arg8 : memref<128xi32, #tpu.memory_space<vmem>>) semaphore(%arg19 : memref<!tpu.dma_semaphore, #tpu.memory_space<semaphore_mem>>) {add = true}
    %dma_start3A_64 = arith.constant 9984 : i32
    %dma_start3A_65 = tpu.memref_slice %arg6[%dma_start3A_64] : memref<10000xi32, #tpu.memory_space<vmem>> -> memref<16xi32, #tpu.memory_space<vmem>>
    %dma_start3A_66 = arith.constant 0 : i32
    %dma_start3A_67 = arith.constant 0 : i32
    %dma_start3A_68 = tpu.memref_slice %arg2[%dma_start3A_66, %dma_start3A_67] : memref<10240x128xf32, #tpu.memory_space<hbm>> -> memref<10240x128xf32, #tpu.memory_space<hbm>>
    tpu.enqueue_indirect_dma source(%dma_start3A_68 : memref<10240x128xf32, #tpu.memory_space<hbm>>) target(%arg11 : memref<16x128xf32, #tpu.memory_space<vmem>>) offsets(%dma_start3A_65 : memref<16xi32, #tpu.memory_space<vmem>>) semaphore(%arg14 : memref<!tpu.dma_semaphore, #tpu.memory_space<semaphore_mem>>)
    %add3A_69 = arith.constant 9984 : i32
    %add3A_70 = arith.addi %mul3A_2, %add3A_69 : i32
    %dma_start3A_71 = tpu.memref_slice %arg4[%add3A_70] : memref<320000xi32, #tpu.memory_space<hbm>> -> memref<16xi32, #tpu.memory_space<hbm>>
    %dma_start3A_72 = tpu.memref_slice %arg4[%add3A_70] : memref<320000xi32, #tpu.memory_space<hbm>> -> memref<16xi32, #tpu.memory_space<hbm>>
    tpu.enqueue_dma source(%dma_start3A_72 : memref<16xi32, #tpu.memory_space<hbm>>) target(%arg12 : memref<16xi32, #tpu.memory_space<vmem>>) target_semaphore(%arg16 : memref<!tpu.dma_semaphore, #tpu.memory_space<semaphore_mem>>)
    %dma_wait3A_73 = arith.constant 9984 : i32
    %dma_wait3A_74 = tpu.memref_slice %arg6[%dma_wait3A_73] : memref<10000xi32, #tpu.memory_space<vmem>> -> memref<16xi32, #tpu.memory_space<vmem>>
    %dma_wait3A_75 = arith.constant 0 : i32
    %dma_wait3A_76 = arith.constant 0 : i32
    %dma_wait3A_77 = tpu.memref_slice %arg2[%dma_wait3A_75, %dma_wait3A_76] : memref<10240x128xf32, #tpu.memory_space<hbm>> -> memref<10240x128xf32, #tpu.memory_space<hbm>>
    tpu.wait_indirect_dma semaphore(%arg14 : memref<!tpu.dma_semaphore, #tpu.memory_space<semaphore_mem>>) src(%dma_wait3A_77 : memref<10240x128xf32, #tpu.memory_space<hbm>>) dst(%arg11 : memref<16x128xf32, #tpu.memory_space<vmem>>)
    %add3A_78 = arith.constant 9984 : i32
    %add3A_79 = arith.addi %mul3A_2, %add3A_78 : i32
    %dma_wait3A_80 = tpu.memref_slice %arg4[%add3A_79] : memref<320000xi32, #tpu.memory_space<hbm>> -> memref<16xi32, #tpu.memory_space<hbm>>
    %dma_wait3A_81 = tpu.memref_slice %arg4[%add3A_79] : memref<320000xi32, #tpu.memory_space<hbm>> -> memref<16xi32, #tpu.memory_space<hbm>>
    tpu.wait_dma2 semaphore(%arg16 : memref<!tpu.dma_semaphore, #tpu.memory_space<semaphore_mem>>) src(%dma_wait3A_81 : memref<16xi32, #tpu.memory_space<hbm>>) dst(%arg12 : memref<16xi32, #tpu.memory_space<vmem>>)
    "tpu.region"() ({
      %run_scoped3A = tpu.sem_alloc : memref<!tpu.dma_semaphore, #tpu.memory_space<semaphore_mem>>
      %dma_start3A_96 = arith.constant 0 : i32
      %dma_start3A_97 = arith.constant 0 : i32
      %dma_start3A_98 = tpu.memref_slice %arg13[%dma_start3A_96, %dma_start3A_97] : memref<10240x128xf32, #tpu.memory_space<vmem_shared>> -> memref<10240x128xf32, #tpu.memory_space<vmem_shared>>
      tpu.enqueue_indirect_dma source(%arg11 : memref<16x128xf32, #tpu.memory_space<vmem>>) target(%dma_start3A_98 : memref<10240x128xf32, #tpu.memory_space<vmem_shared>>) offsets(%arg12 : memref<16xi32, #tpu.memory_space<vmem>>) semaphore(%run_scoped3A : memref<!tpu.dma_semaphore, #tpu.memory_space<semaphore_mem>>) {add = true}
      %dma_wait3A_99 = arith.constant 0 : i32
      %dma_wait3A_100 = arith.constant 0 : i32
      %dma_wait3A_101 = tpu.memref_slice %arg13[%dma_wait3A_99, %dma_wait3A_100] : memref<10240x128xf32, #tpu.memory_space<vmem_shared>> -> memref<10240x128xf32, #tpu.memory_space<vmem_shared>>
      tpu.wait_indirect_dma semaphore(%run_scoped3A : memref<!tpu.dma_semaphore, #tpu.memory_space<semaphore_mem>>) src(%arg11 : memref<16x128xf32, #tpu.memory_space<vmem>>) dst(%dma_wait3A_101 : memref<10240x128xf32, #tpu.memory_space<vmem_shared>>)
      tpu.yield
    }) : () -> ()
    %dma_wait3A_82 = arith.constant 0 : i32
    %dma_wait3A_83 = arith.constant 0 : i32
    %dma_wait3A_84 = tpu.memref_slice %arg13[%dma_wait3A_82, %dma_wait3A_83] : memref<10240x128xf32, #tpu.memory_space<vmem_shared>> -> memref<10240x128xf32, #tpu.memory_space<vmem_shared>>
    tpu.wait_indirect_dma semaphore(%arg18 : memref<!tpu.dma_semaphore, #tpu.memory_space<semaphore_mem>>) src(%arg9 : memref<128x128xf32, #tpu.memory_space<vmem>>) dst(%dma_wait3A_84 : memref<10240x128xf32, #tpu.memory_space<vmem_shared>>)
    %dma_wait3A_85 = arith.constant 0 : i32
    %dma_wait3A_86 = arith.constant 0 : i32
    %dma_wait3A_87 = tpu.memref_slice %arg13[%dma_wait3A_85, %dma_wait3A_86] : memref<10240x128xf32, #tpu.memory_space<vmem_shared>> -> memref<10240x128xf32, #tpu.memory_space<vmem_shared>>
    tpu.wait_indirect_dma semaphore(%arg19 : memref<!tpu.dma_semaphore, #tpu.memory_space<semaphore_mem>>) src(%arg10 : memref<128x128xf32, #tpu.memory_space<vmem>>) dst(%dma_wait3A_87 : memref<10240x128xf32, #tpu.memory_space<vmem_shared>>)
    %barrier3A_88 = arith.constant 0 : index
    tpu.barrier barrier_id(%barrier3A_88)
    %scan3A_89 = arith.constant 0 : i32
    %scan3A_90 = arith.constant 0 : i32
    %scan3A_91 = arith.constant 5 : i32
    %scan3A_92 = arith.addi %scan3A_90, %scan3A_91 : i32
    %scan3A_93 = arith.constant 1 : i32
    %scan3A_94 = scf.for %scan3A_96 = %scan3A_90 to %scan3A_92 step %scan3A_93 iter_args(%scan3A_97 = %scan3A_89) -> (i32)  : i32 {
      %mul3A_98 = arith.constant 640 : i32
      %mul3A_99 = arith.muli %arg1, %mul3A_98 : i32
      %mul3A_100 = arith.constant 128 : i32
      %mul3A_101 = arith.muli %scan3A_96, %mul3A_100 : i32
      %add3A_102 = arith.addi %mul3A_99, %mul3A_101 : i32
      %mul3A_103 = arith.constant 10240 : i32
      %mul3A_104 = arith.muli %arg0, %mul3A_103 : i32
      %add3A_105 = arith.addi %mul3A_104, %add3A_102 : i32
      "tpu.region"() ({
        %run_scoped3A = tpu.sem_alloc : memref<!tpu.dma_semaphore, #tpu.memory_space<semaphore_mem>>
        %dma_start3A_107 = arith.constant 0 : i32
        %dma_start3A_108 = tpu.memref_slice %arg5[%add3A_105, %dma_start3A_107] : memref<20480x128xf32, #tpu.memory_space<hbm>> -> memref<128x128xf32, #tpu.memory_space<hbm>>
        %dma_start3A_109 = arith.constant 0 : i32
        %dma_start3A_110 = tpu.memref_slice %arg13[%add3A_102, %dma_start3A_109] : memref<10240x128xf32, #tpu.memory_space<vmem_shared>> -> memref<128x128xf32, #tpu.memory_space<vmem_shared>>
        tpu.enqueue_dma source(%dma_start3A_110 : memref<128x128xf32, #tpu.memory_space<vmem_shared>>) target(%dma_start3A_108 : memref<128x128xf32, #tpu.memory_space<hbm>>) target_semaphore(%run_scoped3A : memref<!tpu.dma_semaphore, #tpu.memory_space<semaphore_mem>>)
        %dma_wait3A_111 = arith.constant 0 : i32
        %dma_wait3A_112 = tpu.memref_slice %arg5[%add3A_105, %dma_wait3A_111] : memref<20480x128xf32, #tpu.memory_space<hbm>> -> memref<128x128xf32, #tpu.memory_space<hbm>>
        %dma_wait3A_113 = arith.constant 0 : i32
        %dma_wait3A_114 = tpu.memref_slice %arg13[%add3A_102, %dma_wait3A_113] : memref<10240x128xf32, #tpu.memory_space<vmem_shared>> -> memref<128x128xf32, #tpu.memory_space<vmem_shared>>
        tpu.wait_dma2 semaphore(%run_scoped3A : memref<!tpu.dma_semaphore, #tpu.memory_space<semaphore_mem>>) src(%dma_wait3A_114 : memref<128x128xf32, #tpu.memory_space<vmem_shared>>) dst(%dma_wait3A_112 : memref<128x128xf32, #tpu.memory_space<hbm>>)
        tpu.yield
      }) : () -> ()
      %scan3A_106 = arith.constant 0 : i32
      scf.yield %scan3A_106 : i32
    }
    %scan3A_95 = arith.constant 5 : i32
    return
  }
}

#map = affine_map<(d0, d1) -> (0, 0)>
#map1 = affine_map<(d0, d1) -> (0)>
module attributes {stable_mosaic.version = 14 : i64} {
  func.func @body(%arg0: i32, %arg1: i32, %arg2: memref<2560x128xi32, #tpu.memory_space<hbm>>, %arg3: memref<20480xf32, #tpu.memory_space<hbm>>, %arg4: memref<80x128xi32, #tpu.memory_space<vmem>>, %arg5: memref<128xf32, #tpu.memory_space<vmem>>, %arg6: memref<128xf32, #tpu.memory_space<vmem>>, %arg7: memref<10240xf32, #tpu.memory_space<vmem_shared>>) attributes {dimension_semantics = [#tpu.dimension_semantics<core_parallel>, #tpu.dimension_semantics<subcore_parallel>], iteration_bounds = array<i64: 2, 16>, scalar_prefetch = 0 : i64, scratch_operands = 4 : i64, tpu.core_type = #tpu.core_type<sc_vector_subcore>, window_params = [{transform_indices = #map}, {transform_indices = #map1}]} {
    %mul3A = arith.constant 2 : i32
    %mul3A_0 = arith.muli %arg1, %mul3A : i32
    %add3A = arith.addi %mul3A_0, %arg0 : i32
    %broadcast_in_dim3A = arith.constant 0.000000e+00 : f32
    %broadcast_in_dim3A_1 = vector.broadcast %broadcast_in_dim3A : f32 to vector<16xf32>
    %broadcast_in_dim3A_2 = arith.constant 1.000000e+00 : f32
    %broadcast_in_dim3A_3 = vector.broadcast %broadcast_in_dim3A_2 : f32 to vector<16xf32>
    %scan3A = arith.constant 0 : i32
    %scan3A_4 = arith.constant 0 : i32
    %scan3A_5 = arith.constant 8 : i32
    %scan3A_6 = arith.addi %scan3A_4, %scan3A_5 : i32
    %scan3A_7 = arith.constant 1 : i32
    %scan3A_8 = scf.for %scan3A_34 = %scan3A_4 to %scan3A_6 step %scan3A_7 iter_args(%scan3A_35 = %scan3A) -> (i32)  : i32 {
      %mul3A_36 = arith.constant 16 : i32
      %mul3A_37 = arith.muli %scan3A_34, %mul3A_36 : i32
      %swap3A = arith.index_cast %mul3A_37 : i32 to index
      %swap3A_38 = tpu.vector_load %arg5[%swap3A] {strides = array<i32>} : memref<128xf32, #tpu.memory_space<vmem>>, vector<16xf32>,
      %swap3A_39 = vector.shape_cast %swap3A_38 : vector<16xf32> to vector<16xf32>
      %swap3A_40 = vector.shape_cast %broadcast_in_dim3A_3 : vector<16xf32> to vector<16xf32>
      tpu.vector_store %arg5[%swap3A], %swap3A_40 {strides = array<i32>} : memref<128xf32, #tpu.memory_space<vmem>>, vector<16xf32>,
      %mul3A_41 = arith.constant 16 : i32
      %mul3A_42 = arith.muli %scan3A_34, %mul3A_41 : i32
      %swap3A_43 = arith.index_cast %mul3A_42 : i32 to index
      %swap3A_44 = tpu.vector_load %arg6[%swap3A_43] {strides = array<i32>} : memref<128xf32, #tpu.memory_space<vmem>>, vector<16xf32>,
      %swap3A_45 = vector.shape_cast %swap3A_44 : vector<16xf32> to vector<16xf32>
      %swap3A_46 = vector.shape_cast %broadcast_in_dim3A_1 : vector<16xf32> to vector<16xf32>
      tpu.vector_store %arg6[%swap3A_43], %swap3A_46 {strides = array<i32>} : memref<128xf32, #tpu.memory_space<vmem>>, vector<16xf32>,
      %scan3A_47 = arith.constant 0 : i32
      scf.yield %scan3A_47 : i32
    }
    %scan3A_9 = arith.constant 8 : i32
    %mul3A_10 = arith.constant 80 : i32
    %mul3A_11 = arith.muli %add3A, %mul3A_10 : i32
    "tpu.region"() ({
      %run_scoped3A = tpu.sem_alloc : memref<!tpu.dma_semaphore, #tpu.memory_space<semaphore_mem>>
      %dma_start3A = arith.constant 0 : i32
      %dma_start3A_34 = tpu.memref_slice %arg2[%mul3A_11, %dma_start3A] : memref<2560x128xi32, #tpu.memory_space<hbm>> -> memref<80x128xi32, #tpu.memory_space<hbm>>
      %dma_start3A_35 = arith.constant 0 : i32
      %dma_start3A_36 = tpu.memref_slice %arg2[%mul3A_11, %dma_start3A_35] : memref<2560x128xi32, #tpu.memory_space<hbm>> -> memref<80x128xi32, #tpu.memory_space<hbm>>
      tpu.enqueue_dma source(%dma_start3A_36 : memref<80x128xi32, #tpu.memory_space<hbm>>) target(%arg4 : memref<80x128xi32, #tpu.memory_space<vmem>>) target_semaphore(%run_scoped3A : memref<!tpu.dma_semaphore, #tpu.memory_space<semaphore_mem>>)
      %dma_wait3A = arith.constant 0 : i32
      %dma_wait3A_37 = tpu.memref_slice %arg2[%mul3A_11, %dma_wait3A] : memref<2560x128xi32, #tpu.memory_space<hbm>> -> memref<80x128xi32, #tpu.memory_space<hbm>>
      %dma_wait3A_38 = arith.constant 0 : i32
      %dma_wait3A_39 = tpu.memref_slice %arg2[%mul3A_11, %dma_wait3A_38] : memref<2560x128xi32, #tpu.memory_space<hbm>> -> memref<80x128xi32, #tpu.memory_space<hbm>>
      tpu.wait_dma2 semaphore(%run_scoped3A : memref<!tpu.dma_semaphore, #tpu.memory_space<semaphore_mem>>) src(%dma_wait3A_39 : memref<80x128xi32, #tpu.memory_space<hbm>>) dst(%arg4 : memref<80x128xi32, #tpu.memory_space<vmem>>)
      tpu.yield
    }) : () -> ()
    %scan3A_12 = arith.constant 0 : i32
    %scan3A_13 = arith.constant 0 : i32
    %scan3A_14 = arith.constant 5 : i32
    %scan3A_15 = arith.addi %scan3A_13, %scan3A_14 : i32
    %scan3A_16 = arith.constant 1 : i32
    %scan3A_17 = scf.for %scan3A_34 = %scan3A_13 to %scan3A_15 step %scan3A_16 iter_args(%scan3A_35 = %scan3A_12) -> (i32)  : i32 {
      %mul3A_36 = arith.constant 640 : i32
      %mul3A_37 = arith.muli %arg1, %mul3A_36 : i32
      %mul3A_38 = arith.constant 128 : i32
      %mul3A_39 = arith.muli %scan3A_34, %mul3A_38 : i32
      %add3A_40 = arith.addi %mul3A_37, %mul3A_39 : i32
      "tpu.region"() ({
        %run_scoped3A = tpu.sem_alloc : memref<!tpu.dma_semaphore, #tpu.memory_space<semaphore_mem>>
        %dma_start3A = tpu.memref_slice %arg7[%add3A_40] : memref<10240xf32, #tpu.memory_space<vmem_shared>> -> memref<128xf32, #tpu.memory_space<vmem_shared>>
        %dma_start3A_42 = tpu.memref_slice %arg7[%add3A_40] : memref<10240xf32, #tpu.memory_space<vmem_shared>> -> memref<128xf32, #tpu.memory_space<vmem_shared>>
        tpu.enqueue_dma source(%arg6 : memref<128xf32, #tpu.memory_space<vmem>>) target(%dma_start3A_42 : memref<128xf32, #tpu.memory_space<vmem_shared>>) target_semaphore(%run_scoped3A : memref<!tpu.dma_semaphore, #tpu.memory_space<semaphore_mem>>)
        %dma_wait3A = tpu.memref_slice %arg7[%add3A_40] : memref<10240xf32, #tpu.memory_space<vmem_shared>> -> memref<128xf32, #tpu.memory_space<vmem_shared>>
        %dma_wait3A_43 = tpu.memref_slice %arg7[%add3A_40] : memref<10240xf32, #tpu.memory_space<vmem_shared>> -> memref<128xf32, #tpu.memory_space<vmem_shared>>
        tpu.wait_dma2 semaphore(%run_scoped3A : memref<!tpu.dma_semaphore, #tpu.memory_space<semaphore_mem>>) src(%arg6 : memref<128xf32, #tpu.memory_space<vmem>>) dst(%dma_wait3A_43 : memref<128xf32, #tpu.memory_space<vmem_shared>>)
        tpu.yield
      }) : () -> ()
      %scan3A_41 = arith.constant 0 : i32
      scf.yield %scan3A_41 : i32
    }
    %scan3A_18 = arith.constant 5 : i32
    %barrier3A = arith.constant 0 : index
    tpu.barrier barrier_id(%barrier3A)
    %scan3A_19 = arith.constant 0 : i32
    %scan3A_20 = arith.constant 0 : i32
    %scan3A_21 = arith.constant 80 : i32
    %scan3A_22 = arith.addi %scan3A_20, %scan3A_21 : i32
    %scan3A_23 = arith.constant 1 : i32
    %scan3A_24 = scf.for %scan3A_34 = %scan3A_20 to %scan3A_22 step %scan3A_23 iter_args(%scan3A_35 = %scan3A_19) -> (i32)  : i32 {
      "tpu.region"() ({
        %run_scoped3A = tpu.sem_alloc : memref<!tpu.dma_semaphore, #tpu.memory_space<semaphore_mem>>
        %dma_start3A = arith.constant 0 : i32
        %dma_start3A_37 = tpu.memref_slice %arg4[%scan3A_34, %dma_start3A] : memref<80x128xi32, #tpu.memory_space<vmem>> -> memref<1x128xi32, #tpu.memory_space<vmem>>
        %dma_start3A_38 = tpu.memref_squeeze %dma_start3A_37 : memref<1x128xi32, #tpu.memory_space<vmem>> -> memref<128xi32, #tpu.memory_space<vmem>>
        %dma_start3A_39 = arith.constant 0 : i32
        %dma_start3A_40 = tpu.memref_slice %arg7[%dma_start3A_39] : memref<10240xf32, #tpu.memory_space<vmem_shared>> -> memref<10240xf32, #tpu.memory_space<vmem_shared>>
        tpu.enqueue_indirect_dma source(%arg5 : memref<128xf32, #tpu.memory_space<vmem>>) target(%dma_start3A_40 : memref<10240xf32, #tpu.memory_space<vmem_shared>>) offsets(%dma_start3A_38 : memref<128xi32, #tpu.memory_space<vmem>>) semaphore(%run_scoped3A : memref<!tpu.dma_semaphore, #tpu.memory_space<semaphore_mem>>) {add = true}
        %dma_wait3A = arith.constant 0 : i32
        %dma_wait3A_41 = tpu.memref_slice %arg4[%scan3A_34, %dma_wait3A] : memref<80x128xi32, #tpu.memory_space<vmem>> -> memref<1x128xi32, #tpu.memory_space<vmem>>
        %dma_wait3A_42 = tpu.memref_squeeze %dma_wait3A_41 : memref<1x128xi32, #tpu.memory_space<vmem>> -> memref<128xi32, #tpu.memory_space<vmem>>
        %dma_wait3A_43 = arith.constant 0 : i32
        %dma_wait3A_44 = tpu.memref_slice %arg7[%dma_wait3A_43] : memref<10240xf32, #tpu.memory_space<vmem_shared>> -> memref<10240xf32, #tpu.memory_space<vmem_shared>>
        tpu.wait_indirect_dma semaphore(%run_scoped3A : memref<!tpu.dma_semaphore, #tpu.memory_space<semaphore_mem>>) src(%arg5 : memref<128xf32, #tpu.memory_space<vmem>>) dst(%dma_wait3A_44 : memref<10240xf32, #tpu.memory_space<vmem_shared>>)
        tpu.yield
      }) : () -> ()
      %scan3A_36 = arith.constant 0 : i32
      scf.yield %scan3A_36 : i32
    }
    %scan3A_25 = arith.constant 80 : i32
    %barrier3A_26 = arith.constant 0 : index
    tpu.barrier barrier_id(%barrier3A_26)
    %scan3A_27 = arith.constant 0 : i32
    %scan3A_28 = arith.constant 0 : i32
    %scan3A_29 = arith.constant 5 : i32
    %scan3A_30 = arith.addi %scan3A_28, %scan3A_29 : i32
    %scan3A_31 = arith.constant 1 : i32
    %scan3A_32 = scf.for %scan3A_34 = %scan3A_28 to %scan3A_30 step %scan3A_31 iter_args(%scan3A_35 = %scan3A_27) -> (i32)  : i32 {
      %mul3A_36 = arith.constant 640 : i32
      %mul3A_37 = arith.muli %arg1, %mul3A_36 : i32
      %mul3A_38 = arith.constant 128 : i32
      %mul3A_39 = arith.muli %scan3A_34, %mul3A_38 : i32
      %add3A_40 = arith.addi %mul3A_37, %mul3A_39 : i32
      %mul3A_41 = arith.constant 10240 : i32
      %mul3A_42 = arith.muli %arg0, %mul3A_41 : i32
      %add3A_43 = arith.addi %mul3A_42, %add3A_40 : i32
      "tpu.region"() ({
        %run_scoped3A = tpu.sem_alloc : memref<!tpu.dma_semaphore, #tpu.memory_space<semaphore_mem>>
        %dma_start3A = tpu.memref_slice %arg3[%add3A_43] : memref<20480xf32, #tpu.memory_space<hbm>> -> memref<128xf32, #tpu.memory_space<hbm>>
        %dma_start3A_45 = tpu.memref_slice %arg7[%add3A_40] : memref<10240xf32, #tpu.memory_space<vmem_shared>> -> memref<128xf32, #tpu.memory_space<vmem_shared>>
        tpu.enqueue_dma source(%dma_start3A_45 : memref<128xf32, #tpu.memory_space<vmem_shared>>) target(%dma_start3A : memref<128xf32, #tpu.memory_space<hbm>>) target_semaphore(%run_scoped3A : memref<!tpu.dma_semaphore, #tpu.memory_space<semaphore_mem>>)
        %dma_wait3A = tpu.memref_slice %arg3[%add3A_43] : memref<20480xf32, #tpu.memory_space<hbm>> -> memref<128xf32, #tpu.memory_space<hbm>>
        %dma_wait3A_46 = tpu.memref_slice %arg7[%add3A_40] : memref<10240xf32, #tpu.memory_space<vmem_shared>> -> memref<128xf32, #tpu.memory_space<vmem_shared>>
        tpu.wait_dma2 semaphore(%run_scoped3A : memref<!tpu.dma_semaphore, #tpu.memory_space<semaphore_mem>>) src(%dma_wait3A_46 : memref<128xf32, #tpu.memory_space<vmem_shared>>) dst(%dma_wait3A : memref<128xf32, #tpu.memory_space<hbm>>)
        tpu.yield
      }) : () -> ()
      %scan3A_44 = arith.constant 0 : i32
      scf.yield %scan3A_44 : i32
    }
    %scan3A_33 = arith.constant 5 : i32
    return
  }
}

#map = affine_map<(d0, d1) -> (0, 0)>
#map1 = affine_map<(d0, d1) -> (0)>
module attributes {stable_mosaic.version = 14 : i64} {
  func.func @body(%arg0: i32, %arg1: i32, %arg2: memref<10240x128xf32, #tpu.memory_space<hbm>>, %arg3: memref<320000xi32, #tpu.memory_space<hbm>>, %arg4: memref<320000xi32, #tpu.memory_space<hbm>>, %arg5: memref<20480x128xf32, #tpu.memory_space<hbm>>, %arg6: memref<10000xi32, #tpu.memory_space<vmem>>, %arg7: memref<128xi32, #tpu.memory_space<vmem>>, %arg8: memref<128xi32, #tpu.memory_space<vmem>>, %arg9: memref<128x128xf32, #tpu.memory_space<vmem>>, %arg10: memref<128x128xf32, #tpu.memory_space<vmem>>, %arg11: memref<16x128xf32, #tpu.memory_space<vmem>>, %arg12: memref<16xi32, #tpu.memory_space<vmem>>, %arg13: memref<10240x128xf32, #tpu.memory_space<vmem_shared>>, %arg14: memref<!tpu.dma_semaphore, #tpu.memory_space<semaphore_mem>>, %arg15: memref<!tpu.dma_semaphore, #tpu.memory_space<semaphore_mem>>, %arg16: memref<!tpu.dma_semaphore, #tpu.memory_space<semaphore_mem>>, %arg17: memref<!tpu.dma_semaphore, #tpu.memory_space<semaphore_mem>>, %arg18: memref<!tpu.dma_semaphore, #tpu.memory_space<semaphore_mem>>, %arg19: memref<!tpu.dma_semaphore, #tpu.memory_space<semaphore_mem>>) attributes {dimension_semantics = [#tpu.dimension_semantics<core_parallel>, #tpu.dimension_semantics<subcore_parallel>], iteration_bounds = array<i64: 2, 16>, scalar_prefetch = 0 : i64, scratch_operands = 14 : i64, tpu.core_type = #tpu.core_type<sc_vector_subcore>, window_params = [{transform_indices = #map}, {transform_indices = #map1}, {transform_indices = #map1}, {transform_indices = #map}]} {
    %mul3A = arith.constant 2 : i32
    %mul3A_0 = arith.muli %arg1, %mul3A : i32
    %add3A = arith.addi %mul3A_0, %arg0 : i32
    %mul3A_1 = arith.constant 10000 : i32
    %mul3A_2 = arith.muli %add3A, %mul3A_1 : i32
    %broadcast_in_dim3A = arith.constant 0.000000e+00 : f32
    %broadcast_in_dim3A_3 = vector.broadcast %broadcast_in_dim3A : f32 to vector<16xf32>
    %scan3A = arith.constant 0 : i32
    %scan3A_4 = arith.constant 0 : i32
    %scan3A_5 = arith.constant 1024 : i32
    %scan3A_6 = arith.addi %scan3A_4, %scan3A_5 : i32
    %scan3A_7 = arith.constant 1 : i32
    %scan3A_8 = scf.for %scan3A_96 = %scan3A_4 to %scan3A_6 step %scan3A_7 iter_args(%scan3A_97 = %scan3A) -> (i32)  : i32 {
      %jit3A = arith.constant 8 : i32
      %div3A = arith.divsi %scan3A_96, %jit3A : i32
      %sign3A = arith.constant 0 : i32
      %sign3A_98 = arith.cmpi sgt, %scan3A_96, %sign3A : i32
      %sign3A_99 = arith.extui %sign3A_98 : i1 to i32
      %sign3A_100 = arith.constant 0 : i32
      %sign3A_101 = arith.cmpi slt, %scan3A_96, %sign3A_100 : i32
      %sign3A_102 = arith.extui %sign3A_101 : i1 to i32
      %sign3A_103 = arith.subi %sign3A_99, %sign3A_102 : i32
      %sign3A_104 = arith.constant 0 : i32
      %sign3A_105 = arith.cmpi sgt, %jit3A, %sign3A_104 : i32
      %sign3A_106 = arith.extui %sign3A_105 : i1 to i32
      %sign3A_107 = arith.constant 0 : i32
      %sign3A_108 = arith.cmpi slt, %jit3A, %sign3A_107 : i32
      %sign3A_109 = arith.extui %sign3A_108 : i1 to i32
      %sign3A_110 = arith.subi %sign3A_106, %sign3A_109 : i32
      %ne3A = arith.cmpi ne, %sign3A_103, %sign3A_110 : i32
      %rem3A = arith.remsi %scan3A_96, %jit3A : i32
      %ne3A_111 = arith.constant 0 : i32
      %ne3A_112 = arith.cmpi ne, %rem3A, %ne3A_111 : i32
      %and3A = arith.andi %ne3A, %ne3A_112 : i1
      %sub3A = arith.constant 1 : i32
      %sub3A_113 = arith.subi %div3A, %sub3A : i32
      %select_n3A = arith.select %and3A, %sub3A_113, %div3A : i32
      %jit3A_114 = arith.constant 8 : i32
      %eq3A = arith.constant 0 : i32
      %eq3A_115 = arith.cmpi eq, %jit3A_114, %eq3A : i32
      %jit3A_116 = arith.constant 1 : i32
      %select_n3A_117 = arith.select %eq3A_115, %jit3A_116, %jit3A_114 : i32
      %rem3A_118 = arith.remsi %scan3A_96, %select_n3A_117 : i32
      %ne3A_119 = arith.constant 0 : i32
      %ne3A_120 = arith.cmpi ne, %rem3A_118, %ne3A_119 : i32
      %lt3A = arith.constant 0 : i32
      %lt3A_121 = arith.cmpi slt, %rem3A_118, %lt3A : i32
      %lt3A_122 = arith.constant 0 : i32
      %lt3A_123 = arith.cmpi slt, %select_n3A_117, %lt3A_122 : i32
      %ne3A_124 = arith.xori %lt3A_121, %lt3A_123 : i1
      %and3A_125 = arith.andi %ne3A_124, %ne3A_120 : i1
      %add3A_126 = arith.addi %rem3A_118, %select_n3A_117 : i32
      %select_n3A_127 = arith.select %and3A_125, %add3A_126, %rem3A_118 : i32
      %mul3A_128 = arith.constant 16 : i32
      %mul3A_129 = arith.muli %select_n3A_127, %mul3A_128 : i32
      %swap3A = arith.index_cast %select_n3A : i32 to index
      %swap3A_130 = arith.index_cast %mul3A_129 : i32 to index
      %swap3A_131 = tpu.vector_load %arg9[%swap3A, %swap3A_130] {strides = array<i32>} : memref<128x128xf32, #tpu.memory_space<vmem>>, vector<1x16xf32>,
      %swap3A_132 = vector.shape_cast %swap3A_131 : vector<1x16xf32> to vector<16xf32>
      %swap3A_133 = vector.shape_cast %broadcast_in_dim3A_3 : vector<16xf32> to vector<1x16xf32>
      tpu.vector_store %arg9[%swap3A, %swap3A_130], %swap3A_133 {strides = array<i32>} : memref<128x128xf32, #tpu.memory_space<vmem>>, vector<1x16xf32>,
      %scan3A_134 = arith.constant 0 : i32
      scf.yield %scan3A_134 : i32
    }
    %scan3A_9 = arith.constant 1024 : i32
    "tpu.region"() ({
      %run_scoped3A = tpu.sem_alloc : memref<!tpu.dma_semaphore, #tpu.memory_space<semaphore_mem>>
      %dma_start3A_96 = tpu.memref_slice %arg3[%mul3A_2] : memref<320000xi32, #tpu.memory_space<hbm>> -> memref<10000xi32, #tpu.memory_space<hbm>>
      %dma_start3A_97 = tpu.memref_slice %arg3[%mul3A_2] : memref<320000xi32, #tpu.memory_space<hbm>> -> memref<10000xi32, #tpu.memory_space<hbm>>
      tpu.enqueue_dma source(%dma_start3A_97 : memref<10000xi32, #tpu.memory_space<hbm>>) target(%arg6 : memref<10000xi32, #tpu.memory_space<vmem>>) target_semaphore(%run_scoped3A : memref<!tpu.dma_semaphore, #tpu.memory_space<semaphore_mem>>)
      %dma_wait3A_98 = tpu.memref_slice %arg3[%mul3A_2] : memref<320000xi32, #tpu.memory_space<hbm>> -> memref<10000xi32, #tpu.memory_space<hbm>>
      %dma_wait3A_99 = tpu.memref_slice %arg3[%mul3A_2] : memref<320000xi32, #tpu.memory_space<hbm>> -> memref<10000xi32, #tpu.memory_space<hbm>>
      tpu.wait_dma2 semaphore(%run_scoped3A : memref<!tpu.dma_semaphore, #tpu.memory_space<semaphore_mem>>) src(%dma_wait3A_99 : memref<10000xi32, #tpu.memory_space<hbm>>) dst(%arg6 : memref<10000xi32, #tpu.memory_space<vmem>>)
      tpu.yield
    }) : () -> ()
    %scan3A_10 = arith.constant 0 : i32
    %scan3A_11 = arith.constant 0 : i32
    %scan3A_12 = arith.constant 5 : i32
    %scan3A_13 = arith.addi %scan3A_11, %scan3A_12 : i32
    %scan3A_14 = arith.constant 1 : i32
    %scan3A_15 = scf.for %scan3A_96 = %scan3A_11 to %scan3A_13 step %scan3A_14 iter_args(%scan3A_97 = %scan3A_10) -> (i32)  : i32 {
      %mul3A_98 = arith.constant 640 : i32
      %mul3A_99 = arith.muli %arg1, %mul3A_98 : i32
      %mul3A_100 = arith.constant 128 : i32
      %mul3A_101 = arith.muli %scan3A_96, %mul3A_100 : i32
      %add3A_102 = arith.addi %mul3A_99, %mul3A_101 : i32
      "tpu.region"() ({
        %run_scoped3A = tpu.sem_alloc : memref<!tpu.dma_semaphore, #tpu.memory_space<semaphore_mem>>
        %dma_start3A_104 = arith.constant 0 : i32
        %dma_start3A_105 = tpu.memref_slice %arg13[%add3A_102, %dma_start3A_104] : memref<10240x128xf32, #tpu.memory_space<vmem_shared>> -> memref<128x128xf32, #tpu.memory_space<vmem_shared>>
        %dma_start3A_106 = arith.constant 0 : i32
        %dma_start3A_107 = tpu.memref_slice %arg13[%add3A_102, %dma_start3A_106] : memref<10240x128xf32, #tpu.memory_space<vmem_shared>> -> memref<128x128xf32, #tpu.memory_space<vmem_shared>>
        tpu.enqueue_dma source(%arg9 : memref<128x128xf32, #tpu.memory_space<vmem>>) target(%dma_start3A_107 : memref<128x128xf32, #tpu.memory_space<vmem_shared>>) target_semaphore(%run_scoped3A : memref<!tpu.dma_semaphore, #tpu.memory_space<semaphore_mem>>)
        %dma_wait3A_108 = arith.constant 0 : i32
        %dma_wait3A_109 = tpu.memref_slice %arg13[%add3A_102, %dma_wait3A_108] : memref<10240x128xf32, #tpu.memory_space<vmem_shared>> -> memref<128x128xf32, #tpu.memory_space<vmem_shared>>
        %dma_wait3A_110 = arith.constant 0 : i32
        %dma_wait3A_111 = tpu.memref_slice %arg13[%add3A_102, %dma_wait3A_110] : memref<10240x128xf32, #tpu.memory_space<vmem_shared>> -> memref<128x128xf32, #tpu.memory_space<vmem_shared>>
        tpu.wait_dma2 semaphore(%run_scoped3A : memref<!tpu.dma_semaphore, #tpu.memory_space<semaphore_mem>>) src(%arg9 : memref<128x128xf32, #tpu.memory_space<vmem>>) dst(%dma_wait3A_111 : memref<128x128xf32, #tpu.memory_space<vmem_shared>>)
        tpu.yield
      }) : () -> ()
      %scan3A_103 = arith.constant 0 : i32
      scf.yield %scan3A_103 : i32
    }
    %scan3A_16 = arith.constant 5 : i32
    %barrier3A = arith.constant 0 : index
    tpu.barrier barrier_id(%barrier3A)
    %dma_start3A = arith.constant 0 : i32
    %dma_start3A_17 = tpu.memref_slice %arg6[%dma_start3A] : memref<10000xi32, #tpu.memory_space<vmem>> -> memref<128xi32, #tpu.memory_space<vmem>>
    %dma_start3A_18 = arith.constant 0 : i32
    %dma_start3A_19 = arith.constant 0 : i32
    %dma_start3A_20 = tpu.memref_slice %arg2[%dma_start3A_18, %dma_start3A_19] : memref<10240x128xf32, #tpu.memory_space<hbm>> -> memref<10240x128xf32, #tpu.memory_space<hbm>>
    tpu.enqueue_indirect_dma source(%dma_start3A_20 : memref<10240x128xf32, #tpu.memory_space<hbm>>) target(%arg9 : memref<128x128xf32, #tpu.memory_space<vmem>>) offsets(%dma_start3A_17 : memref<128xi32, #tpu.memory_space<vmem>>) semaphore(%arg14 : memref<!tpu.dma_semaphore, #tpu.memory_space<semaphore_mem>>)
    %add3A_21 = arith.constant 0 : i32
    %add3A_22 = arith.addi %mul3A_2, %add3A_21 : i32
    %dma_start3A_23 = tpu.memref_slice %arg4[%add3A_22] : memref<320000xi32, #tpu.memory_space<hbm>> -> memref<128xi32, #tpu.memory_space<hbm>>
    %dma_start3A_24 = tpu.memref_slice %arg4[%add3A_22] : memref<320000xi32, #tpu.memory_space<hbm>> -> memref<128xi32, #tpu.memory_space<hbm>>
    tpu.enqueue_dma source(%dma_start3A_24 : memref<128xi32, #tpu.memory_space<hbm>>) target(%arg7 : memref<128xi32, #tpu.memory_space<vmem>>) target_semaphore(%arg16 : memref<!tpu.dma_semaphore, #tpu.memory_space<semaphore_mem>>)
    %dma_wait3A = arith.constant 0 : i32
    %dma_wait3A_25 = tpu.memref_slice %arg6[%dma_wait3A] : memref<10000xi32, #tpu.memory_space<vmem>> -> memref<128xi32, #tpu.memory_space<vmem>>
    %dma_wait3A_26 = arith.constant 0 : i32
    %dma_wait3A_27 = arith.constant 0 : i32
    %dma_wait3A_28 = tpu.memref_slice %arg2[%dma_wait3A_26, %dma_wait3A_27] : memref<10240x128xf32, #tpu.memory_space<hbm>> -> memref<10240x128xf32, #tpu.memory_space<hbm>>
    tpu.wait_indirect_dma semaphore(%arg14 : memref<!tpu.dma_semaphore, #tpu.memory_space<semaphore_mem>>) src(%dma_wait3A_28 : memref<10240x128xf32, #tpu.memory_space<hbm>>) dst(%arg9 : memref<128x128xf32, #tpu.memory_space<vmem>>)
    %add3A_29 = arith.constant 0 : i32
    %add3A_30 = arith.addi %mul3A_2, %add3A_29 : i32
    %dma_wait3A_31 = tpu.memref_slice %arg4[%add3A_30] : memref<320000xi32, #tpu.memory_space<hbm>> -> memref<128xi32, #tpu.memory_space<hbm>>
    %dma_wait3A_32 = tpu.memref_slice %arg4[%add3A_30] : memref<320000xi32, #tpu.memory_space<hbm>> -> memref<128xi32, #tpu.memory_space<hbm>>
    tpu.wait_dma2 semaphore(%arg16 : memref<!tpu.dma_semaphore, #tpu.memory_space<semaphore_mem>>) src(%dma_wait3A_32 : memref<128xi32, #tpu.memory_space<hbm>>) dst(%arg7 : memref<128xi32, #tpu.memory_space<vmem>>)
    %dma_start3A_33 = arith.constant 0 : i32
    %dma_start3A_34 = arith.constant 0 : i32
    %dma_start3A_35 = tpu.memref_slice %arg13[%dma_start3A_33, %dma_start3A_34] : memref<10240x128xf32, #tpu.memory_space<vmem_shared>> -> memref<10240x128xf32, #tpu.memory_space<vmem_shared>>
    tpu.enqueue_indirect_dma source(%arg9 : memref<128x128xf32, #tpu.memory_space<vmem>>) target(%dma_start3A_35 : memref<10240x128xf32, #tpu.memory_space<vmem_shared>>) offsets(%arg7 : memref<128xi32, #tpu.memory_space<vmem>>) semaphore(%arg18 : memref<!tpu.dma_semaphore, #tpu.memory_space<semaphore_mem>>) {add = true}
    %dma_start3A_36 = arith.constant 128 : i32
    %dma_start3A_37 = tpu.memref_slice %arg6[%dma_start3A_36] : memref<10000xi32, #tpu.memory_space<vmem>> -> memref<128xi32, #tpu.memory_space<vmem>>
    %dma_start3A_38 = arith.constant 0 : i32
    %dma_start3A_39 = arith.constant 0 : i32
    %dma_start3A_40 = tpu.memref_slice %arg2[%dma_start3A_38, %dma_start3A_39] : memref<10240x128xf32, #tpu.memory_space<hbm>> -> memref<10240x128xf32, #tpu.memory_space<hbm>>
    tpu.enqueue_indirect_dma source(%dma_start3A_40 : memref<10240x128xf32, #tpu.memory_space<hbm>>) target(%arg10 : memref<128x128xf32, #tpu.memory_space<vmem>>) offsets(%dma_start3A_37 : memref<128xi32, #tpu.memory_space<vmem>>) semaphore(%arg15 : memref<!tpu.dma_semaphore, #tpu.memory_space<semaphore_mem>>)
    %add3A_41 = arith.constant 128 : i32
    %add3A_42 = arith.addi %mul3A_2, %add3A_41 : i32
    %dma_start3A_43 = tpu.memref_slice %arg4[%add3A_42] : memref<320000xi32, #tpu.memory_space<hbm>> -> memref<128xi32, #tpu.memory_space<hbm>>
    %dma_start3A_44 = tpu.memref_slice %arg4[%add3A_42] : memref<320000xi32, #tpu.memory_space<hbm>> -> memref<128xi32, #tpu.memory_space<hbm>>
    tpu.enqueue_dma source(%dma_start3A_44 : memref<128xi32, #tpu.memory_space<hbm>>) target(%arg8 : memref<128xi32, #tpu.memory_space<vmem>>) target_semaphore(%arg17 : memref<!tpu.dma_semaphore, #tpu.memory_space<semaphore_mem>>)
    %scan3A_45 = arith.constant 0 : i32
    %scan3A_46 = arith.constant 0 : i32
    %scan3A_47 = arith.constant 38 : i32
    %scan3A_48 = arith.addi %scan3A_46, %scan3A_47 : i32
    %scan3A_49 = arith.constant 1 : i32
    %scan3A_50 = scf.for %scan3A_96 = %scan3A_46 to %scan3A_48 step %scan3A_49 iter_args(%scan3A_97 = %scan3A_45) -> (i32)  : i32 {
      %mul3A_98 = arith.constant 2 : i32
      %mul3A_99 = arith.muli %mul3A_98, %scan3A_96 : i32
      %add3A_100 = arith.constant 1 : i32
      %add3A_101 = arith.addi %mul3A_99, %add3A_100 : i32
      %mul3A_102 = arith.constant 128 : i32
      %mul3A_103 = arith.muli %add3A_101, %mul3A_102 : i32
      %dma_wait3A_104 = tpu.memref_slice %arg6[%mul3A_103] : memref<10000xi32, #tpu.memory_space<vmem>> -> memref<128xi32, #tpu.memory_space<vmem>>
      %dma_wait3A_105 = arith.constant 0 : i32
      %dma_wait3A_106 = arith.constant 0 : i32
      %dma_wait3A_107 = tpu.memref_slice %arg2[%dma_wait3A_105, %dma_wait3A_106] : memref<10240x128xf32, #tpu.memory_space<hbm>> -> memref<10240x128xf32, #tpu.memory_space<hbm>>
      tpu.wait_indirect_dma semaphore(%arg15 : memref<!tpu.dma_semaphore, #tpu.memory_space<semaphore_mem>>) src(%dma_wait3A_107 : memref<10240x128xf32, #tpu.memory_space<hbm>>) dst(%arg10 : memref<128x128xf32, #tpu.memory_space<vmem>>)
      %mul3A_108 = arith.constant 128 : i32
      %mul3A_109 = arith.muli %add3A_101, %mul3A_108 : i32
      %add3A_110 = arith.addi %mul3A_2, %mul3A_109 : i32
      %dma_wait3A_111 = tpu.memref_slice %arg4[%add3A_110] : memref<320000xi32, #tpu.memory_space<hbm>> -> memref<128xi32, #tpu.memory_space<hbm>>
      %dma_wait3A_112 = tpu.memref_slice %arg4[%add3A_110] : memref<320000xi32, #tpu.memory_space<hbm>> -> memref<128xi32, #tpu.memory_space<hbm>>
      tpu.wait_dma2 semaphore(%arg17 : memref<!tpu.dma_semaphore, #tpu.memory_space<semaphore_mem>>) src(%dma_wait3A_112 : memref<128xi32, #tpu.memory_space<hbm>>) dst(%arg8 : memref<128xi32, #tpu.memory_space<vmem>>)
      %dma_start3A_113 = arith.constant 0 : i32
      %dma_start3A_114 = arith.constant 0 : i32
      %dma_start3A_115 = tpu.memref_slice %arg13[%dma_start3A_113, %dma_start3A_114] : memref<10240x128xf32, #tpu.memory_space<vmem_shared>> -> memref<10240x128xf32, #tpu.memory_space<vmem_shared>>
      tpu.enqueue_indirect_dma source(%arg10 : memref<128x128xf32, #tpu.memory_space<vmem>>) target(%dma_start3A_115 : memref<10240x128xf32, #tpu.memory_space<vmem_shared>>) offsets(%arg8 : memref<128xi32, #tpu.memory_space<vmem>>) semaphore(%arg19 : memref<!tpu.dma_semaphore, #tpu.memory_space<semaphore_mem>>) {add = true}
      %dma_wait3A_116 = arith.constant 0 : i32
      %dma_wait3A_117 = arith.constant 0 : i32
      %dma_wait3A_118 = tpu.memref_slice %arg13[%dma_wait3A_116, %dma_wait3A_117] : memref<10240x128xf32, #tpu.memory_space<vmem_shared>> -> memref<10240x128xf32, #tpu.memory_space<vmem_shared>>
      tpu.wait_indirect_dma semaphore(%arg18 : memref<!tpu.dma_semaphore, #tpu.memory_space<semaphore_mem>>) src(%arg9 : memref<128x128xf32, #tpu.memory_space<vmem>>) dst(%dma_wait3A_118 : memref<10240x128xf32, #tpu.memory_space<vmem_shared>>)
      %add3A_119 = arith.constant 1 : i32
      %add3A_120 = arith.addi %add3A_101, %add3A_119 : i32
      %mul3A_121 = arith.constant 128 : i32
      %mul3A_122 = arith.muli %add3A_120, %mul3A_121 : i32
      %dma_start3A_123 = tpu.memref_slice %arg6[%mul3A_122] : memref<10000xi32, #tpu.memory_space<vmem>> -> memref<128xi32, #tpu.memory_space<vmem>>
      %dma_start3A_124 = arith.constant 0 : i32
      %dma_start3A_125 = arith.constant 0 : i32
      %dma_start3A_126 = tpu.memref_slice %arg2[%dma_start3A_124, %dma_start3A_125] : memref<10240x128xf32, #tpu.memory_space<hbm>> -> memref<10240x128xf32, #tpu.memory_space<hbm>>
      tpu.enqueue_indirect_dma source(%dma_start3A_126 : memref<10240x128xf32, #tpu.memory_space<hbm>>) target(%arg9 : memref<128x128xf32, #tpu.memory_space<vmem>>) offsets(%dma_start3A_123 : memref<128xi32, #tpu.memory_space<vmem>>) semaphore(%arg14 : memref<!tpu.dma_semaphore, #tpu.memory_space<semaphore_mem>>)
      %add3A_127 = arith.constant 1 : i32
      %add3A_128 = arith.addi %add3A_101, %add3A_127 : i32
      %mul3A_129 = arith.constant 128 : i32
      %mul3A_130 = arith.muli %add3A_128, %mul3A_129 : i32
      %add3A_131 = arith.addi %mul3A_2, %mul3A_130 : i32
      %dma_start3A_132 = tpu.memref_slice %arg4[%add3A_131] : memref<320000xi32, #tpu.memory_space<hbm>> -> memref<128xi32, #tpu.memory_space<hbm>>
      %dma_start3A_133 = tpu.memref_slice %arg4[%add3A_131] : memref<320000xi32, #tpu.memory_space<hbm>> -> memref<128xi32, #tpu.memory_space<hbm>>
      tpu.enqueue_dma source(%dma_start3A_133 : memref<128xi32, #tpu.memory_space<hbm>>) target(%arg7 : memref<128xi32, #tpu.memory_space<vmem>>) target_semaphore(%arg16 : memref<!tpu.dma_semaphore, #tpu.memory_space<semaphore_mem>>)
      %add3A_134 = arith.constant 1 : i32
      %add3A_135 = arith.addi %add3A_101, %add3A_134 : i32
      %mul3A_136 = arith.constant 128 : i32
      %mul3A_137 = arith.muli %add3A_135, %mul3A_136 : i32
      %dma_wait3A_138 = tpu.memref_slice %arg6[%mul3A_137] : memref<10000xi32, #tpu.memory_space<vmem>> -> memref<128xi32, #tpu.memory_space<vmem>>
      %dma_wait3A_139 = arith.constant 0 : i32
      %dma_wait3A_140 = arith.constant 0 : i32
      %dma_wait3A_141 = tpu.memref_slice %arg2[%dma_wait3A_139, %dma_wait3A_140] : memref<10240x128xf32, #tpu.memory_space<hbm>> -> memref<10240x128xf32, #tpu.memory_space<hbm>>
      tpu.wait_indirect_dma semaphore(%arg14 : memref<!tpu.dma_semaphore, #tpu.memory_space<semaphore_mem>>) src(%dma_wait3A_141 : memref<10240x128xf32, #tpu.memory_space<hbm>>) dst(%arg9 : memref<128x128xf32, #tpu.memory_space<vmem>>)
      %add3A_142 = arith.constant 1 : i32
      %add3A_143 = arith.addi %add3A_101, %add3A_142 : i32
      %mul3A_144 = arith.constant 128 : i32
      %mul3A_145 = arith.muli %add3A_143, %mul3A_144 : i32
      %add3A_146 = arith.addi %mul3A_2, %mul3A_145 : i32
      %dma_wait3A_147 = tpu.memref_slice %arg4[%add3A_146] : memref<320000xi32, #tpu.memory_space<hbm>> -> memref<128xi32, #tpu.memory_space<hbm>>
      %dma_wait3A_148 = tpu.memref_slice %arg4[%add3A_146] : memref<320000xi32, #tpu.memory_space<hbm>> -> memref<128xi32, #tpu.memory_space<hbm>>
      tpu.wait_dma2 semaphore(%arg16 : memref<!tpu.dma_semaphore, #tpu.memory_space<semaphore_mem>>) src(%dma_wait3A_148 : memref<128xi32, #tpu.memory_space<hbm>>) dst(%arg7 : memref<128xi32, #tpu.memory_space<vmem>>)
      %dma_start3A_149 = arith.constant 0 : i32
      %dma_start3A_150 = arith.constant 0 : i32
      %dma_start3A_151 = tpu.memref_slice %arg13[%dma_start3A_149, %dma_start3A_150] : memref<10240x128xf32, #tpu.memory_space<vmem_shared>> -> memref<10240x128xf32, #tpu.memory_space<vmem_shared>>
      tpu.enqueue_indirect_dma source(%arg9 : memref<128x128xf32, #tpu.memory_space<vmem>>) target(%dma_start3A_151 : memref<10240x128xf32, #tpu.memory_space<vmem_shared>>) offsets(%arg7 : memref<128xi32, #tpu.memory_space<vmem>>) semaphore(%arg18 : memref<!tpu.dma_semaphore, #tpu.memory_space<semaphore_mem>>) {add = true}
      %dma_wait3A_152 = arith.constant 0 : i32
      %dma_wait3A_153 = arith.constant 0 : i32
      %dma_wait3A_154 = tpu.memref_slice %arg13[%dma_wait3A_152, %dma_wait3A_153] : memref<10240x128xf32, #tpu.memory_space<vmem_shared>> -> memref<10240x128xf32, #tpu.memory_space<vmem_shared>>
      tpu.wait_indirect_dma semaphore(%arg19 : memref<!tpu.dma_semaphore, #tpu.memory_space<semaphore_mem>>) src(%arg10 : memref<128x128xf32, #tpu.memory_space<vmem>>) dst(%dma_wait3A_154 : memref<10240x128xf32, #tpu.memory_space<vmem_shared>>)
      %add3A_155 = arith.constant 2 : i32
      %add3A_156 = arith.addi %add3A_101, %add3A_155 : i32
      %mul3A_157 = arith.constant 128 : i32
      %mul3A_158 = arith.muli %add3A_156, %mul3A_157 : i32
      %dma_start3A_159 = tpu.memref_slice %arg6[%mul3A_158] : memref<10000xi32, #tpu.memory_space<vmem>> -> memref<128xi32, #tpu.memory_space<vmem>>
      %dma_start3A_160 = arith.constant 0 : i32
      %dma_start3A_161 = arith.constant 0 : i32
      %dma_start3A_162 = tpu.memref_slice %arg2[%dma_start3A_160, %dma_start3A_161] : memref<10240x128xf32, #tpu.memory_space<hbm>> -> memref<10240x128xf32, #tpu.memory_space<hbm>>
      tpu.enqueue_indirect_dma source(%dma_start3A_162 : memref<10240x128xf32, #tpu.memory_space<hbm>>) target(%arg10 : memref<128x128xf32, #tpu.memory_space<vmem>>) offsets(%dma_start3A_159 : memref<128xi32, #tpu.memory_space<vmem>>) semaphore(%arg15 : memref<!tpu.dma_semaphore, #tpu.memory_space<semaphore_mem>>)
      %add3A_163 = arith.constant 2 : i32
      %add3A_164 = arith.addi %add3A_101, %add3A_163 : i32
      %mul3A_165 = arith.constant 128 : i32
      %mul3A_166 = arith.muli %add3A_164, %mul3A_165 : i32
      %add3A_167 = arith.addi %mul3A_2, %mul3A_166 : i32
      %dma_start3A_168 = tpu.memref_slice %arg4[%add3A_167] : memref<320000xi32, #tpu.memory_space<hbm>> -> memref<128xi32, #tpu.memory_space<hbm>>
      %dma_start3A_169 = tpu.memref_slice %arg4[%add3A_167] : memref<320000xi32, #tpu.memory_space<hbm>> -> memref<128xi32, #tpu.memory_space<hbm>>
      tpu.enqueue_dma source(%dma_start3A_169 : memref<128xi32, #tpu.memory_space<hbm>>) target(%arg8 : memref<128xi32, #tpu.memory_space<vmem>>) target_semaphore(%arg17 : memref<!tpu.dma_semaphore, #tpu.memory_space<semaphore_mem>>)
      %scan3A_170 = arith.constant 0 : i32
      scf.yield %scan3A_170 : i32
    }
    %scan3A_51 = arith.constant 38 : i32
    %dma_wait3A_52 = arith.constant 9856 : i32
    %dma_wait3A_53 = tpu.memref_slice %arg6[%dma_wait3A_52] : memref<10000xi32, #tpu.memory_space<vmem>> -> memref<128xi32, #tpu.memory_space<vmem>>
    %dma_wait3A_54 = arith.constant 0 : i32
    %dma_wait3A_55 = arith.constant 0 : i32
    %dma_wait3A_56 = tpu.memref_slice %arg2[%dma_wait3A_54, %dma_wait3A_55] : memref<10240x128xf32, #tpu.memory_space<hbm>> -> memref<10240x128xf32, #tpu.memory_space<hbm>>
    tpu.wait_indirect_dma semaphore(%arg15 : memref<!tpu.dma_semaphore, #tpu.memory_space<semaphore_mem>>) src(%dma_wait3A_56 : memref<10240x128xf32, #tpu.memory_space<hbm>>) dst(%arg10 : memref<128x128xf32, #tpu.memory_space<vmem>>)
    %add3A_57 = arith.constant 9856 : i32
    %add3A_58 = arith.addi %mul3A_2, %add3A_57 : i32
    %dma_wait3A_59 = tpu.memref_slice %arg4[%add3A_58] : memref<320000xi32, #tpu.memory_space<hbm>> -> memref<128xi32, #tpu.memory_space<hbm>>
    %dma_wait3A_60 = tpu.memref_slice %arg4[%add3A_58] : memref<320000xi32, #tpu.memory_space<hbm>> -> memref<128xi32, #tpu.memory_space<hbm>>
    tpu.wait_dma2 semaphore(%arg17 : memref<!tpu.dma_semaphore, #tpu.memory_space<semaphore_mem>>) src(%dma_wait3A_60 : memref<128xi32, #tpu.memory_space<hbm>>) dst(%arg8 : memref<128xi32, #tpu.memory_space<vmem>>)
    %dma_start3A_61 = arith.constant 0 : i32
    %dma_start3A_62 = arith.constant 0 : i32
    %dma_start3A_63 = tpu.memref_slice %arg13[%dma_start3A_61, %dma_start3A_62] : memref<10240x128xf32, #tpu.memory_space<vmem_shared>> -> memref<10240x128xf32, #tpu.memory_space<vmem_shared>>
    tpu.enqueue_indirect_dma source(%arg10 : memref<128x128xf32, #tpu.memory_space<vmem>>) target(%dma_start3A_63 : memref<10240x128xf32, #tpu.memory_space<vmem_shared>>) offsets(%arg8 : memref<128xi32, #tpu.memory_space<vmem>>) semaphore(%arg19 : memref<!tpu.dma_semaphore, #tpu.memory_space<semaphore_mem>>) {add = true}
    %dma_start3A_64 = arith.constant 9984 : i32
    %dma_start3A_65 = tpu.memref_slice %arg6[%dma_start3A_64] : memref<10000xi32, #tpu.memory_space<vmem>> -> memref<16xi32, #tpu.memory_space<vmem>>
    %dma_start3A_66 = arith.constant 0 : i32
    %dma_start3A_67 = arith.constant 0 : i32
    %dma_start3A_68 = tpu.memref_slice %arg2[%dma_start3A_66, %dma_start3A_67] : memref<10240x128xf32, #tpu.memory_space<hbm>> -> memref<10240x128xf32, #tpu.memory_space<hbm>>
    tpu.enqueue_indirect_dma source(%dma_start3A_68 : memref<10240x128xf32, #tpu.memory_space<hbm>>) target(%arg11 : memref<16x128xf32, #tpu.memory_space<vmem>>) offsets(%dma_start3A_65 : memref<16xi32, #tpu.memory_space<vmem>>) semaphore(%arg14 : memref<!tpu.dma_semaphore, #tpu.memory_space<semaphore_mem>>)
    %add3A_69 = arith.constant 9984 : i32
    %add3A_70 = arith.addi %mul3A_2, %add3A_69 : i32
    %dma_start3A_71 = tpu.memref_slice %arg4[%add3A_70] : memref<320000xi32, #tpu.memory_space<hbm>> -> memref<16xi32, #tpu.memory_space<hbm>>
    %dma_start3A_72 = tpu.memref_slice %arg4[%add3A_70] : memref<320000xi32, #tpu.memory_space<hbm>> -> memref<16xi32, #tpu.memory_space<hbm>>
    tpu.enqueue_dma source(%dma_start3A_72 : memref<16xi32, #tpu.memory_space<hbm>>) target(%arg12 : memref<16xi32, #tpu.memory_space<vmem>>) target_semaphore(%arg16 : memref<!tpu.dma_semaphore, #tpu.memory_space<semaphore_mem>>)
    %dma_wait3A_73 = arith.constant 9984 : i32
    %dma_wait3A_74 = tpu.memref_slice %arg6[%dma_wait3A_73] : memref<10000xi32, #tpu.memory_space<vmem>> -> memref<16xi32, #tpu.memory_space<vmem>>
    %dma_wait3A_75 = arith.constant 0 : i32
    %dma_wait3A_76 = arith.constant 0 : i32
    %dma_wait3A_77 = tpu.memref_slice %arg2[%dma_wait3A_75, %dma_wait3A_76] : memref<10240x128xf32, #tpu.memory_space<hbm>> -> memref<10240x128xf32, #tpu.memory_space<hbm>>
    tpu.wait_indirect_dma semaphore(%arg14 : memref<!tpu.dma_semaphore, #tpu.memory_space<semaphore_mem>>) src(%dma_wait3A_77 : memref<10240x128xf32, #tpu.memory_space<hbm>>) dst(%arg11 : memref<16x128xf32, #tpu.memory_space<vmem>>)
    %add3A_78 = arith.constant 9984 : i32
    %add3A_79 = arith.addi %mul3A_2, %add3A_78 : i32
    %dma_wait3A_80 = tpu.memref_slice %arg4[%add3A_79] : memref<320000xi32, #tpu.memory_space<hbm>> -> memref<16xi32, #tpu.memory_space<hbm>>
    %dma_wait3A_81 = tpu.memref_slice %arg4[%add3A_79] : memref<320000xi32, #tpu.memory_space<hbm>> -> memref<16xi32, #tpu.memory_space<hbm>>
    tpu.wait_dma2 semaphore(%arg16 : memref<!tpu.dma_semaphore, #tpu.memory_space<semaphore_mem>>) src(%dma_wait3A_81 : memref<16xi32, #tpu.memory_space<hbm>>) dst(%arg12 : memref<16xi32, #tpu.memory_space<vmem>>)
    "tpu.region"() ({
      %run_scoped3A = tpu.sem_alloc : memref<!tpu.dma_semaphore, #tpu.memory_space<semaphore_mem>>
      %dma_start3A_96 = arith.constant 0 : i32
      %dma_start3A_97 = arith.constant 0 : i32
      %dma_start3A_98 = tpu.memref_slice %arg13[%dma_start3A_96, %dma_start3A_97] : memref<10240x128xf32, #tpu.memory_space<vmem_shared>> -> memref<10240x128xf32, #tpu.memory_space<vmem_shared>>
      tpu.enqueue_indirect_dma source(%arg11 : memref<16x128xf32, #tpu.memory_space<vmem>>) target(%dma_start3A_98 : memref<10240x128xf32, #tpu.memory_space<vmem_shared>>) offsets(%arg12 : memref<16xi32, #tpu.memory_space<vmem>>) semaphore(%run_scoped3A : memref<!tpu.dma_semaphore, #tpu.memory_space<semaphore_mem>>) {add = true}
      %dma_wait3A_99 = arith.constant 0 : i32
      %dma_wait3A_100 = arith.constant 0 : i32
      %dma_wait3A_101 = tpu.memref_slice %arg13[%dma_wait3A_99, %dma_wait3A_100] : memref<10240x128xf32, #tpu.memory_space<vmem_shared>> -> memref<10240x128xf32, #tpu.memory_space<vmem_shared>>
      tpu.wait_indirect_dma semaphore(%run_scoped3A : memref<!tpu.dma_semaphore, #tpu.memory_space<semaphore_mem>>) src(%arg11 : memref<16x128xf32, #tpu.memory_space<vmem>>) dst(%dma_wait3A_101 : memref<10240x128xf32, #tpu.memory_space<vmem_shared>>)
      tpu.yield
    }) : () -> ()
    %dma_wait3A_82 = arith.constant 0 : i32
    %dma_wait3A_83 = arith.constant 0 : i32
    %dma_wait3A_84 = tpu.memref_slice %arg13[%dma_wait3A_82, %dma_wait3A_83] : memref<10240x128xf32, #tpu.memory_space<vmem_shared>> -> memref<10240x128xf32, #tpu.memory_space<vmem_shared>>
    tpu.wait_indirect_dma semaphore(%arg18 : memref<!tpu.dma_semaphore, #tpu.memory_space<semaphore_mem>>) src(%arg9 : memref<128x128xf32, #tpu.memory_space<vmem>>) dst(%dma_wait3A_84 : memref<10240x128xf32, #tpu.memory_space<vmem_shared>>)
    %dma_wait3A_85 = arith.constant 0 : i32
    %dma_wait3A_86 = arith.constant 0 : i32
    %dma_wait3A_87 = tpu.memref_slice %arg13[%dma_wait3A_85, %dma_wait3A_86] : memref<10240x128xf32, #tpu.memory_space<vmem_shared>> -> memref<10240x128xf32, #tpu.memory_space<vmem_shared>>
    tpu.wait_indirect_dma semaphore(%arg19 : memref<!tpu.dma_semaphore, #tpu.memory_space<semaphore_mem>>) src(%arg10 : memref<128x128xf32, #tpu.memory_space<vmem>>) dst(%dma_wait3A_87 : memref<10240x128xf32, #tpu.memory_space<vmem_shared>>)
    %barrier3A_88 = arith.constant 0 : index
    tpu.barrier barrier_id(%barrier3A_88)
    %scan3A_89 = arith.constant 0 : i32
    %scan3A_90 = arith.constant 0 : i32
    %scan3A_91 = arith.constant 5 : i32
    %scan3A_92 = arith.addi %scan3A_90, %scan3A_91 : i32
    %scan3A_93 = arith.constant 1 : i32
    %scan3A_94 = scf.for %scan3A_96 = %scan3A_90 to %scan3A_92 step %scan3A_93 iter_args(%scan3A_97 = %scan3A_89) -> (i32)  : i32 {
      %mul3A_98 = arith.constant 640 : i32
      %mul3A_99 = arith.muli %arg1, %mul3A_98 : i32
      %mul3A_100 = arith.constant 128 : i32
      %mul3A_101 = arith.muli %scan3A_96, %mul3A_100 : i32
      %add3A_102 = arith.addi %mul3A_99, %mul3A_101 : i32
      %mul3A_103 = arith.constant 10240 : i32
      %mul3A_104 = arith.muli %arg0, %mul3A_103 : i32
      %add3A_105 = arith.addi %mul3A_104, %add3A_102 : i32
      "tpu.region"() ({
        %run_scoped3A = tpu.sem_alloc : memref<!tpu.dma_semaphore, #tpu.memory_space<semaphore_mem>>
        %dma_start3A_107 = arith.constant 0 : i32
        %dma_start3A_108 = tpu.memref_slice %arg5[%add3A_105, %dma_start3A_107] : memref<20480x128xf32, #tpu.memory_space<hbm>> -> memref<128x128xf32, #tpu.memory_space<hbm>>
        %dma_start3A_109 = arith.constant 0 : i32
        %dma_start3A_110 = tpu.memref_slice %arg13[%add3A_102, %dma_start3A_109] : memref<10240x128xf32, #tpu.memory_space<vmem_shared>> -> memref<128x128xf32, #tpu.memory_space<vmem_shared>>
        tpu.enqueue_dma source(%dma_start3A_110 : memref<128x128xf32, #tpu.memory_space<vmem_shared>>) target(%dma_start3A_108 : memref<128x128xf32, #tpu.memory_space<hbm>>) target_semaphore(%run_scoped3A : memref<!tpu.dma_semaphore, #tpu.memory_space<semaphore_mem>>)
        %dma_wait3A_111 = arith.constant 0 : i32
        %dma_wait3A_112 = tpu.memref_slice %arg5[%add3A_105, %dma_wait3A_111] : memref<20480x128xf32, #tpu.memory_space<hbm>> -> memref<128x128xf32, #tpu.memory_space<hbm>>
        %dma_wait3A_113 = arith.constant 0 : i32
        %dma_wait3A_114 = tpu.memref_slice %arg13[%add3A_102, %dma_wait3A_113] : memref<10240x128xf32, #tpu.memory_space<vmem_shared>> -> memref<128x128xf32, #tpu.memory_space<vmem_shared>>
        tpu.wait_dma2 semaphore(%run_scoped3A : memref<!tpu.dma_semaphore, #tpu.memory_space<semaphore_mem>>) src(%dma_wait3A_114 : memref<128x128xf32, #tpu.memory_space<vmem_shared>>) dst(%dma_wait3A_112 : memref<128x128xf32, #tpu.memory_space<hbm>>)
        tpu.yield
      }) : () -> ()
      %scan3A_106 = arith.constant 0 : i32
      scf.yield %scan3A_106 : i32
    }
    %scan3A_95 = arith.constant 5 : i32
    return
  }
}

#map = affine_map<(d0, d1) -> (0, 0)>
#map1 = affine_map<(d0, d1) -> (0)>
module attributes {stable_mosaic.version = 14 : i64} {
  func.func @body(%arg0: i32, %arg1: i32, %arg2: memref<10240x128xf32, #tpu.memory_space<hbm>>, %arg3: memref<320000xi32, #tpu.memory_space<hbm>>, %arg4: memref<320000xi32, #tpu.memory_space<hbm>>, %arg5: memref<20480x128xf32, #tpu.memory_space<hbm>>, %arg6: memref<10000xi32, #tpu.memory_space<vmem>>, %arg7: memref<128xi32, #tpu.memory_space<vmem>>, %arg8: memref<128xi32, #tpu.memory_space<vmem>>, %arg9: memref<128x128xf32, #tpu.memory_space<vmem>>, %arg10: memref<128x128xf32, #tpu.memory_space<vmem>>, %arg11: memref<16x128xf32, #tpu.memory_space<vmem>>, %arg12: memref<16xi32, #tpu.memory_space<vmem>>, %arg13: memref<10240x128xf32, #tpu.memory_space<vmem_shared>>, %arg14: memref<!tpu.dma_semaphore, #tpu.memory_space<semaphore_mem>>, %arg15: memref<!tpu.dma_semaphore, #tpu.memory_space<semaphore_mem>>, %arg16: memref<!tpu.dma_semaphore, #tpu.memory_space<semaphore_mem>>, %arg17: memref<!tpu.dma_semaphore, #tpu.memory_space<semaphore_mem>>, %arg18: memref<!tpu.dma_semaphore, #tpu.memory_space<semaphore_mem>>, %arg19: memref<!tpu.dma_semaphore, #tpu.memory_space<semaphore_mem>>) attributes {dimension_semantics = [#tpu.dimension_semantics<core_parallel>, #tpu.dimension_semantics<subcore_parallel>], iteration_bounds = array<i64: 2, 16>, scalar_prefetch = 0 : i64, scratch_operands = 14 : i64, tpu.core_type = #tpu.core_type<sc_vector_subcore>, window_params = [{transform_indices = #map}, {transform_indices = #map1}, {transform_indices = #map1}, {transform_indices = #map}]} {
    %mul3A = arith.constant 2 : i32
    %mul3A_0 = arith.muli %arg1, %mul3A : i32
    %add3A = arith.addi %mul3A_0, %arg0 : i32
    %mul3A_1 = arith.constant 10000 : i32
    %mul3A_2 = arith.muli %add3A, %mul3A_1 : i32
    %broadcast_in_dim3A = arith.constant 0.000000e+00 : f32
    %broadcast_in_dim3A_3 = vector.broadcast %broadcast_in_dim3A : f32 to vector<16xf32>
    %scan3A = arith.constant 0 : i32
    %scan3A_4 = arith.constant 0 : i32
    %scan3A_5 = arith.constant 1024 : i32
    %scan3A_6 = arith.addi %scan3A_4, %scan3A_5 : i32
    %scan3A_7 = arith.constant 1 : i32
    %scan3A_8 = scf.for %scan3A_96 = %scan3A_4 to %scan3A_6 step %scan3A_7 iter_args(%scan3A_97 = %scan3A) -> (i32)  : i32 {
      %jit3A = arith.constant 8 : i32
      %div3A = arith.divsi %scan3A_96, %jit3A : i32
      %sign3A = arith.constant 0 : i32
      %sign3A_98 = arith.cmpi sgt, %scan3A_96, %sign3A : i32
      %sign3A_99 = arith.extui %sign3A_98 : i1 to i32
      %sign3A_100 = arith.constant 0 : i32
      %sign3A_101 = arith.cmpi slt, %scan3A_96, %sign3A_100 : i32
      %sign3A_102 = arith.extui %sign3A_101 : i1 to i32
      %sign3A_103 = arith.subi %sign3A_99, %sign3A_102 : i32
      %sign3A_104 = arith.constant 0 : i32
      %sign3A_105 = arith.cmpi sgt, %jit3A, %sign3A_104 : i32
      %sign3A_106 = arith.extui %sign3A_105 : i1 to i32
      %sign3A_107 = arith.constant 0 : i32
      %sign3A_108 = arith.cmpi slt, %jit3A, %sign3A_107 : i32
      %sign3A_109 = arith.extui %sign3A_108 : i1 to i32
      %sign3A_110 = arith.subi %sign3A_106, %sign3A_109 : i32
      %ne3A = arith.cmpi ne, %sign3A_103, %sign3A_110 : i32
      %rem3A = arith.remsi %scan3A_96, %jit3A : i32
      %ne3A_111 = arith.constant 0 : i32
      %ne3A_112 = arith.cmpi ne, %rem3A, %ne3A_111 : i32
      %and3A = arith.andi %ne3A, %ne3A_112 : i1
      %sub3A = arith.constant 1 : i32
      %sub3A_113 = arith.subi %div3A, %sub3A : i32
      %select_n3A = arith.select %and3A, %sub3A_113, %div3A : i32
      %jit3A_114 = arith.constant 8 : i32
      %eq3A = arith.constant 0 : i32
      %eq3A_115 = arith.cmpi eq, %jit3A_114, %eq3A : i32
      %jit3A_116 = arith.constant 1 : i32
      %select_n3A_117 = arith.select %eq3A_115, %jit3A_116, %jit3A_114 : i32
      %rem3A_118 = arith.remsi %scan3A_96, %select_n3A_117 : i32
      %ne3A_119 = arith.constant 0 : i32
      %ne3A_120 = arith.cmpi ne, %rem3A_118, %ne3A_119 : i32
      %lt3A = arith.constant 0 : i32
      %lt3A_121 = arith.cmpi slt, %rem3A_118, %lt3A : i32
      %lt3A_122 = arith.constant 0 : i32
      %lt3A_123 = arith.cmpi slt, %select_n3A_117, %lt3A_122 : i32
      %ne3A_124 = arith.xori %lt3A_121, %lt3A_123 : i1
      %and3A_125 = arith.andi %ne3A_124, %ne3A_120 : i1
      %add3A_126 = arith.addi %rem3A_118, %select_n3A_117 : i32
      %select_n3A_127 = arith.select %and3A_125, %add3A_126, %rem3A_118 : i32
      %mul3A_128 = arith.constant 16 : i32
      %mul3A_129 = arith.muli %select_n3A_127, %mul3A_128 : i32
      %swap3A = arith.index_cast %select_n3A : i32 to index
      %swap3A_130 = arith.index_cast %mul3A_129 : i32 to index
      %swap3A_131 = tpu.vector_load %arg9[%swap3A, %swap3A_130] {strides = array<i32>} : memref<128x128xf32, #tpu.memory_space<vmem>>, vector<1x16xf32>,
      %swap3A_132 = vector.shape_cast %swap3A_131 : vector<1x16xf32> to vector<16xf32>
      %swap3A_133 = vector.shape_cast %broadcast_in_dim3A_3 : vector<16xf32> to vector<1x16xf32>
      tpu.vector_store %arg9[%swap3A, %swap3A_130], %swap3A_133 {strides = array<i32>} : memref<128x128xf32, #tpu.memory_space<vmem>>, vector<1x16xf32>,
      %scan3A_134 = arith.constant 0 : i32
      scf.yield %scan3A_134 : i32
    }
    %scan3A_9 = arith.constant 1024 : i32
    "tpu.region"() ({
      %run_scoped3A = tpu.sem_alloc : memref<!tpu.dma_semaphore, #tpu.memory_space<semaphore_mem>>
      %dma_start3A_96 = tpu.memref_slice %arg3[%mul3A_2] : memref<320000xi32, #tpu.memory_space<hbm>> -> memref<10000xi32, #tpu.memory_space<hbm>>
      %dma_start3A_97 = tpu.memref_slice %arg3[%mul3A_2] : memref<320000xi32, #tpu.memory_space<hbm>> -> memref<10000xi32, #tpu.memory_space<hbm>>
      tpu.enqueue_dma source(%dma_start3A_97 : memref<10000xi32, #tpu.memory_space<hbm>>) target(%arg6 : memref<10000xi32, #tpu.memory_space<vmem>>) target_semaphore(%run_scoped3A : memref<!tpu.dma_semaphore, #tpu.memory_space<semaphore_mem>>)
      %dma_wait3A_98 = tpu.memref_slice %arg3[%mul3A_2] : memref<320000xi32, #tpu.memory_space<hbm>> -> memref<10000xi32, #tpu.memory_space<hbm>>
      %dma_wait3A_99 = tpu.memref_slice %arg3[%mul3A_2] : memref<320000xi32, #tpu.memory_space<hbm>> -> memref<10000xi32, #tpu.memory_space<hbm>>
      tpu.wait_dma2 semaphore(%run_scoped3A : memref<!tpu.dma_semaphore, #tpu.memory_space<semaphore_mem>>) src(%dma_wait3A_99 : memref<10000xi32, #tpu.memory_space<hbm>>) dst(%arg6 : memref<10000xi32, #tpu.memory_space<vmem>>)
      tpu.yield
    }) : () -> ()
    %scan3A_10 = arith.constant 0 : i32
    %scan3A_11 = arith.constant 0 : i32
    %scan3A_12 = arith.constant 5 : i32
    %scan3A_13 = arith.addi %scan3A_11, %scan3A_12 : i32
    %scan3A_14 = arith.constant 1 : i32
    %scan3A_15 = scf.for %scan3A_96 = %scan3A_11 to %scan3A_13 step %scan3A_14 iter_args(%scan3A_97 = %scan3A_10) -> (i32)  : i32 {
      %mul3A_98 = arith.constant 640 : i32
      %mul3A_99 = arith.muli %arg1, %mul3A_98 : i32
      %mul3A_100 = arith.constant 128 : i32
      %mul3A_101 = arith.muli %scan3A_96, %mul3A_100 : i32
      %add3A_102 = arith.addi %mul3A_99, %mul3A_101 : i32
      "tpu.region"() ({
        %run_scoped3A = tpu.sem_alloc : memref<!tpu.dma_semaphore, #tpu.memory_space<semaphore_mem>>
        %dma_start3A_104 = arith.constant 0 : i32
        %dma_start3A_105 = tpu.memref_slice %arg13[%add3A_102, %dma_start3A_104] : memref<10240x128xf32, #tpu.memory_space<vmem_shared>> -> memref<128x128xf32, #tpu.memory_space<vmem_shared>>
        %dma_start3A_106 = arith.constant 0 : i32
        %dma_start3A_107 = tpu.memref_slice %arg13[%add3A_102, %dma_start3A_106] : memref<10240x128xf32, #tpu.memory_space<vmem_shared>> -> memref<128x128xf32, #tpu.memory_space<vmem_shared>>
        tpu.enqueue_dma source(%arg9 : memref<128x128xf32, #tpu.memory_space<vmem>>) target(%dma_start3A_107 : memref<128x128xf32, #tpu.memory_space<vmem_shared>>) target_semaphore(%run_scoped3A : memref<!tpu.dma_semaphore, #tpu.memory_space<semaphore_mem>>)
        %dma_wait3A_108 = arith.constant 0 : i32
        %dma_wait3A_109 = tpu.memref_slice %arg13[%add3A_102, %dma_wait3A_108] : memref<10240x128xf32, #tpu.memory_space<vmem_shared>> -> memref<128x128xf32, #tpu.memory_space<vmem_shared>>
        %dma_wait3A_110 = arith.constant 0 : i32
        %dma_wait3A_111 = tpu.memref_slice %arg13[%add3A_102, %dma_wait3A_110] : memref<10240x128xf32, #tpu.memory_space<vmem_shared>> -> memref<128x128xf32, #tpu.memory_space<vmem_shared>>
        tpu.wait_dma2 semaphore(%run_scoped3A : memref<!tpu.dma_semaphore, #tpu.memory_space<semaphore_mem>>) src(%arg9 : memref<128x128xf32, #tpu.memory_space<vmem>>) dst(%dma_wait3A_111 : memref<128x128xf32, #tpu.memory_space<vmem_shared>>)
        tpu.yield
      }) : () -> ()
      %scan3A_103 = arith.constant 0 : i32
      scf.yield %scan3A_103 : i32
    }
    %scan3A_16 = arith.constant 5 : i32
    %barrier3A = arith.constant 0 : index
    tpu.barrier barrier_id(%barrier3A)
    %dma_start3A = arith.constant 0 : i32
    %dma_start3A_17 = tpu.memref_slice %arg6[%dma_start3A] : memref<10000xi32, #tpu.memory_space<vmem>> -> memref<128xi32, #tpu.memory_space<vmem>>
    %dma_start3A_18 = arith.constant 0 : i32
    %dma_start3A_19 = arith.constant 0 : i32
    %dma_start3A_20 = tpu.memref_slice %arg2[%dma_start3A_18, %dma_start3A_19] : memref<10240x128xf32, #tpu.memory_space<hbm>> -> memref<10240x128xf32, #tpu.memory_space<hbm>>
    tpu.enqueue_indirect_dma source(%dma_start3A_20 : memref<10240x128xf32, #tpu.memory_space<hbm>>) target(%arg9 : memref<128x128xf32, #tpu.memory_space<vmem>>) offsets(%dma_start3A_17 : memref<128xi32, #tpu.memory_space<vmem>>) semaphore(%arg14 : memref<!tpu.dma_semaphore, #tpu.memory_space<semaphore_mem>>)
    %add3A_21 = arith.constant 0 : i32
    %add3A_22 = arith.addi %mul3A_2, %add3A_21 : i32
    %dma_start3A_23 = tpu.memref_slice %arg4[%add3A_22] : memref<320000xi32, #tpu.memory_space<hbm>> -> memref<128xi32, #tpu.memory_space<hbm>>
    %dma_start3A_24 = tpu.memref_slice %arg4[%add3A_22] : memref<320000xi32, #tpu.memory_space<hbm>> -> memref<128xi32, #tpu.memory_space<hbm>>
    tpu.enqueue_dma source(%dma_start3A_24 : memref<128xi32, #tpu.memory_space<hbm>>) target(%arg7 : memref<128xi32, #tpu.memory_space<vmem>>) target_semaphore(%arg16 : memref<!tpu.dma_semaphore, #tpu.memory_space<semaphore_mem>>)
    %dma_wait3A = arith.constant 0 : i32
    %dma_wait3A_25 = tpu.memref_slice %arg6[%dma_wait3A] : memref<10000xi32, #tpu.memory_space<vmem>> -> memref<128xi32, #tpu.memory_space<vmem>>
    %dma_wait3A_26 = arith.constant 0 : i32
    %dma_wait3A_27 = arith.constant 0 : i32
    %dma_wait3A_28 = tpu.memref_slice %arg2[%dma_wait3A_26, %dma_wait3A_27] : memref<10240x128xf32, #tpu.memory_space<hbm>> -> memref<10240x128xf32, #tpu.memory_space<hbm>>
    tpu.wait_indirect_dma semaphore(%arg14 : memref<!tpu.dma_semaphore, #tpu.memory_space<semaphore_mem>>) src(%dma_wait3A_28 : memref<10240x128xf32, #tpu.memory_space<hbm>>) dst(%arg9 : memref<128x128xf32, #tpu.memory_space<vmem>>)
    %add3A_29 = arith.constant 0 : i32
    %add3A_30 = arith.addi %mul3A_2, %add3A_29 : i32
    %dma_wait3A_31 = tpu.memref_slice %arg4[%add3A_30] : memref<320000xi32, #tpu.memory_space<hbm>> -> memref<128xi32, #tpu.memory_space<hbm>>
    %dma_wait3A_32 = tpu.memref_slice %arg4[%add3A_30] : memref<320000xi32, #tpu.memory_space<hbm>> -> memref<128xi32, #tpu.memory_space<hbm>>
    tpu.wait_dma2 semaphore(%arg16 : memref<!tpu.dma_semaphore, #tpu.memory_space<semaphore_mem>>) src(%dma_wait3A_32 : memref<128xi32, #tpu.memory_space<hbm>>) dst(%arg7 : memref<128xi32, #tpu.memory_space<vmem>>)
    %dma_start3A_33 = arith.constant 0 : i32
    %dma_start3A_34 = arith.constant 0 : i32
    %dma_start3A_35 = tpu.memref_slice %arg13[%dma_start3A_33, %dma_start3A_34] : memref<10240x128xf32, #tpu.memory_space<vmem_shared>> -> memref<10240x128xf32, #tpu.memory_space<vmem_shared>>
    tpu.enqueue_indirect_dma source(%arg9 : memref<128x128xf32, #tpu.memory_space<vmem>>) target(%dma_start3A_35 : memref<10240x128xf32, #tpu.memory_space<vmem_shared>>) offsets(%arg7 : memref<128xi32, #tpu.memory_space<vmem>>) semaphore(%arg18 : memref<!tpu.dma_semaphore, #tpu.memory_space<semaphore_mem>>) {add = true}
    %dma_start3A_36 = arith.constant 128 : i32
    %dma_start3A_37 = tpu.memref_slice %arg6[%dma_start3A_36] : memref<10000xi32, #tpu.memory_space<vmem>> -> memref<128xi32, #tpu.memory_space<vmem>>
    %dma_start3A_38 = arith.constant 0 : i32
    %dma_start3A_39 = arith.constant 0 : i32
    %dma_start3A_40 = tpu.memref_slice %arg2[%dma_start3A_38, %dma_start3A_39] : memref<10240x128xf32, #tpu.memory_space<hbm>> -> memref<10240x128xf32, #tpu.memory_space<hbm>>
    tpu.enqueue_indirect_dma source(%dma_start3A_40 : memref<10240x128xf32, #tpu.memory_space<hbm>>) target(%arg10 : memref<128x128xf32, #tpu.memory_space<vmem>>) offsets(%dma_start3A_37 : memref<128xi32, #tpu.memory_space<vmem>>) semaphore(%arg15 : memref<!tpu.dma_semaphore, #tpu.memory_space<semaphore_mem>>)
    %add3A_41 = arith.constant 128 : i32
    %add3A_42 = arith.addi %mul3A_2, %add3A_41 : i32
    %dma_start3A_43 = tpu.memref_slice %arg4[%add3A_42] : memref<320000xi32, #tpu.memory_space<hbm>> -> memref<128xi32, #tpu.memory_space<hbm>>
    %dma_start3A_44 = tpu.memref_slice %arg4[%add3A_42] : memref<320000xi32, #tpu.memory_space<hbm>> -> memref<128xi32, #tpu.memory_space<hbm>>
    tpu.enqueue_dma source(%dma_start3A_44 : memref<128xi32, #tpu.memory_space<hbm>>) target(%arg8 : memref<128xi32, #tpu.memory_space<vmem>>) target_semaphore(%arg17 : memref<!tpu.dma_semaphore, #tpu.memory_space<semaphore_mem>>)
    %scan3A_45 = arith.constant 0 : i32
    %scan3A_46 = arith.constant 0 : i32
    %scan3A_47 = arith.constant 38 : i32
    %scan3A_48 = arith.addi %scan3A_46, %scan3A_47 : i32
    %scan3A_49 = arith.constant 1 : i32
    %scan3A_50 = scf.for %scan3A_96 = %scan3A_46 to %scan3A_48 step %scan3A_49 iter_args(%scan3A_97 = %scan3A_45) -> (i32)  : i32 {
      %mul3A_98 = arith.constant 2 : i32
      %mul3A_99 = arith.muli %mul3A_98, %scan3A_96 : i32
      %add3A_100 = arith.constant 1 : i32
      %add3A_101 = arith.addi %mul3A_99, %add3A_100 : i32
      %mul3A_102 = arith.constant 128 : i32
      %mul3A_103 = arith.muli %add3A_101, %mul3A_102 : i32
      %dma_wait3A_104 = tpu.memref_slice %arg6[%mul3A_103] : memref<10000xi32, #tpu.memory_space<vmem>> -> memref<128xi32, #tpu.memory_space<vmem>>
      %dma_wait3A_105 = arith.constant 0 : i32
      %dma_wait3A_106 = arith.constant 0 : i32
      %dma_wait3A_107 = tpu.memref_slice %arg2[%dma_wait3A_105, %dma_wait3A_106] : memref<10240x128xf32, #tpu.memory_space<hbm>> -> memref<10240x128xf32, #tpu.memory_space<hbm>>
      tpu.wait_indirect_dma semaphore(%arg15 : memref<!tpu.dma_semaphore, #tpu.memory_space<semaphore_mem>>) src(%dma_wait3A_107 : memref<10240x128xf32, #tpu.memory_space<hbm>>) dst(%arg10 : memref<128x128xf32, #tpu.memory_space<vmem>>)
      %mul3A_108 = arith.constant 128 : i32
      %mul3A_109 = arith.muli %add3A_101, %mul3A_108 : i32
      %add3A_110 = arith.addi %mul3A_2, %mul3A_109 : i32
      %dma_wait3A_111 = tpu.memref_slice %arg4[%add3A_110] : memref<320000xi32, #tpu.memory_space<hbm>> -> memref<128xi32, #tpu.memory_space<hbm>>
      %dma_wait3A_112 = tpu.memref_slice %arg4[%add3A_110] : memref<320000xi32, #tpu.memory_space<hbm>> -> memref<128xi32, #tpu.memory_space<hbm>>
      tpu.wait_dma2 semaphore(%arg17 : memref<!tpu.dma_semaphore, #tpu.memory_space<semaphore_mem>>) src(%dma_wait3A_112 : memref<128xi32, #tpu.memory_space<hbm>>) dst(%arg8 : memref<128xi32, #tpu.memory_space<vmem>>)
      %dma_start3A_113 = arith.constant 0 : i32
      %dma_start3A_114 = arith.constant 0 : i32
      %dma_start3A_115 = tpu.memref_slice %arg13[%dma_start3A_113, %dma_start3A_114] : memref<10240x128xf32, #tpu.memory_space<vmem_shared>> -> memref<10240x128xf32, #tpu.memory_space<vmem_shared>>
      tpu.enqueue_indirect_dma source(%arg10 : memref<128x128xf32, #tpu.memory_space<vmem>>) target(%dma_start3A_115 : memref<10240x128xf32, #tpu.memory_space<vmem_shared>>) offsets(%arg8 : memref<128xi32, #tpu.memory_space<vmem>>) semaphore(%arg19 : memref<!tpu.dma_semaphore, #tpu.memory_space<semaphore_mem>>) {add = true}
      %dma_wait3A_116 = arith.constant 0 : i32
      %dma_wait3A_117 = arith.constant 0 : i32
      %dma_wait3A_118 = tpu.memref_slice %arg13[%dma_wait3A_116, %dma_wait3A_117] : memref<10240x128xf32, #tpu.memory_space<vmem_shared>> -> memref<10240x128xf32, #tpu.memory_space<vmem_shared>>
      tpu.wait_indirect_dma semaphore(%arg18 : memref<!tpu.dma_semaphore, #tpu.memory_space<semaphore_mem>>) src(%arg9 : memref<128x128xf32, #tpu.memory_space<vmem>>) dst(%dma_wait3A_118 : memref<10240x128xf32, #tpu.memory_space<vmem_shared>>)
      %add3A_119 = arith.constant 1 : i32
      %add3A_120 = arith.addi %add3A_101, %add3A_119 : i32
      %mul3A_121 = arith.constant 128 : i32
      %mul3A_122 = arith.muli %add3A_120, %mul3A_121 : i32
      %dma_start3A_123 = tpu.memref_slice %arg6[%mul3A_122] : memref<10000xi32, #tpu.memory_space<vmem>> -> memref<128xi32, #tpu.memory_space<vmem>>
      %dma_start3A_124 = arith.constant 0 : i32
      %dma_start3A_125 = arith.constant 0 : i32
      %dma_start3A_126 = tpu.memref_slice %arg2[%dma_start3A_124, %dma_start3A_125] : memref<10240x128xf32, #tpu.memory_space<hbm>> -> memref<10240x128xf32, #tpu.memory_space<hbm>>
      tpu.enqueue_indirect_dma source(%dma_start3A_126 : memref<10240x128xf32, #tpu.memory_space<hbm>>) target(%arg9 : memref<128x128xf32, #tpu.memory_space<vmem>>) offsets(%dma_start3A_123 : memref<128xi32, #tpu.memory_space<vmem>>) semaphore(%arg14 : memref<!tpu.dma_semaphore, #tpu.memory_space<semaphore_mem>>)
      %add3A_127 = arith.constant 1 : i32
      %add3A_128 = arith.addi %add3A_101, %add3A_127 : i32
      %mul3A_129 = arith.constant 128 : i32
      %mul3A_130 = arith.muli %add3A_128, %mul3A_129 : i32
      %add3A_131 = arith.addi %mul3A_2, %mul3A_130 : i32
      %dma_start3A_132 = tpu.memref_slice %arg4[%add3A_131] : memref<320000xi32, #tpu.memory_space<hbm>> -> memref<128xi32, #tpu.memory_space<hbm>>
      %dma_start3A_133 = tpu.memref_slice %arg4[%add3A_131] : memref<320000xi32, #tpu.memory_space<hbm>> -> memref<128xi32, #tpu.memory_space<hbm>>
      tpu.enqueue_dma source(%dma_start3A_133 : memref<128xi32, #tpu.memory_space<hbm>>) target(%arg7 : memref<128xi32, #tpu.memory_space<vmem>>) target_semaphore(%arg16 : memref<!tpu.dma_semaphore, #tpu.memory_space<semaphore_mem>>)
      %add3A_134 = arith.constant 1 : i32
      %add3A_135 = arith.addi %add3A_101, %add3A_134 : i32
      %mul3A_136 = arith.constant 128 : i32
      %mul3A_137 = arith.muli %add3A_135, %mul3A_136 : i32
      %dma_wait3A_138 = tpu.memref_slice %arg6[%mul3A_137] : memref<10000xi32, #tpu.memory_space<vmem>> -> memref<128xi32, #tpu.memory_space<vmem>>
      %dma_wait3A_139 = arith.constant 0 : i32
      %dma_wait3A_140 = arith.constant 0 : i32
      %dma_wait3A_141 = tpu.memref_slice %arg2[%dma_wait3A_139, %dma_wait3A_140] : memref<10240x128xf32, #tpu.memory_space<hbm>> -> memref<10240x128xf32, #tpu.memory_space<hbm>>
      tpu.wait_indirect_dma semaphore(%arg14 : memref<!tpu.dma_semaphore, #tpu.memory_space<semaphore_mem>>) src(%dma_wait3A_141 : memref<10240x128xf32, #tpu.memory_space<hbm>>) dst(%arg9 : memref<128x128xf32, #tpu.memory_space<vmem>>)
      %add3A_142 = arith.constant 1 : i32
      %add3A_143 = arith.addi %add3A_101, %add3A_142 : i32
      %mul3A_144 = arith.constant 128 : i32
      %mul3A_145 = arith.muli %add3A_143, %mul3A_144 : i32
      %add3A_146 = arith.addi %mul3A_2, %mul3A_145 : i32
      %dma_wait3A_147 = tpu.memref_slice %arg4[%add3A_146] : memref<320000xi32, #tpu.memory_space<hbm>> -> memref<128xi32, #tpu.memory_space<hbm>>
      %dma_wait3A_148 = tpu.memref_slice %arg4[%add3A_146] : memref<320000xi32, #tpu.memory_space<hbm>> -> memref<128xi32, #tpu.memory_space<hbm>>
      tpu.wait_dma2 semaphore(%arg16 : memref<!tpu.dma_semaphore, #tpu.memory_space<semaphore_mem>>) src(%dma_wait3A_148 : memref<128xi32, #tpu.memory_space<hbm>>) dst(%arg7 : memref<128xi32, #tpu.memory_space<vmem>>)
      %dma_start3A_149 = arith.constant 0 : i32
      %dma_start3A_150 = arith.constant 0 : i32
      %dma_start3A_151 = tpu.memref_slice %arg13[%dma_start3A_149, %dma_start3A_150] : memref<10240x128xf32, #tpu.memory_space<vmem_shared>> -> memref<10240x128xf32, #tpu.memory_space<vmem_shared>>
      tpu.enqueue_indirect_dma source(%arg9 : memref<128x128xf32, #tpu.memory_space<vmem>>) target(%dma_start3A_151 : memref<10240x128xf32, #tpu.memory_space<vmem_shared>>) offsets(%arg7 : memref<128xi32, #tpu.memory_space<vmem>>) semaphore(%arg18 : memref<!tpu.dma_semaphore, #tpu.memory_space<semaphore_mem>>) {add = true}
      %dma_wait3A_152 = arith.constant 0 : i32
      %dma_wait3A_153 = arith.constant 0 : i32
      %dma_wait3A_154 = tpu.memref_slice %arg13[%dma_wait3A_152, %dma_wait3A_153] : memref<10240x128xf32, #tpu.memory_space<vmem_shared>> -> memref<10240x128xf32, #tpu.memory_space<vmem_shared>>
      tpu.wait_indirect_dma semaphore(%arg19 : memref<!tpu.dma_semaphore, #tpu.memory_space<semaphore_mem>>) src(%arg10 : memref<128x128xf32, #tpu.memory_space<vmem>>) dst(%dma_wait3A_154 : memref<10240x128xf32, #tpu.memory_space<vmem_shared>>)
      %add3A_155 = arith.constant 2 : i32
      %add3A_156 = arith.addi %add3A_101, %add3A_155 : i32
      %mul3A_157 = arith.constant 128 : i32
      %mul3A_158 = arith.muli %add3A_156, %mul3A_157 : i32
      %dma_start3A_159 = tpu.memref_slice %arg6[%mul3A_158] : memref<10000xi32, #tpu.memory_space<vmem>> -> memref<128xi32, #tpu.memory_space<vmem>>
      %dma_start3A_160 = arith.constant 0 : i32
      %dma_start3A_161 = arith.constant 0 : i32
      %dma_start3A_162 = tpu.memref_slice %arg2[%dma_start3A_160, %dma_start3A_161] : memref<10240x128xf32, #tpu.memory_space<hbm>> -> memref<10240x128xf32, #tpu.memory_space<hbm>>
      tpu.enqueue_indirect_dma source(%dma_start3A_162 : memref<10240x128xf32, #tpu.memory_space<hbm>>) target(%arg10 : memref<128x128xf32, #tpu.memory_space<vmem>>) offsets(%dma_start3A_159 : memref<128xi32, #tpu.memory_space<vmem>>) semaphore(%arg15 : memref<!tpu.dma_semaphore, #tpu.memory_space<semaphore_mem>>)
      %add3A_163 = arith.constant 2 : i32
      %add3A_164 = arith.addi %add3A_101, %add3A_163 : i32
      %mul3A_165 = arith.constant 128 : i32
      %mul3A_166 = arith.muli %add3A_164, %mul3A_165 : i32
      %add3A_167 = arith.addi %mul3A_2, %mul3A_166 : i32
      %dma_start3A_168 = tpu.memref_slice %arg4[%add3A_167] : memref<320000xi32, #tpu.memory_space<hbm>> -> memref<128xi32, #tpu.memory_space<hbm>>
      %dma_start3A_169 = tpu.memref_slice %arg4[%add3A_167] : memref<320000xi32, #tpu.memory_space<hbm>> -> memref<128xi32, #tpu.memory_space<hbm>>
      tpu.enqueue_dma source(%dma_start3A_169 : memref<128xi32, #tpu.memory_space<hbm>>) target(%arg8 : memref<128xi32, #tpu.memory_space<vmem>>) target_semaphore(%arg17 : memref<!tpu.dma_semaphore, #tpu.memory_space<semaphore_mem>>)
      %scan3A_170 = arith.constant 0 : i32
      scf.yield %scan3A_170 : i32
    }
    %scan3A_51 = arith.constant 38 : i32
    %dma_wait3A_52 = arith.constant 9856 : i32
    %dma_wait3A_53 = tpu.memref_slice %arg6[%dma_wait3A_52] : memref<10000xi32, #tpu.memory_space<vmem>> -> memref<128xi32, #tpu.memory_space<vmem>>
    %dma_wait3A_54 = arith.constant 0 : i32
    %dma_wait3A_55 = arith.constant 0 : i32
    %dma_wait3A_56 = tpu.memref_slice %arg2[%dma_wait3A_54, %dma_wait3A_55] : memref<10240x128xf32, #tpu.memory_space<hbm>> -> memref<10240x128xf32, #tpu.memory_space<hbm>>
    tpu.wait_indirect_dma semaphore(%arg15 : memref<!tpu.dma_semaphore, #tpu.memory_space<semaphore_mem>>) src(%dma_wait3A_56 : memref<10240x128xf32, #tpu.memory_space<hbm>>) dst(%arg10 : memref<128x128xf32, #tpu.memory_space<vmem>>)
    %add3A_57 = arith.constant 9856 : i32
    %add3A_58 = arith.addi %mul3A_2, %add3A_57 : i32
    %dma_wait3A_59 = tpu.memref_slice %arg4[%add3A_58] : memref<320000xi32, #tpu.memory_space<hbm>> -> memref<128xi32, #tpu.memory_space<hbm>>
    %dma_wait3A_60 = tpu.memref_slice %arg4[%add3A_58] : memref<320000xi32, #tpu.memory_space<hbm>> -> memref<128xi32, #tpu.memory_space<hbm>>
    tpu.wait_dma2 semaphore(%arg17 : memref<!tpu.dma_semaphore, #tpu.memory_space<semaphore_mem>>) src(%dma_wait3A_60 : memref<128xi32, #tpu.memory_space<hbm>>) dst(%arg8 : memref<128xi32, #tpu.memory_space<vmem>>)
    %dma_start3A_61 = arith.constant 0 : i32
    %dma_start3A_62 = arith.constant 0 : i32
    %dma_start3A_63 = tpu.memref_slice %arg13[%dma_start3A_61, %dma_start3A_62] : memref<10240x128xf32, #tpu.memory_space<vmem_shared>> -> memref<10240x128xf32, #tpu.memory_space<vmem_shared>>
    tpu.enqueue_indirect_dma source(%arg10 : memref<128x128xf32, #tpu.memory_space<vmem>>) target(%dma_start3A_63 : memref<10240x128xf32, #tpu.memory_space<vmem_shared>>) offsets(%arg8 : memref<128xi32, #tpu.memory_space<vmem>>) semaphore(%arg19 : memref<!tpu.dma_semaphore, #tpu.memory_space<semaphore_mem>>) {add = true}
    %dma_start3A_64 = arith.constant 9984 : i32
    %dma_start3A_65 = tpu.memref_slice %arg6[%dma_start3A_64] : memref<10000xi32, #tpu.memory_space<vmem>> -> memref<16xi32, #tpu.memory_space<vmem>>
    %dma_start3A_66 = arith.constant 0 : i32
    %dma_start3A_67 = arith.constant 0 : i32
    %dma_start3A_68 = tpu.memref_slice %arg2[%dma_start3A_66, %dma_start3A_67] : memref<10240x128xf32, #tpu.memory_space<hbm>> -> memref<10240x128xf32, #tpu.memory_space<hbm>>
    tpu.enqueue_indirect_dma source(%dma_start3A_68 : memref<10240x128xf32, #tpu.memory_space<hbm>>) target(%arg11 : memref<16x128xf32, #tpu.memory_space<vmem>>) offsets(%dma_start3A_65 : memref<16xi32, #tpu.memory_space<vmem>>) semaphore(%arg14 : memref<!tpu.dma_semaphore, #tpu.memory_space<semaphore_mem>>)
    %add3A_69 = arith.constant 9984 : i32
    %add3A_70 = arith.addi %mul3A_2, %add3A_69 : i32
    %dma_start3A_71 = tpu.memref_slice %arg4[%add3A_70] : memref<320000xi32, #tpu.memory_space<hbm>> -> memref<16xi32, #tpu.memory_space<hbm>>
    %dma_start3A_72 = tpu.memref_slice %arg4[%add3A_70] : memref<320000xi32, #tpu.memory_space<hbm>> -> memref<16xi32, #tpu.memory_space<hbm>>
    tpu.enqueue_dma source(%dma_start3A_72 : memref<16xi32, #tpu.memory_space<hbm>>) target(%arg12 : memref<16xi32, #tpu.memory_space<vmem>>) target_semaphore(%arg16 : memref<!tpu.dma_semaphore, #tpu.memory_space<semaphore_mem>>)
    %dma_wait3A_73 = arith.constant 9984 : i32
    %dma_wait3A_74 = tpu.memref_slice %arg6[%dma_wait3A_73] : memref<10000xi32, #tpu.memory_space<vmem>> -> memref<16xi32, #tpu.memory_space<vmem>>
    %dma_wait3A_75 = arith.constant 0 : i32
    %dma_wait3A_76 = arith.constant 0 : i32
    %dma_wait3A_77 = tpu.memref_slice %arg2[%dma_wait3A_75, %dma_wait3A_76] : memref<10240x128xf32, #tpu.memory_space<hbm>> -> memref<10240x128xf32, #tpu.memory_space<hbm>>
    tpu.wait_indirect_dma semaphore(%arg14 : memref<!tpu.dma_semaphore, #tpu.memory_space<semaphore_mem>>) src(%dma_wait3A_77 : memref<10240x128xf32, #tpu.memory_space<hbm>>) dst(%arg11 : memref<16x128xf32, #tpu.memory_space<vmem>>)
    %add3A_78 = arith.constant 9984 : i32
    %add3A_79 = arith.addi %mul3A_2, %add3A_78 : i32
    %dma_wait3A_80 = tpu.memref_slice %arg4[%add3A_79] : memref<320000xi32, #tpu.memory_space<hbm>> -> memref<16xi32, #tpu.memory_space<hbm>>
    %dma_wait3A_81 = tpu.memref_slice %arg4[%add3A_79] : memref<320000xi32, #tpu.memory_space<hbm>> -> memref<16xi32, #tpu.memory_space<hbm>>
    tpu.wait_dma2 semaphore(%arg16 : memref<!tpu.dma_semaphore, #tpu.memory_space<semaphore_mem>>) src(%dma_wait3A_81 : memref<16xi32, #tpu.memory_space<hbm>>) dst(%arg12 : memref<16xi32, #tpu.memory_space<vmem>>)
    "tpu.region"() ({
      %run_scoped3A = tpu.sem_alloc : memref<!tpu.dma_semaphore, #tpu.memory_space<semaphore_mem>>
      %dma_start3A_96 = arith.constant 0 : i32
      %dma_start3A_97 = arith.constant 0 : i32
      %dma_start3A_98 = tpu.memref_slice %arg13[%dma_start3A_96, %dma_start3A_97] : memref<10240x128xf32, #tpu.memory_space<vmem_shared>> -> memref<10240x128xf32, #tpu.memory_space<vmem_shared>>
      tpu.enqueue_indirect_dma source(%arg11 : memref<16x128xf32, #tpu.memory_space<vmem>>) target(%dma_start3A_98 : memref<10240x128xf32, #tpu.memory_space<vmem_shared>>) offsets(%arg12 : memref<16xi32, #tpu.memory_space<vmem>>) semaphore(%run_scoped3A : memref<!tpu.dma_semaphore, #tpu.memory_space<semaphore_mem>>) {add = true}
      %dma_wait3A_99 = arith.constant 0 : i32
      %dma_wait3A_100 = arith.constant 0 : i32
      %dma_wait3A_101 = tpu.memref_slice %arg13[%dma_wait3A_99, %dma_wait3A_100] : memref<10240x128xf32, #tpu.memory_space<vmem_shared>> -> memref<10240x128xf32, #tpu.memory_space<vmem_shared>>
      tpu.wait_indirect_dma semaphore(%run_scoped3A : memref<!tpu.dma_semaphore, #tpu.memory_space<semaphore_mem>>) src(%arg11 : memref<16x128xf32, #tpu.memory_space<vmem>>) dst(%dma_wait3A_101 : memref<10240x128xf32, #tpu.memory_space<vmem_shared>>)
      tpu.yield
    }) : () -> ()
    %dma_wait3A_82 = arith.constant 0 : i32
    %dma_wait3A_83 = arith.constant 0 : i32
    %dma_wait3A_84 = tpu.memref_slice %arg13[%dma_wait3A_82, %dma_wait3A_83] : memref<10240x128xf32, #tpu.memory_space<vmem_shared>> -> memref<10240x128xf32, #tpu.memory_space<vmem_shared>>
    tpu.wait_indirect_dma semaphore(%arg18 : memref<!tpu.dma_semaphore, #tpu.memory_space<semaphore_mem>>) src(%arg9 : memref<128x128xf32, #tpu.memory_space<vmem>>) dst(%dma_wait3A_84 : memref<10240x128xf32, #tpu.memory_space<vmem_shared>>)
    %dma_wait3A_85 = arith.constant 0 : i32
    %dma_wait3A_86 = arith.constant 0 : i32
    %dma_wait3A_87 = tpu.memref_slice %arg13[%dma_wait3A_85, %dma_wait3A_86] : memref<10240x128xf32, #tpu.memory_space<vmem_shared>> -> memref<10240x128xf32, #tpu.memory_space<vmem_shared>>
    tpu.wait_indirect_dma semaphore(%arg19 : memref<!tpu.dma_semaphore, #tpu.memory_space<semaphore_mem>>) src(%arg10 : memref<128x128xf32, #tpu.memory_space<vmem>>) dst(%dma_wait3A_87 : memref<10240x128xf32, #tpu.memory_space<vmem_shared>>)
    %barrier3A_88 = arith.constant 0 : index
    tpu.barrier barrier_id(%barrier3A_88)
    %scan3A_89 = arith.constant 0 : i32
    %scan3A_90 = arith.constant 0 : i32
    %scan3A_91 = arith.constant 5 : i32
    %scan3A_92 = arith.addi %scan3A_90, %scan3A_91 : i32
    %scan3A_93 = arith.constant 1 : i32
    %scan3A_94 = scf.for %scan3A_96 = %scan3A_90 to %scan3A_92 step %scan3A_93 iter_args(%scan3A_97 = %scan3A_89) -> (i32)  : i32 {
      %mul3A_98 = arith.constant 640 : i32
      %mul3A_99 = arith.muli %arg1, %mul3A_98 : i32
      %mul3A_100 = arith.constant 128 : i32
      %mul3A_101 = arith.muli %scan3A_96, %mul3A_100 : i32
      %add3A_102 = arith.addi %mul3A_99, %mul3A_101 : i32
      %mul3A_103 = arith.constant 10240 : i32
      %mul3A_104 = arith.muli %arg0, %mul3A_103 : i32
      %add3A_105 = arith.addi %mul3A_104, %add3A_102 : i32
      "tpu.region"() ({
        %run_scoped3A = tpu.sem_alloc : memref<!tpu.dma_semaphore, #tpu.memory_space<semaphore_mem>>
        %dma_start3A_107 = arith.constant 0 : i32
        %dma_start3A_108 = tpu.memref_slice %arg5[%add3A_105, %dma_start3A_107] : memref<20480x128xf32, #tpu.memory_space<hbm>> -> memref<128x128xf32, #tpu.memory_space<hbm>>
        %dma_start3A_109 = arith.constant 0 : i32
        %dma_start3A_110 = tpu.memref_slice %arg13[%add3A_102, %dma_start3A_109] : memref<10240x128xf32, #tpu.memory_space<vmem_shared>> -> memref<128x128xf32, #tpu.memory_space<vmem_shared>>
        tpu.enqueue_dma source(%dma_start3A_110 : memref<128x128xf32, #tpu.memory_space<vmem_shared>>) target(%dma_start3A_108 : memref<128x128xf32, #tpu.memory_space<hbm>>) target_semaphore(%run_scoped3A : memref<!tpu.dma_semaphore, #tpu.memory_space<semaphore_mem>>)
        %dma_wait3A_111 = arith.constant 0 : i32
        %dma_wait3A_112 = tpu.memref_slice %arg5[%add3A_105, %dma_wait3A_111] : memref<20480x128xf32, #tpu.memory_space<hbm>> -> memref<128x128xf32, #tpu.memory_space<hbm>>
        %dma_wait3A_113 = arith.constant 0 : i32
        %dma_wait3A_114 = tpu.memref_slice %arg13[%add3A_102, %dma_wait3A_113] : memref<10240x128xf32, #tpu.memory_space<vmem_shared>> -> memref<128x128xf32, #tpu.memory_space<vmem_shared>>
        tpu.wait_dma2 semaphore(%run_scoped3A : memref<!tpu.dma_semaphore, #tpu.memory_space<semaphore_mem>>) src(%dma_wait3A_114 : memref<128x128xf32, #tpu.memory_space<vmem_shared>>) dst(%dma_wait3A_112 : memref<128x128xf32, #tpu.memory_space<hbm>>)
        tpu.yield
      }) : () -> ()
      %scan3A_106 = arith.constant 0 : i32
      scf.yield %scan3A_106 : i32
    }
    %scan3A_95 = arith.constant 5 : i32
    return
  }
}

module attributes {stable_mosaic.version = 14 : i64} {
  func.func @body(%arg0: i32, %arg1: memref<2048x128xf32, #tpu.memory_space<vmem>>, %arg2: memref<128x128xf32, #tpu.memory_space<vmem>>, %arg3: memref<1x128xf32, #tpu.memory_space<vmem>>, %arg4: memref<2048x128xf32, #tpu.memory_space<vmem>>) attributes {dimension_semantics = [#tpu.dimension_semantics<arbitrary>], iteration_bounds = array<i64: 5>, scalar_prefetch = 0 : i64, scratch_operands = 0 : i64, tpu.core_type = #tpu.core_type<tc>, window_params = [{transform_indices = @transform_0, window_bounds = array<i64: 2048, 128>}, {pipeline_mode = #tpu.pipeline_mode<synchronous>, transform_indices = @transform_1, window_bounds = array<i64: 128, 128>}, {pipeline_mode = #tpu.pipeline_mode<synchronous>, transform_indices = @transform_2, window_bounds = array<i64: 1, 128>}, {transform_indices = @transform_3, window_bounds = array<i64: 2048, 128>}]} {
    %get3A = arith.constant 0 : index
    %get3A_0 = arith.constant 0 : index
    %get3A_1 = vector.load %arg1[%get3A, %get3A_0] : memref<2048x128xf32, #tpu.memory_space<vmem>>, vector<2048x128xf32>
    %get3A_2 = arith.constant 0 : index
    %get3A_3 = arith.constant 0 : index
    %get3A_4 = vector.load %arg2[%get3A_2, %get3A_3] : memref<128x128xf32, #tpu.memory_space<vmem>>, vector<128x128xf32>
    %dot_general3A = arith.constant dense<0.000000e+00> : vector<2048x128xf32>
    %dot_general3A_5 = tpu.matmul %get3A_1, %get3A_4, %dot_general3A {dimension_numbers = #tpu.dot_dimension_numbers<[1], [0], [0], [1], [0, 0, 1, 1], [], []>, transpose_lhs_hint = false} : vector<2048x128xf32>, vector<128x128xf32>, vector<2048x128xf32> -> vector<2048x128xf32>
    %get3A_6 = arith.constant 0 : index
    %get3A_7 = arith.constant 0 : index
    %get3A_8 = vector.load %arg3[%get3A_6, %get3A_7] : memref<1x128xf32, #tpu.memory_space<vmem>>, vector<1x128xf32>
    %add3A = vector.broadcast %get3A_8 : vector<1x128xf32> to vector<2048x128xf32>
    %add3A_9 = arith.addf %dot_general3A_5, %add3A : vector<2048x128xf32>
    %swap3A = arith.constant 0 : index
    %swap3A_10 = arith.constant 0 : index
    %swap3A_11 = vector.load %arg4[%swap3A, %swap3A_10] : memref<2048x128xf32, #tpu.memory_space<vmem>>, vector<2048x128xf32>
    tpu.vector_store %arg4[%swap3A, %swap3A_10], %add3A_9 {strides = array<i32>} : memref<2048x128xf32, #tpu.memory_space<vmem>>, vector<2048x128xf32>,
    return
  }
  func.func @transform_0(%arg0: i32) -> (i32, i32) {
    %c0_i32 = arith.constant 0 : i32
    %c0_i32_0 = arith.constant 0 : i32
    return %arg0, %c0_i32 : i32, i32
  }
  func.func @transform_1(%arg0: i32) -> (i32, i32) {
    %c0_i32 = arith.constant 0 : i32
    %c0_i32_0 = arith.constant 0 : i32
    %c0_i32_1 = arith.constant 0 : i32
    return %c0_i32, %c0_i32_0 : i32, i32
  }
  func.func @transform_2(%arg0: i32) -> (i32, i32) {
    %c0_i32 = arith.constant 0 : i32
    %c0_i32_0 = arith.constant 0 : i32
    %c0_i32_1 = arith.constant 0 : i32
    return %c0_i32, %c0_i32_0 : i32, i32
  }
  func.func @transform_3(%arg0: i32) -> (i32, i32) {
    %c0_i32 = arith.constant 0 : i32
    %c0_i32_0 = arith.constant 0 : i32
    return %arg0, %c0_i32 : i32, i32
  }
}

module attributes {stable_mosaic.version = 14 : i64} {
  func.func @body(%arg0: i32, %arg1: memref<2048x128xf32, #tpu.memory_space<vmem>>, %arg2: memref<2048x128xf32, #tpu.memory_space<vmem>>, %arg3: memref<2048x1xf32, #tpu.memory_space<vmem>>, %arg4: memref<2048x1xf32, #tpu.memory_space<vmem>>, %arg5: memref<2048x128xf32, #tpu.memory_space<vmem>>, %arg6: memref<128x128xf32, #tpu.memory_space<vmem>>, %arg7: memref<2048x128xf32, #tpu.memory_space<vmem>>) attributes {dimension_semantics = [#tpu.dimension_semantics<arbitrary>], iteration_bounds = array<i64: 5>, scalar_prefetch = 0 : i64, scratch_operands = 0 : i64, tpu.core_type = #tpu.core_type<tc>, window_params = [{transform_indices = @transform_0, window_bounds = array<i64: 2048, 128>}, {transform_indices = @transform_1, window_bounds = array<i64: 2048, 128>}, {transform_indices = @transform_2, window_bounds = array<i64: 2048, 1>}, {transform_indices = @transform_3, window_bounds = array<i64: 2048, 1>}, {transform_indices = @transform_4, window_bounds = array<i64: 2048, 128>}, {pipeline_mode = #tpu.pipeline_mode<synchronous>, transform_indices = @transform_5, window_bounds = array<i64: 128, 128>}, {transform_indices = @transform_6, window_bounds = array<i64: 2048, 128>}]} {
    %get3A = arith.constant 0 : index
    %get3A_0 = arith.constant 0 : index
    %get3A_1 = vector.load %arg3[%get3A, %get3A_0] : memref<2048x1xf32, #tpu.memory_space<vmem>>, vector<2048x1xf32>
    %get3A_2 = arith.constant 0 : index
    %get3A_3 = arith.constant 0 : index
    %get3A_4 = vector.load %arg4[%get3A_2, %get3A_3] : memref<2048x1xf32, #tpu.memory_space<vmem>>, vector<2048x1xf32>
    %add3A = arith.addf %get3A_1, %get3A_4 : vector<2048x1xf32>
    %max3A = arith.constant 1.000000e+00 : f32
    %max3A_5 = vector.broadcast %max3A : f32 to vector<2048x1xf32>
    %max3A_6 = arith.maximumf %add3A, %max3A_5 : vector<2048x1xf32>
    %div3A = arith.constant 1.000000e+00 : f32
    %div3A_7 = vector.broadcast %div3A : f32 to vector<2048x1xf32>
    %div3A_8 = arith.divf %div3A_7, %max3A_6 : vector<2048x1xf32>
    %get3A_9 = arith.constant 0 : index
    %get3A_10 = arith.constant 0 : index
    %get3A_11 = vector.load %arg1[%get3A_9, %get3A_10] : memref<2048x128xf32, #tpu.memory_space<vmem>>, vector<2048x128xf32>
    %get3A_12 = arith.constant 0 : index
    %get3A_13 = arith.constant 0 : index
    %get3A_14 = vector.load %arg2[%get3A_12, %get3A_13] : memref<2048x128xf32, #tpu.memory_space<vmem>>, vector<2048x128xf32>
    %add3A_15 = arith.addf %get3A_11, %get3A_14 : vector<2048x128xf32>
    %mul3A = vector.broadcast %div3A_8 : vector<2048x1xf32> to vector<2048x128xf32>
    %mul3A_16 = arith.mulf %add3A_15, %mul3A : vector<2048x128xf32>
    %get3A_17 = arith.constant 0 : index
    %get3A_18 = arith.constant 0 : index
    %get3A_19 = vector.load %arg6[%get3A_17, %get3A_18] : memref<128x128xf32, #tpu.memory_space<vmem>>, vector<128x128xf32>
    %dot_general3A = arith.constant dense<0.000000e+00> : vector<2048x128xf32>
    %dot_general3A_20 = tpu.matmul %mul3A_16, %get3A_19, %dot_general3A {dimension_numbers = #tpu.dot_dimension_numbers<[1], [0], [0], [1], [0, 0, 1, 1], [], []>, transpose_lhs_hint = false} : vector<2048x128xf32>, vector<128x128xf32>, vector<2048x128xf32> -> vector<2048x128xf32>
    %get3A_21 = arith.constant 0 : index
    %get3A_22 = arith.constant 0 : index
    %get3A_23 = vector.load %arg5[%get3A_21, %get3A_22] : memref<2048x128xf32, #tpu.memory_space<vmem>>, vector<2048x128xf32>
    %add3A_24 = arith.addf %dot_general3A_20, %get3A_23 : vector<2048x128xf32>
    %max3A_25 = arith.constant 0.000000e+00 : f32
    %max3A_26 = vector.broadcast %max3A_25 : f32 to vector<2048x128xf32>
    %max3A_27 = arith.maximumf %add3A_24, %max3A_26 : vector<2048x128xf32>
    %swap3A = arith.constant 0 : index
    %swap3A_28 = arith.constant 0 : index
    %swap3A_29 = vector.load %arg7[%swap3A, %swap3A_28] : memref<2048x128xf32, #tpu.memory_space<vmem>>, vector<2048x128xf32>
    tpu.vector_store %arg7[%swap3A, %swap3A_28], %max3A_27 {strides = array<i32>} : memref<2048x128xf32, #tpu.memory_space<vmem>>, vector<2048x128xf32>,
    return
  }
  func.func @transform_0(%arg0: i32) -> (i32, i32) {
    %c0_i32 = arith.constant 0 : i32
    %c0_i32_0 = arith.constant 0 : i32
    return %arg0, %c0_i32 : i32, i32
  }
  func.func @transform_1(%arg0: i32) -> (i32, i32) {
    %add3A = arith.constant 5 : i32
    %add3A_0 = arith.addi %arg0, %add3A : i32
    %c0_i32 = arith.constant 0 : i32
    %c0_i32_1 = arith.constant 0 : i32
    return %add3A_0, %c0_i32 : i32, i32
  }
  func.func @transform_2(%arg0: i32) -> (i32, i32) {
    %c0_i32 = arith.constant 0 : i32
    %c0_i32_0 = arith.constant 0 : i32
    return %arg0, %c0_i32 : i32, i32
  }
  func.func @transform_3(%arg0: i32) -> (i32, i32) {
    %add3A = arith.constant 5 : i32
    %add3A_0 = arith.addi %arg0, %add3A : i32
    %c0_i32 = arith.constant 0 : i32
    %c0_i32_1 = arith.constant 0 : i32
    return %add3A_0, %c0_i32 : i32, i32
  }
  func.func @transform_4(%arg0: i32) -> (i32, i32) {
    %c0_i32 = arith.constant 0 : i32
    %c0_i32_0 = arith.constant 0 : i32
    return %arg0, %c0_i32 : i32, i32
  }
  func.func @transform_5(%arg0: i32) -> (i32, i32) {
    %c0_i32 = arith.constant 0 : i32
    %c0_i32_0 = arith.constant 0 : i32
    %c0_i32_1 = arith.constant 0 : i32
    return %c0_i32, %c0_i32_0 : i32, i32
  }
  func.func @transform_6(%arg0: i32) -> (i32, i32) {
    %c0_i32 = arith.constant 0 : i32
    %c0_i32_0 = arith.constant 0 : i32
    return %arg0, %c0_i32 : i32, i32
  }
}

module attributes {stable_mosaic.version = 14 : i64} {
  func.func @body(%arg0: i32, %arg1: memref<2048x128xf32, #tpu.memory_space<vmem>>, %arg2: memref<2048x128xf32, #tpu.memory_space<vmem>>, %arg3: memref<2048x1xf32, #tpu.memory_space<vmem>>, %arg4: memref<2048x1xf32, #tpu.memory_space<vmem>>, %arg5: memref<2048x128xf32, #tpu.memory_space<vmem>>, %arg6: memref<128x128xf32, #tpu.memory_space<vmem>>, %arg7: memref<2048x128xf32, #tpu.memory_space<vmem>>) attributes {dimension_semantics = [#tpu.dimension_semantics<arbitrary>], iteration_bounds = array<i64: 5>, scalar_prefetch = 0 : i64, scratch_operands = 0 : i64, tpu.core_type = #tpu.core_type<tc>, window_params = [{transform_indices = @transform_0, window_bounds = array<i64: 2048, 128>}, {transform_indices = @transform_1, window_bounds = array<i64: 2048, 128>}, {transform_indices = @transform_2, window_bounds = array<i64: 2048, 1>}, {transform_indices = @transform_3, window_bounds = array<i64: 2048, 1>}, {transform_indices = @transform_4, window_bounds = array<i64: 2048, 128>}, {pipeline_mode = #tpu.pipeline_mode<synchronous>, transform_indices = @transform_5, window_bounds = array<i64: 128, 128>}, {transform_indices = @transform_6, window_bounds = array<i64: 2048, 128>}]} {
    %get3A = arith.constant 0 : index
    %get3A_0 = arith.constant 0 : index
    %get3A_1 = vector.load %arg3[%get3A, %get3A_0] : memref<2048x1xf32, #tpu.memory_space<vmem>>, vector<2048x1xf32>
    %get3A_2 = arith.constant 0 : index
    %get3A_3 = arith.constant 0 : index
    %get3A_4 = vector.load %arg4[%get3A_2, %get3A_3] : memref<2048x1xf32, #tpu.memory_space<vmem>>, vector<2048x1xf32>
    %add3A = arith.addf %get3A_1, %get3A_4 : vector<2048x1xf32>
    %max3A = arith.constant 1.000000e+00 : f32
    %max3A_5 = vector.broadcast %max3A : f32 to vector<2048x1xf32>
    %max3A_6 = arith.maximumf %add3A, %max3A_5 : vector<2048x1xf32>
    %div3A = arith.constant 1.000000e+00 : f32
    %div3A_7 = vector.broadcast %div3A : f32 to vector<2048x1xf32>
    %div3A_8 = arith.divf %div3A_7, %max3A_6 : vector<2048x1xf32>
    %get3A_9 = arith.constant 0 : index
    %get3A_10 = arith.constant 0 : index
    %get3A_11 = vector.load %arg1[%get3A_9, %get3A_10] : memref<2048x128xf32, #tpu.memory_space<vmem>>, vector<2048x128xf32>
    %get3A_12 = arith.constant 0 : index
    %get3A_13 = arith.constant 0 : index
    %get3A_14 = vector.load %arg2[%get3A_12, %get3A_13] : memref<2048x128xf32, #tpu.memory_space<vmem>>, vector<2048x128xf32>
    %add3A_15 = arith.addf %get3A_11, %get3A_14 : vector<2048x128xf32>
    %mul3A = vector.broadcast %div3A_8 : vector<2048x1xf32> to vector<2048x128xf32>
    %mul3A_16 = arith.mulf %add3A_15, %mul3A : vector<2048x128xf32>
    %get3A_17 = arith.constant 0 : index
    %get3A_18 = arith.constant 0 : index
    %get3A_19 = vector.load %arg6[%get3A_17, %get3A_18] : memref<128x128xf32, #tpu.memory_space<vmem>>, vector<128x128xf32>
    %dot_general3A = arith.constant dense<0.000000e+00> : vector<2048x128xf32>
    %dot_general3A_20 = tpu.matmul %mul3A_16, %get3A_19, %dot_general3A {dimension_numbers = #tpu.dot_dimension_numbers<[1], [0], [0], [1], [0, 0, 1, 1], [], []>, transpose_lhs_hint = false} : vector<2048x128xf32>, vector<128x128xf32>, vector<2048x128xf32> -> vector<2048x128xf32>
    %get3A_21 = arith.constant 0 : index
    %get3A_22 = arith.constant 0 : index
    %get3A_23 = vector.load %arg5[%get3A_21, %get3A_22] : memref<2048x128xf32, #tpu.memory_space<vmem>>, vector<2048x128xf32>
    %add3A_24 = arith.addf %dot_general3A_20, %get3A_23 : vector<2048x128xf32>
    %swap3A = arith.constant 0 : index
    %swap3A_25 = arith.constant 0 : index
    %swap3A_26 = vector.load %arg7[%swap3A, %swap3A_25] : memref<2048x128xf32, #tpu.memory_space<vmem>>, vector<2048x128xf32>
    tpu.vector_store %arg7[%swap3A, %swap3A_25], %add3A_24 {strides = array<i32>} : memref<2048x128xf32, #tpu.memory_space<vmem>>, vector<2048x128xf32>,
    return
  }
  func.func @transform_0(%arg0: i32) -> (i32, i32) {
    %c0_i32 = arith.constant 0 : i32
    %c0_i32_0 = arith.constant 0 : i32
    return %arg0, %c0_i32 : i32, i32
  }
  func.func @transform_1(%arg0: i32) -> (i32, i32) {
    %add3A = arith.constant 5 : i32
    %add3A_0 = arith.addi %arg0, %add3A : i32
    %c0_i32 = arith.constant 0 : i32
    %c0_i32_1 = arith.constant 0 : i32
    return %add3A_0, %c0_i32 : i32, i32
  }
  func.func @transform_2(%arg0: i32) -> (i32, i32) {
    %c0_i32 = arith.constant 0 : i32
    %c0_i32_0 = arith.constant 0 : i32
    return %arg0, %c0_i32 : i32, i32
  }
  func.func @transform_3(%arg0: i32) -> (i32, i32) {
    %add3A = arith.constant 5 : i32
    %add3A_0 = arith.addi %arg0, %add3A : i32
    %c0_i32 = arith.constant 0 : i32
    %c0_i32_1 = arith.constant 0 : i32
    return %add3A_0, %c0_i32 : i32, i32
  }
  func.func @transform_4(%arg0: i32) -> (i32, i32) {
    %c0_i32 = arith.constant 0 : i32
    %c0_i32_0 = arith.constant 0 : i32
    return %arg0, %c0_i32 : i32, i32
  }
  func.func @transform_5(%arg0: i32) -> (i32, i32) {
    %c0_i32 = arith.constant 0 : i32
    %c0_i32_0 = arith.constant 0 : i32
    %c0_i32_1 = arith.constant 0 : i32
    return %c0_i32, %c0_i32_0 : i32, i32
  }
  func.func @transform_6(%arg0: i32) -> (i32, i32) {
    %c0_i32 = arith.constant 0 : i32
    %c0_i32_0 = arith.constant 0 : i32
    return %arg0, %c0_i32 : i32, i32
  }
}

</mosaic_0001>

<sc_bundles>
// kernel: kernel.12.cloned.1.call-start
scs
__scs_entry_jumppad:
0x0: {  	(pc) =	sbr.rel $0x88, $3  }
0x1: {  	(tag) =	ssettag $0x0;
	lr =	simm.s32 $0x1  }
0x2: {  	[smem:$0x3F96] =	sst lr;
	_ =	strace $0xD0000000  }
0x3: {  	_ = 	snop  }
0x4: {  	_ = 	snop  }
0x5: {  	_ = 	snop  }
0x6: {  	_ = 	snop  }
0x7: {  	_ = 	snop  }
__scs_overlays_trampoline_lowered:
0x8: {  	[smem:$0x3FA5] =	sst s0  }
0x9: {  	[smem:$0x3FA6] =	sst s1  }
0xa: {  	[smem:$0x3FA7] =	sst s2  }
0xb: {  	[smem:$0x3FA8] =	sst s3  }
0xc: {  	[smem:$0x3FA9] =	sst s4  }
0xd: {  	[smem:$0x3FAA] =	sst s5  }
0xe: {  	[smem:$0x3FAB] =	sst s6  }
0xf: {  	[smem:$0x3FAC] =	sst s7  }
0x10: {  	[smem:$0x3FAD] =	sst s8  }
0x11: {  	[smem:$0x3FAE] =	sst s9;
	s0 =	simm.s32 @!p0 $0x0  }
0x12: {  	s1 =	sld [smem:$0x3F94];
	s0 =	simm.s32 @p0 $0x1  }
0x13: {  	[smem:$0x3FAF] =	sst s0;
	s0 =	simm.s32 @!p1 $0x0  }
0x14: {  	s2 =	sld [smem:$0x3F93];
	s0 =	simm.s32 @p1 $0x1  }
0x15: {  	[smem:$0x3FB0] =	sst s0;
	s0 =	simm.s32 @!p2 $0x0  }
0x16: {  	s3 =	sld [smem:$0x3FDB];
	s0 =	simm.s32 @p2 $0x1  }
0x17: {  	s4 =	simm.s32 $0x1BF5;
	[smem:$0x3FB2] =	sst s0  }
0x18: {  	s0 =	sld [smem:$0x3F95];
	_ =	swait.ge [sflag:s4], $0x0  }
0x19: {  	s7 =	sld [smem:$0x3F96]  }
0x1a: {  	s8 =	sadd.s32 $0xFFFFE003, lr  }
0x1b: {  	s9 =	sadd.s32 $0xFFFFFEF7, lr;
	s5 =	simm.s32 $0xFFFFFFFF;
	p2 =	slt.u32 s8, $0xFFFFF086  }
0x1c: {  	p1 =	slt.u32 s9, $0xF7A;
	s5 =	simm.s32 @!p2 $0x0  }
0x1d: {  	s5 =	simm.s32 @p1 $0x1;
	p0 =	seq.s32 s7, s2  }
0x1e: {  	s7 =	smul.u32 @!p0 $0xF7A, s2;
	p2 =	seq.s32 @!p0 s5, $0x0  }
0x1f: {  	s9 =	smul.u32 $0xF7A, s1;
	s8 =	simm.s32 @!p0 $0x1BF5;
	p2 =	por !p2, p0  }
0x20: {  	[sflag:s8] =	ssyncset.s32 @!p0 $0xFFFFF086;
	s6 =	sadd.s32 @!p0 s3, s7;
	s7 =	simm.s32 @!p0 $0x108  }
0x21: {  	s3 =	sadd.s32 s3, s9;
	s6 =	sadd.s32 @!p0 $0x88, s6;
	s7 =	simm.s32 @p2 $0x1082  }
0x22: {  	[simem:s7], [sflag:s8] =	dma.local @!p0 [hbm:s6], $0xF7A  }
0x23: {  	s9 =	sor.u32 $0xD0000000, s2;
	s6 =	simm.s32 $0x108;
	_ =	swait.ge @!p0 [sflag:s8], $0x0  }
0x24: {  	s3 =	sadd.s32 $0x88, s3;
	s6 =	simm.s32 @!p1 $0x1082;
	[sflag:s4] =	ssyncset.s32 $0xFFFFF086  }
0x25: {  	[simem:s6], [sflag:s4] =	dma.local [hbm:s3], $0xF7A  }
0x26: {  	[smem:$0x3F96] =	sst s1;
	(tag) =	ssettag s2;
	_ =	strace s9  }
0x27: {  	s1 =	sld [smem:$0x3FA6]  }
0x28: {  	s2 =	sld [smem:$0x3FA7]  }
0x29: {  	s4 =	sld [smem:$0x3FA9]  }
0x2a: {  	p0 =	seq.s32 s5, $0x0;
	s5 =	sld [smem:$0x3FAA]  }
0x2b: {  	s6 =	sld [smem:$0x3FAB]  }
0x2c: {  	s7 =	sld [smem:$0x3FAC]  }
0x2d: {  	s3 =	simm.s32 $0x108;
	s8 =	sld [smem:$0x3FAD]  }
0x2e: {  	s3 =	simm.s32 @!p0 $0x1082;
	s9 =	sld [smem:$0x3FAE]  }
0x2f: {  	lr =	sadd.s32 s0, s3;
	s0 =	sld [smem:$0x3FA5]  }
0x30: {  	s3 =	sld [smem:$0x3FA8]  }
0x31: {  	[smem:$0x3FB1] =	sst s10  }
0x32: {  	s10 =	sld [smem:$0x3FAF];
	_ =	sdelay $0x3  }
0x33: {  	p0 =	seq.s32 s10, $0x1;
	s10 =	sld [smem:$0x3FB1];
	_ =	sdelay $0x3  }
0x34: {  	[smem:$0x3FB1] =	sst s10  }
0x35: {  	s10 =	sld [smem:$0x3FB0];
	_ =	sdelay $0x3  }
0x36: {  	p1 =	seq.s32 s10, $0x1;
	s10 =	sld [smem:$0x3FB1];
	_ =	sdelay $0x3  }
0x37: {  	[smem:$0x3FB1] =	sst s10  }
0x38: {  	s10 =	sld [smem:$0x3FB2]  }
0x39: {  	_ = 	snop;
	(pc) =	sbr.ind lr, $3  }
0x3a: {  	_ = 	snop  }
0x3b: {  	_ = 	snop  }
0x3c: {  	p2 =	seq.s32 s10, $0x1;
	s10 =	sld [smem:$0x3FB1]  }
0x3d: {  	_ =	shalt  }
0x3e: {  	_ =	shalt  }
0x3f: {  	_ =	shalt  }
0x40: {  	_ =	shalt  }
0x41: {  	_ =	shalt  }
0x42: {  	_ =	shalt  }
0x43: {  	_ =	shalt  }
0x44: {  	_ =	shalt  }
0x45: {  	_ =	shalt  }
0x46: {  	_ =	shalt  }
0x47: {  	_ =	shalt  }
0x48: {  	_ =	shalt  }
0x49: {  	_ =	shalt  }
0x4a: {  	_ =	shalt  }
0x4b: {  	_ =	shalt  }
0x4c: {  	_ =	shalt  }
0x4d: {  	_ =	shalt  }
0x4e: {  	_ =	shalt  }
0x4f: {  	_ =	shalt  }
0x50: {  	_ =	shalt  }
0x51: {  	_ =	shalt  }
0x52: {  	_ =	shalt  }
0x53: {  	_ =	shalt  }
0x54: {  	_ =	shalt  }
0x55: {  	_ =	shalt  }
0x56: {  	_ =	shalt  }
0x57: {  	_ =	shalt  }
0x58: {  	_ =	shalt  }
0x59: {  	_ =	shalt  }
0x5a: {  	_ =	shalt  }
0x5b: {  	_ =	shalt  }
0x5c: {  	_ =	shalt  }
0x5d: {  	_ =	shalt  }
0x5e: {  	_ =	shalt  }
0x5f: {  	_ =	shalt  }
0x60: {  	_ =	shalt  }
0x61: {  	_ =	shalt  }
0x62: {  	_ =	shalt  }
0x63: {  	_ =	shalt  }
0x64: {  	_ =	shalt  }
0x65: {  	_ =	shalt  }
0x66: {  	_ =	shalt  }
0x67: {  	_ =	shalt  }
0x68: {  	_ =	shalt  }
0x69: {  	_ =	shalt  }
0x6a: {  	_ =	shalt  }
0x6b: {  	_ =	shalt  }
0x6c: {  	_ =	shalt  }
0x6d: {  	_ =	shalt  }
0x6e: {  	_ =	shalt  }
0x6f: {  	_ =	shalt  }
0x70: {  	_ =	shalt  }
0x71: {  	_ =	shalt  }
0x72: {  	_ =	shalt  }
0x73: {  	_ =	shalt  }
0x74: {  	_ =	shalt  }
0x75: {  	_ =	shalt  }
0x76: {  	_ =	shalt  }
0x77: {  	_ =	shalt  }
0x78: {  	_ =	shalt  }
0x79: {  	_ =	shalt  }
0x7a: {  	_ =	shalt  }
0x7b: {  	_ =	shalt  }
0x7c: {  	_ =	shalt  }
0x7d: {  	_ =	shalt  }
0x7e: {  	_ =	shalt  }
0x7f: {  	_ =	shalt  }
0x80: {  	_ =	shalt  }
0x81: {  	_ =	shalt  }
0x82: {  	_ =	shalt  }
0x83: {  	_ =	shalt  }
0x84: {  	_ =	shalt  }
0x85: {  	_ =	shalt  }
0x86: {  	_ =	shalt  }
0x87: {  	_ =	shalt  }
.Lfunc_end0:
.L_simem_size_0:
called_computation_lowered:
.L_overlay_start_0:
0x88: {  	s2 =	sld [smem:$0x3FD9]  }
0x89: {  	s3 =	sld [smem:$0x3FFE];
	_ =	sdelay $0x1  }
0x8a: {  	s1 =	srdreg.scid  }
0x8b: {  	s0 =	sand.u32 $0x1, s1  }
0x8c: {  	s17 =	sshll.u32 s0, $0xA;
	s2 =	sadd.s32 s3, s2  }
0x8d: {  	s2 =	sadd.s32 s2, s17  }
0x8e: {  	[smem:$0x3FBD] =	sst s2  }
0x8f: {  	_ = 	snop  }
0x90: {  	s2 =	sld [smem:$0x3FD0];
	(tm) =	ssettm $0x1  }
0x91: {  	s18 =	sld [smem:$0x3FFB];
	_ =	sdelay $0x3  }
0x92: {  	_ =	strace s18  }
0x93: {  	s3 =	sld [smem:$0x3FFC];
	_ =	sdelay $0x3  }
0x94: {  	_ =	strace s3  }
0x95: {  	s3 =	sld [smem:$0x3FFD];
	_ =	sdelay $0x3  }
0x96: {  	_ =	strace s3  }
0x97: {  	_ =	strace $0x8FFFFFFF  }
0x98: {  	s19 =	sld [smem:$0x3FDB];
	_ =	sdelay $0x1  }
0x99: {  	s4 =	simm.s32 $_scs_section_size  }
0x9a: {  	s5 =	simm.s32 $_size__tile_overlayer_lowered;
	s6 =	simm.s32 $_tile_overlayer_lowered  }
0x9b: {  	s22 =	simm.s32 $0x1BFF;
	s21 =	sshll.u32 s6, $0x1;
	s3 =	sadd.s32 s4, s19  }
0x9c: {  	s7 =	simm.s32 $0x0;
	s20 =	sshll.u32 s5, $0x1;
	s5 =	sadd.s32 s21, s3  }
0x9d: {  	[timem:s7], [sflag:s22] =	dma.local [hbm:s5], s20  }
0x9e: {  	_ =	swait.ge [sflag:s22], s20  }
0x9f: {  	s4 =	ssub.s32 $0x0, s20;
	[sflag:s22] =	ssyncset.done $0x0  }
0xa0: {  	[sflag:s22] =	ssyncadd.s32 s4;
	_ =	sdelay $0x1  }
0xa1: {  	s23 =	simm.s32 $0x1B8B  }
0xa2: {  	_ =	swait.ge [sflag:s23], $0x1  }
0xa3: {  	[sflag:s23] =	ssyncset.done $0x0  }
0xa4: {  	s25 =	simm.s32 $0x1B8E;
	s24 =	sld [smem:$0x3FFE];
	[sflag:s23] =	ssyncadd.s32 $0xFFFFFFFF  }
0xa5: {  	s26 =	simm.s32 $execute0_lowered;
	[smem:$0x3FD2] =	sst s25  }
0xa6: {  	s5 =	sshll.u32 s26, $0x1;
	_ =	strace $0x80000046;
	[dreg:$0x1] =	wrdreg $0xFFFFFFFF  }
0xa7: {  	s28 =	simm.s32 $_size_execute0_lowered;
	s3 =	sadd.s32 s3, s5;
	[dreg:$0x0] =	wrdreg $0x0  }
0xa8: {  	s5 =	sshll.u32 s28, $0x1;
	[dreg:$0x2] =	wrdreg s3  }
0xa9: {  	[dreg:$0x3] =	wrdreg s5  }
0xaa: {  	[dreg:$0x4] =	wrdreg $0xC0  }
0xab: {  	_ =	task [dreg:s7], $0x5FFFF  }
0xac: {  	[dreg:$0x1] =	wrdreg $0xFFFFFFFF  }
0xad: {  	[dreg:$0x0] =	wrdreg $0x60  }
0xae: {  	[dreg:$0x2] =	wrdreg s2  }
0xaf: {  	[dreg:$0x3] =	wrdreg s24  }
0xb0: {  	[dreg:$0x4] =	wrdreg $0x29000  }
0xb1: {  	[dreg:$0x5] =	wrdreg $0x9  }
0xb2: {  	_ =	task.clear_ibuf [dreg:s7], $0x6FFFF;
	_ =	strace $0x90000046  }
0xb3: {  	s29 =	simm.s32 $0x9;
	_ =	strace $0x80000048  }
0xb4: {  	_ =	swait.ge [sflag:s29], $0x1  }
0xb5: {  	[sflag:s29] =	ssyncadd.s32 $0xFFFFFFFF  }
0xb6: {  	_ =	strace $0x90000048  }
0xb7: {  	_ =	sfence  }
0xb8: {  	s30 =	sld [smem:$0x0];
	_ =	sdelay $0x2  }
0xb9: {  	s31 =	sshll.u32 s1, $0xD;
	s1 =	sshrl.u32 s1, $0x2  }
0xba: {  	s3 =	sand.u32 $0x4000, s31;
	s1 =	sadd.s32 s1, s30  }
0xbb: {  	s0 =	sor.u32 s3, s0;
	s1 =	sshll.u32 s1, $0x11  }
0xbc: {  	s0 =	sor.u32 s1, s0  }
0xbd: {  	s0 =	sadd.s32 $0x8F2B, s0  }
0xbe: {  	[sflag:s0] =	ssyncadd.remote.s32 $0x1  }
0xbf: {  	_ =	sfence.sel $0xFFFF  }
0xc0: {  	[dreg:$0x0] =	wrdreg $0xFFFFFFFF;
	(pc) =	sbr.abs _section_cstart, $3  }
0xc1: {  	[dreg:$0x1] =	wrdreg $0xFFFFFFFF  }
0xc2: {  	_ =	task.clear_ibuf [dreg:s7], $0x2FFFF;
	_ =	strace $0x9FFFFFFF  }
0xc3: {  	(tm) =	ssettm $0x7FFFFFFF  }
tec
execute0_lowered:
.L_overlay_start_1:
0x0: {  	(tag) =	ssettag $0x1  }
0x1: {  	s4 =	rddreg [dreg:$0x0]  }
0x2: {  	s5 =	rddreg [dreg:$0x1]  }
0x3: {  	s1 =	rddreg [dreg:$0x2]  }
0x4: {  	s0 =	rddreg [dreg:$0x3];
	s2 =	simm.s32 $0x0;
	s3 =	srdreg.scid  }
0x5: {  	[smem:$0x7FF] =	sst s2;
	s6 =	sand.u32 $0x1, s3  }
0x6: {  	s3 =	stileid.u32;
	s15 =	sadd.s32 $0x16A00, s5;
	s14 =	smul.u32 $0x2800, s6  }
0x7: {  	_ =	strace $0x80000047;
	s23 =	sshll.u32 s3, $0x1;
	s16 =	smul.u32 $0x280, s3  }
0x8: {  	s7 =	ssub.s32 $0x2, s6;
	s24 =	smul.u32 $0xA00, s3;
	s5 =	sor.u32 s6, s23  }
0x9: {  	s8 =	sshrl.u32 s7, $0x1;
	s5 =	smul.u32 $0x500, s5;
	s9 =	sadd.s32 s14, s16  }
0xa: {  	s7 =	ssub.s32 s7, s8;
	s6 =	sshrl.u32 s24, $0x2;
	s13 =	sadd.s32 $0x80, s16  }
0xb: {  	s17 =	sadd.s32 $0x100, s16;
	s20 =	sadd.s32 s16, s1;
	s28 =	sadd.s32 $0x180, s16  }
0xc: {  	s16 =	sadd.s32 $0x200, s16;
	s25 =	sshrl.u32 s9, $0x3;
	s6 =	sadd.s32 s6, s1  }
0xd: {  	s7 =	smax.u32 s7, $0x1;
	s12 =	sadd.s32 s14, s13;
	s18 =	sadd.s32 s14, s17  }
0xe: {  	s21 =	sadd.s32 s13, s1;
	s19 =	sadd.s32 s14, s28;
	s22 =	sadd.s32 s17, s1  }
0xf: {  	s30 =	sadd.s32 s14, s16;
	s23 =	sadd.s32 s28, s1;
	s24 =	sadd.s32 s16, s1  }
0x10: {  	s16 =	simm.s32 $0x1;
	s17 =	simm.s32 $0x2880;
	s20 =	sshrl.u32 s20, $0x3  }
0x11: {  	s4 =	sadd.s32 s4, s5;
	s5 =	sadd.s32 s15, s25;
	s8 =	sadd.s32 $0x80, s6  }
0x12: {  	s9 =	sadd.s32 $0x100, s6;
	s10 =	sadd.s32 $0x180, s6;
	s11 =	sadd.s32 $0x200, s6  }
0x13: {  	s12 =	sshrl.u32 s12, $0x3;
	s26 =	sshrl.u32 s18, $0x3;
	s29 =	sshrl.u32 s19, $0x3  }
0x14: {  	s31 =	sshrl.u32 s30, $0x3;
	s18 =	simm.s32 $0x80;
	s19 =	simm.s32 $0x2800  }
0x15: {  	s21 =	sshrl.u32 s21, $0x3;
	s22 =	sshrl.u32 s22, $0x3;
	s23 =	sshrl.u32 s23, $0x3  }
0x16: {  	s24 =	sshrl.u32 s24, $0x3;
	s25 =	simm.s32 $0x0;
	s12 =	sadd.s32 s15, s12  }
0x17: {  	v0 =	vimm.f32 $1.000000000e+00;
	v1 =	vimm.f32 $0.0e+00;
	s13 =	sadd.s32 s15, s26;
	s14 =	sadd.s32 s15, s29;
	s15 =	sadd.s32 s15, s31  }
.LBB2_1:
0x18: {  	[tilespmem:$0x2800] =	vst v0  }
0x19: {  	[tilespmem:$0x2880] =	vst v1  }
0x1a: {  	[tilespmem:$0x2810] =	vst v0  }
0x1b: {  	[tilespmem:$0x2890] =	vst v1  }
0x1c: {  	[tilespmem:$0x2820] =	vst v0  }
0x1d: {  	[tilespmem:$0x28A0] =	vst v1  }
0x1e: {  	[tilespmem:$0x2830] =	vst v0  }
0x1f: {  	[tilespmem:$0x28B0] =	vst v1  }
0x20: {  	[tilespmem:$0x2840] =	vst v0  }
0x21: {  	[tilespmem:$0x28C0] =	vst v1  }
0x22: {  	[tilespmem:$0x2850] =	vst v0  }
0x23: {  	[tilespmem:$0x28D0] =	vst v1  }
0x24: {  	[tilespmem:$0x2860] =	vst v0  }
0x25: {  	[tilespmem:$0x28E0] =	vst v1  }
0x26: {  	[tilespmem:$0x2870] =	vst v0  }
0x27: {  	[tilespmem:$0x28F0] =	vst v1  }
0x28: {  	[tilespmem:s2], [sflag:$0x1] =	stream.linear.gather [hbm4b:s4+s2], $0x2800, $0x38;
	[tilespmem:$0x2B80] =	vst v63  }
0x29: {  	_ =	swait.ge [sflag:s16], $0x2800  }
0x2a: {  	[sflag:s16] =	ssyncset.done $0x0  }
0x2b: {  	[sflag:s16] =	ssyncadd.s32 $0xFFFFD800  }
0x2c: {  	[spmem:s6] =	stream.linear.scatter [tilespmem:s17], [sflag:$0x1], $0x80, $0x38;
	[tilespmem:$0x2B80] =	vst v63  }
0x2d: {  	_ =	swait.ge [sflag:s16], $0x80  }
0x2e: {  	[sflag:s16] =	ssyncset.done $0x0  }
0x2f: {  	[sflag:s16] =	ssyncadd.s32 $0xFFFFFF80  }
0x30: {  	[spmem:s8] =	stream.linear.scatter [tilespmem:s17], [sflag:$0x1], $0x80, $0x38;
	[tilespmem:$0x2B80] =	vst v63  }
0x31: {  	_ =	swait.ge [sflag:s16], $0x80  }
0x32: {  	[sflag:s16] =	ssyncset.done $0x0  }
0x33: {  	[sflag:s16] =	ssyncadd.s32 $0xFFFFFF80  }
0x34: {  	[spmem:s9] =	stream.linear.scatter [tilespmem:s17], [sflag:$0x1], $0x80, $0x38;
	[tilespmem:$0x2B80] =	vst v63  }
0x35: {  	_ =	swait.ge [sflag:s16], $0x80  }
0x36: {  	[sflag:s16] =	ssyncset.done $0x0  }
0x37: {  	[sflag:s16] =	ssyncadd.s32 $0xFFFFFF80  }
0x38: {  	[spmem:s10] =	stream.linear.scatter [tilespmem:s17], [sflag:$0x1], $0x80, $0x38;
	[tilespmem:$0x2B80] =	vst v63  }
0x39: {  	_ =	swait.ge [sflag:s16], $0x80  }
0x3a: {  	[sflag:s16] =	ssyncset.done $0x0  }
0x3b: {  	[sflag:s16] =	ssyncadd.s32 $0xFFFFFF80  }
0x3c: {  	[spmem:s11] =	stream.linear.scatter [tilespmem:s17], [sflag:$0x1], $0x80, $0x38;
	[tilespmem:$0x2B80] =	vst v63  }
0x3d: {  	_ =	swait.ge [sflag:s16], $0x80  }
0x3e: {  	[sflag:s16] =	ssyncset.done $0x0  }
0x3f: {  	[sflag:s16] =	ssyncadd.s32 $0xFFFFFF80  }
0x40: {  	s26 =	simm.s32 $0x0;
	[bflag:$0x0] =	sbarrier.arrive $0xFFFF  }
0x41: {  	[spmem:s1] =	stream.indirect.scatter.add.f32 [tilespmem:s19], [sflag:$0x1], $0x1, s26, s18, $0xb8;
	[tilespmem:$0x2B80] =	vst v63  }
0x42: {  	_ =	swait.ge [sflag:s16], $0x80  }
0x43: {  	s26 =	simm.s32 $0x200;
	[sflag:s16] =	ssyncset.done $0x0  }
.LBB2_2:
0x44: {  	s28 =	sshra.s32 s26, $0x2;
	[sflag:s16] =	ssyncadd.s32 $0xFFFFFF80;
	p0 =	sne.s32 s26, $0x9E00  }
0x45: {  	[spmem:s1] =	stream.indirect.scatter.add.f32 [tilespmem:s19], [sflag:$0x1], $0x1, s28, s18, $0xb8;
	[tilespmem:$0x2B80] =	vst v63  }
.Ltmp0:
0x46: {  	_ = 	snop;
	(pc) =	sbr.rel @p0 .LBB2_2-.Ltmp0, $4  }
0x47: {  	_ = 	snop  }
0x48: {  	s26 =	sadd.s32 $0x200, s26  }
0x49: {  	_ =	swait.ge [sflag:s16], $0x80  }
0x4a: {  	[sflag:s16] =	ssyncset.done $0x0  }
0x4b: {  	[sflag:s16] =	ssyncadd.s32 $0xFFFFFF80;
	s26 =	sshll.u32 s3, $0x6  }
0x4c: {  	[bflag:$0x0] =	sbarrier.arrive $0xFFFF;
	s26 =	sor.u32 $0x1C01, s26  }
0x4d: {  	[hbm:s5], [sflag:s26] =	dma.local [spmem:s20], $0x10  }
0x4e: {  	_ =	swait.ge [sflag:s16], $0x10  }
0x4f: {  	[sflag:s16] =	ssyncset.done $0x0  }
0x50: {  	[sflag:s16] =	ssyncadd.s32 $0xFFFFFFF0  }
0x51: {  	[hbm:s12], [sflag:s26] =	dma.local [spmem:s21], $0x10  }
0x52: {  	_ =	swait.ge [sflag:s16], $0x10  }
0x53: {  	[sflag:s16] =	ssyncset.done $0x0  }
0x54: {  	[sflag:s16] =	ssyncadd.s32 $0xFFFFFFF0  }
0x55: {  	[hbm:s13], [sflag:s26] =	dma.local [spmem:s22], $0x10  }
0x56: {  	_ =	swait.ge [sflag:s16], $0x10  }
0x57: {  	[sflag:s16] =	ssyncset.done $0x0  }
0x58: {  	[sflag:s16] =	ssyncadd.s32 $0xFFFFFFF0  }
0x59: {  	[hbm:s14], [sflag:s26] =	dma.local [spmem:s23], $0x10  }
0x5a: {  	s25 =	sadd.s32 $0x1, s25;
	_ =	swait.ge [sflag:s16], $0x10  }
0x5b: {  	p0 =	sne.s32 s25, s7;
	[sflag:s16] =	ssyncset.done $0x0  }
.Ltmp1:
0x5c: {  	[sflag:s16] =	ssyncadd.s32 $0xFFFFFFF0;
	(pc) =	sbr.rel @p0 .LBB2_1-.Ltmp1, $4  }
0x5d: {  	[hbm:s15], [sflag:s26] =	dma.local [spmem:s24], $0x10  }
0x5e: {  	_ =	swait.ge [sflag:s16], $0x10  }
0x5f: {  	[sflag:s16] =	ssyncset.done $0x0  }
0x60: {  	[sflag:s16] =	ssyncadd.s32 $0xFFFFFFF0  }
0x61: {  	_ =	sfence.sel $0x180000  }
0x62: {  	[bflag:$0x0] =	sbarrier.arrive $0xFFFF  }
0x63: {  	p0 =	sne.s32 s3, $0x0;
	_ =	strace $0x90000047  }
0x64: {  	s0 =	sadd.s32 @!p0 $0x100000, s0;
	[bflag:$0x2] =	sbarrier.arrive $0xFFFF  }
0x65: {  	[sflag:s0] =	ssyncadd.tile.s32 @!p0 $0x1;
	_ =	shalt  }
.Lfunc_end2:
_tile_overlayer_lowered:
.L_overlay_start_2:
0x66: {  	(tag) =	ssettag $0x2  }
0x67: {  	s0 =	rddreg [dreg:$0x0];
	s2 =	stileid.u32  }
0x68: {  	s1 =	rddreg [dreg:$0x1];
	p0 =	sne.s32 s2, $0x0  }
0x69: {  	s3 =	rddreg [dreg:$0x2];
	[bflag:$0x3] =	sbarrier.arrive $0xFFFF;
	s2 =	simm.s32 @!p0 $0x1C01  }
0x6a: {  	[timem:s3], [sflag:s2] =	dma.local @!p0 [hbm:s0], s1  }
0x6b: {  	s0 =	simm.s32 @!p0 $0x1  }
0x6c: {  	_ =	swait.ge @!p0 [sflag:s0], s1  }
0x6d: {  	s1 =	ssub.s32 @!p0 $0x0, s1;
	[sflag:s0] =	ssyncset.done @!p0 $0x0  }
0x6e: {  	[sflag:s0] =	ssyncadd.s32 @!p0 s1  }
0x6f: {  	[bflag:$0x3] =	sbarrier.arrive $0xFFFF  }
0x70: {  	_ =	shalt  }

// kernel: kernel.15.cloned.1.call-start
scs
__scs_entry_jumppad:
0x0: {  	(pc) =	sbr.rel $0x88, $3  }
0x1: {  	(tag) =	ssettag $0x0;
	lr =	simm.s32 $0x1  }
0x2: {  	[smem:$0x3F96] =	sst lr;
	_ =	strace $0xD0000000  }
0x3: {  	_ = 	snop  }
0x4: {  	_ = 	snop  }
0x5: {  	_ = 	snop  }
0x6: {  	_ = 	snop  }
0x7: {  	_ = 	snop  }
__scs_overlays_trampoline_lowered:
0x8: {  	[smem:$0x3FA5] =	sst s0  }
0x9: {  	[smem:$0x3FA6] =	sst s1  }
0xa: {  	[smem:$0x3FA7] =	sst s2  }
0xb: {  	[smem:$0x3FA8] =	sst s3  }
0xc: {  	[smem:$0x3FA9] =	sst s4  }
0xd: {  	[smem:$0x3FAA] =	sst s5  }
0xe: {  	[smem:$0x3FAB] =	sst s6  }
0xf: {  	[smem:$0x3FAC] =	sst s7  }
0x10: {  	[smem:$0x3FAD] =	sst s8  }
0x11: {  	[smem:$0x3FAE] =	sst s9;
	s0 =	simm.s32 @!p0 $0x0  }
0x12: {  	s1 =	sld [smem:$0x3F94];
	s0 =	simm.s32 @p0 $0x1  }
0x13: {  	[smem:$0x3FAF] =	sst s0;
	s0 =	simm.s32 @!p1 $0x0  }
0x14: {  	s2 =	sld [smem:$0x3F93];
	s0 =	simm.s32 @p1 $0x1  }
0x15: {  	[smem:$0x3FB0] =	sst s0;
	s0 =	simm.s32 @!p2 $0x0  }
0x16: {  	s3 =	sld [smem:$0x3FDB];
	s0 =	simm.s32 @p2 $0x1  }
0x17: {  	s4 =	simm.s32 $0x1BF5;
	[smem:$0x3FB2] =	sst s0  }
0x18: {  	s0 =	sld [smem:$0x3F95];
	_ =	swait.ge [sflag:s4], $0x0  }
0x19: {  	s7 =	sld [smem:$0x3F96]  }
0x1a: {  	s8 =	sadd.s32 $0xFFFFE003, lr  }
0x1b: {  	s9 =	sadd.s32 $0xFFFFFEF7, lr;
	s5 =	simm.s32 $0xFFFFFFFF;
	p2 =	slt.u32 s8, $0xFFFFF086  }
0x1c: {  	p1 =	slt.u32 s9, $0xF7A;
	s5 =	simm.s32 @!p2 $0x0  }
0x1d: {  	s5 =	simm.s32 @p1 $0x1;
	p0 =	seq.s32 s7, s2  }
0x1e: {  	s7 =	smul.u32 @!p0 $0xF7A, s2;
	p2 =	seq.s32 @!p0 s5, $0x0  }
0x1f: {  	s9 =	smul.u32 $0xF7A, s1;
	s8 =	simm.s32 @!p0 $0x1BF5;
	p2 =	por !p2, p0  }
0x20: {  	[sflag:s8] =	ssyncset.s32 @!p0 $0xFFFFF086;
	s6 =	sadd.s32 @!p0 s3, s7;
	s7 =	simm.s32 @!p0 $0x108  }
0x21: {  	s3 =	sadd.s32 s3, s9;
	s6 =	sadd.s32 @!p0 $0x88, s6;
	s7 =	simm.s32 @p2 $0x1082  }
0x22: {  	[simem:s7], [sflag:s8] =	dma.local @!p0 [hbm:s6], $0xF7A  }
0x23: {  	s9 =	sor.u32 $0xD0000000, s2;
	s6 =	simm.s32 $0x108;
	_ =	swait.ge @!p0 [sflag:s8], $0x0  }
0x24: {  	s3 =	sadd.s32 $0x88, s3;
	s6 =	simm.s32 @!p1 $0x1082;
	[sflag:s4] =	ssyncset.s32 $0xFFFFF086  }
0x25: {  	[simem:s6], [sflag:s4] =	dma.local [hbm:s3], $0xF7A  }
0x26: {  	[smem:$0x3F96] =	sst s1;
	(tag) =	ssettag s2;
	_ =	strace s9  }
0x27: {  	s1 =	sld [smem:$0x3FA6]  }
0x28: {  	s2 =	sld [smem:$0x3FA7]  }
0x29: {  	s4 =	sld [smem:$0x3FA9]  }
0x2a: {  	p0 =	seq.s32 s5, $0x0;
	s5 =	sld [smem:$0x3FAA]  }
0x2b: {  	s6 =	sld [smem:$0x3FAB]  }
0x2c: {  	s7 =	sld [smem:$0x3FAC]  }
0x2d: {  	s3 =	simm.s32 $0x108;
	s8 =	sld [smem:$0x3FAD]  }
0x2e: {  	s3 =	simm.s32 @!p0 $0x1082;
	s9 =	sld [smem:$0x3FAE]  }
0x2f: {  	lr =	sadd.s32 s0, s3;
	s0 =	sld [smem:$0x3FA5]  }
0x30: {  	s3 =	sld [smem:$0x3FA8]  }
0x31: {  	[smem:$0x3FB1] =	sst s10  }
0x32: {  	s10 =	sld [smem:$0x3FAF];
	_ =	sdelay $0x3  }
0x33: {  	p0 =	seq.s32 s10, $0x1;
	s10 =	sld [smem:$0x3FB1];
	_ =	sdelay $0x3  }
0x34: {  	[smem:$0x3FB1] =	sst s10  }
0x35: {  	s10 =	sld [smem:$0x3FB0];
	_ =	sdelay $0x3  }
0x36: {  	p1 =	seq.s32 s10, $0x1;
	s10 =	sld [smem:$0x3FB1];
	_ =	sdelay $0x3  }
0x37: {  	[smem:$0x3FB1] =	sst s10  }
0x38: {  	s10 =	sld [smem:$0x3FB2]  }
0x39: {  	_ = 	snop;
	(pc) =	sbr.ind lr, $3  }
0x3a: {  	_ = 	snop  }
0x3b: {  	_ = 	snop  }
0x3c: {  	p2 =	seq.s32 s10, $0x1;
	s10 =	sld [smem:$0x3FB1]  }
0x3d: {  	_ =	shalt  }
0x3e: {  	_ =	shalt  }
0x3f: {  	_ =	shalt  }
0x40: {  	_ =	shalt  }
0x41: {  	_ =	shalt  }
0x42: {  	_ =	shalt  }
0x43: {  	_ =	shalt  }
0x44: {  	_ =	shalt  }
0x45: {  	_ =	shalt  }
0x46: {  	_ =	shalt  }
0x47: {  	_ =	shalt  }
0x48: {  	_ =	shalt  }
0x49: {  	_ =	shalt  }
0x4a: {  	_ =	shalt  }
0x4b: {  	_ =	shalt  }
0x4c: {  	_ =	shalt  }
0x4d: {  	_ =	shalt  }
0x4e: {  	_ =	shalt  }
0x4f: {  	_ =	shalt  }
0x50: {  	_ =	shalt  }
0x51: {  	_ =	shalt  }
0x52: {  	_ =	shalt  }
0x53: {  	_ =	shalt  }
0x54: {  	_ =	shalt  }
0x55: {  	_ =	shalt  }
0x56: {  	_ =	shalt  }
0x57: {  	_ =	shalt  }
0x58: {  	_ =	shalt  }
0x59: {  	_ =	shalt  }
0x5a: {  	_ =	shalt  }
0x5b: {  	_ =	shalt  }
0x5c: {  	_ =	shalt  }
0x5d: {  	_ =	shalt  }
0x5e: {  	_ =	shalt  }
0x5f: {  	_ =	shalt  }
0x60: {  	_ =	shalt  }
0x61: {  	_ =	shalt  }
0x62: {  	_ =	shalt  }
0x63: {  	_ =	shalt  }
0x64: {  	_ =	shalt  }
0x65: {  	_ =	shalt  }
0x66: {  	_ =	shalt  }
0x67: {  	_ =	shalt  }
0x68: {  	_ =	shalt  }
0x69: {  	_ =	shalt  }
0x6a: {  	_ =	shalt  }
0x6b: {  	_ =	shalt  }
0x6c: {  	_ =	shalt  }
0x6d: {  	_ =	shalt  }
0x6e: {  	_ =	shalt  }
0x6f: {  	_ =	shalt  }
0x70: {  	_ =	shalt  }
0x71: {  	_ =	shalt  }
0x72: {  	_ =	shalt  }
0x73: {  	_ =	shalt  }
0x74: {  	_ =	shalt  }
0x75: {  	_ =	shalt  }
0x76: {  	_ =	shalt  }
0x77: {  	_ =	shalt  }
0x78: {  	_ =	shalt  }
0x79: {  	_ =	shalt  }
0x7a: {  	_ =	shalt  }
0x7b: {  	_ =	shalt  }
0x7c: {  	_ =	shalt  }
0x7d: {  	_ =	shalt  }
0x7e: {  	_ =	shalt  }
0x7f: {  	_ =	shalt  }
0x80: {  	_ =	shalt  }
0x81: {  	_ =	shalt  }
0x82: {  	_ =	shalt  }
0x83: {  	_ =	shalt  }
0x84: {  	_ =	shalt  }
0x85: {  	_ =	shalt  }
0x86: {  	_ =	shalt  }
0x87: {  	_ =	shalt  }
.Lfunc_end0:
.L_simem_size_0:
called_computation.1_lowered:
.L_overlay_start_0:
0x88: {  	s2 =	sld [smem:$0x3FD9]  }
0x89: {  	s3 =	sld [smem:$0x3FFE];
	_ =	sdelay $0x1  }
0x8a: {  	s1 =	srdreg.scid  }
0x8b: {  	s0 =	sand.u32 $0x1, s1  }
0x8c: {  	s17 =	sshll.u32 s0, $0xA;
	s2 =	sadd.s32 s3, s2  }
0x8d: {  	s2 =	sadd.s32 s2, s17  }
0x8e: {  	[smem:$0x3FBD] =	sst s2  }
0x8f: {  	_ = 	snop  }
0x90: {  	(tm) =	ssettm $0x1  }
0x91: {  	s18 =	sld [smem:$0x3FFB];
	_ =	sdelay $0x3  }
0x92: {  	_ =	strace s18  }
0x93: {  	s2 =	sld [smem:$0x3FFC];
	_ =	sdelay $0x3  }
0x94: {  	_ =	strace s2  }
0x95: {  	s2 =	sld [smem:$0x3FFD];
	_ =	sdelay $0x3  }
0x96: {  	_ =	strace s2  }
0x97: {  	_ =	strace $0x8FFFFFFF  }
0x98: {  	s19 =	sld [smem:$0x3FDB];
	_ =	sdelay $0x1  }
0x99: {  	s20 =	simm.s32 $_scs_section_size  }
0x9a: {  	s4 =	simm.s32 $_size__tile_overlayer_lowered;
	s5 =	simm.s32 $_tile_overlayer_lowered  }
0x9b: {  	s6 =	simm.s32 $0x1BFF;
	s21 =	sshll.u32 s5, $0x1;
	s3 =	sadd.s32 s20, s19  }
0x9c: {  	s22 =	simm.s32 $0x0;
	s4 =	sshll.u32 s4, $0x1;
	s5 =	sadd.s32 s21, s3  }
0x9d: {  	[timem:s22], [sflag:s6] =	dma.local [hbm:s5], s4  }
0x9e: {  	_ =	swait.ge [sflag:s6], s4  }
0x9f: {  	s4 =	ssub.s32 $0x0, s4;
	[sflag:s6] =	ssyncset.done $0x0  }
0xa0: {  	[sflag:s6] =	ssyncadd.s32 s4;
	_ =	sdelay $0x1  }
0xa1: {  	s23 =	simm.s32 $0x1B8B  }
0xa2: {  	_ =	swait.ge [sflag:s23], $0x1  }
0xa3: {  	[sflag:s23] =	ssyncset.done $0x0  }
0xa4: {  	[sflag:s23] =	ssyncadd.s32 $0xFFFFFFFF  }
0xa5: {  	s4 =	sld [smem:$0x0]  }
0xa6: {  	s5 =	sand.u32 $0xFFFFFFFE, s1  }
0xa7: {  	p0 =	sne.s32 s1, s5  }
0xa8: {  	s5 =	sshll.u32 @p0 s5, $0xE  }
0xa9: {  	s5 =	sadd.s32 @p0 $0x11B8D, s5;
	s6 =	sshll.u32 @p0 s4, $0x11  }
0xaa: {  	s5 =	sor.u32 @p0 s6, s5  }
0xab: {  	[sflag:s5] =	ssyncadd.remote.s32 @p0 $0x1;
	_ =	sdelay $0x1  }
0xac: {  	s5 =	simm.s32 @p0 $0x1B8D  }
0xad: {  	_ =	swait.eq @p0 [sflag:s5], $0x1  }
0xae: {  	[sflag:s5] =	ssyncadd.s32 @p0 $0xFFFFFFFF  }
0xaf: {  	s6 =	sshll.u32 @!p0 s1, $0xE  }
0xb0: {  	s6 =	sor.u32 @!p0 $0x4000, s6;
	s5 =	simm.s32 @!p0 $0x1B8D  }
0xb1: {  	s4 =	sshll.u32 @!p0 s4, $0x11;
	s6 =	sadd.s32 @!p0 $0x11B8D, s6;
	_ =	swait.eq @!p0 [sflag:s5], $0x1  }
0xb2: {  	s4 =	sor.u32 @!p0 s4, s6;
	[sflag:s5] =	ssyncadd.s32 @!p0 $0xFFFFFFFF  }
0xb3: {  	s25 =	simm.s32 $0x1B8E;
	s24 =	sld [smem:$0x3FFE];
	[sflag:s4] =	ssyncadd.remote.s32 @!p0 $0x1  }
0xb4: {  	s26 =	simm.s32 $execute0_lowered;
	[smem:$0x3FD2] =	sst s25  }
0xb5: {  	s5 =	sshll.u32 s26, $0x1;
	_ =	strace $0x80000049;
	[dreg:$0x1] =	wrdreg $0xFFFFFFFF  }
0xb6: {  	s28 =	simm.s32 $_size_execute0_lowered;
	s3 =	sadd.s32 s3, s5;
	[dreg:$0x0] =	wrdreg $0x0  }
0xb7: {  	s5 =	sshll.u32 s28, $0x1;
	[dreg:$0x2] =	wrdreg s3  }
0xb8: {  	[dreg:$0x3] =	wrdreg s5  }
0xb9: {  	[dreg:$0x4] =	wrdreg $0xC0  }
0xba: {  	_ =	task [dreg:s22], $0x5FFFF  }
0xbb: {  	[dreg:$0x1] =	wrdreg $0xFFFFFFFF  }
0xbc: {  	[dreg:$0x0] =	wrdreg $0x60  }
0xbd: {  	[dreg:$0x2] =	wrdreg s24  }
0xbe: {  	[dreg:$0x3] =	wrdreg $0xB1000  }
0xbf: {  	[dreg:$0x4] =	wrdreg $0xA  }
0xc0: {  	_ =	task.clear_ibuf [dreg:s22], $0x5FFFF;
	_ =	strace $0x90000049  }
0xc1: {  	s29 =	simm.s32 $0xA;
	_ =	strace $0x8000004B  }
0xc2: {  	_ =	swait.ge [sflag:s29], $0x1  }
0xc3: {  	[sflag:s29] =	ssyncadd.s32 $0xFFFFFFFF  }
0xc4: {  	_ =	strace $0x9000004B  }
0xc5: {  	_ =	sfence  }
0xc6: {  	s30 =	sld [smem:$0x0];
	_ =	sdelay $0x2  }
0xc7: {  	s31 =	sshll.u32 s1, $0xD;
	s1 =	sshrl.u32 s1, $0x2  }
0xc8: {  	s4 =	sand.u32 $0x4000, s31;
	s1 =	sadd.s32 s1, s30  }
0xc9: {  	s0 =	sor.u32 s4, s0;
	s1 =	sshll.u32 s1, $0x11  }
0xca: {  	s0 =	sor.u32 s1, s0  }
0xcb: {  	s0 =	sadd.s32 $0x8F2B, s0  }
0xcc: {  	[sflag:s0] =	ssyncadd.remote.s32 $0x1  }
0xcd: {  	_ =	sfence.sel $0xFFFF  }
0xce: {  	[dreg:$0x0] =	wrdreg $0xFFFFFFFF;
	(pc) =	sbr.abs _section_cstart, $3  }
0xcf: {  	[dreg:$0x1] =	wrdreg $0xFFFFFFFF  }
0xd0: {  	_ =	task.clear_ibuf [dreg:s22], $0x2FFFF;
	_ =	strace $0x9FFFFFFF  }
0xd1: {  	(tm) =	ssettm $0x7FFFFFFF  }
tec
execute0_lowered:
.L_overlay_start_1:
0x0: {  	(tag) =	ssettag $0x1  }
0x1: {  	s0 =	rddreg [dreg:$0x0];
	s1 =	srdreg.scid  }
0x2: {  	s13 =	stileid.u32;
	s2 =	rddreg [dreg:$0x1]  }
0x3: {  	s3 =	simm.s32 $0x0;
	s28 =	simm.s32 $0x7;
	s6 =	smul.u32 $0x50000, s13  }
0x4: {  	s29 =	simm.s32 $0x2880;
	s30 =	simm.s32 $0x80;
	s9 =	smul.u32 $0x280, s13  }
0x5: {  	s31 =	simm.s32 $0x2780;
	s1 =	sand.u32 $0x1, s1;
	s14 =	smul.u32 $0x4E20, s13  }
0x6: {  	s4 =	sshll.u32 s13, $0x1;
	[smem:$0x7FF] =	sst s3;
	s12 =	smul.u32 $0x2800, s1  }
0x7: {  	s4 =	sor.u32 s1, s4;
	s7 =	ssub.s32 $0x2, s1;
	s1 =	smul.u32 $0x2710, s1  }
0x8: {  	s13 =	simm.s32 $0x6;
	_ =	strace $0x8000004A;
	s5 =	smul.u32 $0x2710, s4  }
0x9: {  	s4 =	sadd.s32 $0x17400, s0;
	s11 =	sshrl.u32 s7, $0x1;
	s6 =	sshrl.u32 s6, $0x2  }
0xa: {  	s23 =	sadd.s32 $0x80, s9;
	s16 =	sadd.s32 $0x180, s9;
	s11 =	ssub.s32 s7, s11  }
0xb: {  	s18 =	sadd.s32 s12, s9;
	s7 =	sadd.s32 s6, s2;
	s25 =	sshll.u32 s23, $0x7  }
0xc: {  	s1 =	sadd.s32 s1, s14;
	s14 =	simm.s32 $0x10;
	s8 =	sshrl.u32 s5, $0x3  }
0xd: {  	s5 =	sadd.s32 $0xCC00, s0;
	s19 =	sshll.u32 s18, $0x4;
	s21 =	smax.u32 s11, $0x1  }
0xe: {  	s22 =	sadd.s32 $0x4000, s7;
	s24 =	sadd.s32 $0x8000, s7;
	[dreg:$0x8] =	wrdreg s21  }
0xf: {  	s26 =	sadd.s32 $0xC000, s7;
	s11 =	sadd.s32 $0x100, s9;
	[dreg:$0x9] =	wrdreg s22  }
0x10: {  	s9 =	sadd.s32 $0x200, s9;
	s10 =	sadd.s32 s8, s0;
	[dreg:$0xa] =	wrdreg s24  }
0x11: {  	s0 =	sadd.s32 $0x3F400, s0;
	s8 =	sadd.s32 s5, s8;
	[dreg:$0xb] =	wrdreg s26  }
0x12: {  	s15 =	sshll.u32 s11, $0x7;
	s17 =	sadd.s32 $0x2E00, s10;
	[dreg:$0x4] =	wrdreg s8  }
0x13: {  	s22 =	sadd.s32 $0x180, s1;
	s20 =	sadd.s32 $0x10, s8;
	[dreg:$0x3] =	wrdreg s17  }
0x14: {  	s8 =	sadd.s32 $0x4E0, s8;
	s6 =	sadd.s32 s0, s19;
	[dreg:$0x5] =	wrdreg s20  }
0x15: {  	s19 =	sadd.s32 s12, s9;
	s9 =	sshll.u32 s9, $0x7;
	[dreg:$0x6] =	wrdreg s8  }
0x16: {  	s10 =	simm.s32 $0x2;
	[dreg:$0x7] =	wrdreg s6;
	s6 =	sadd.s32 s12, s23  }
0x17: {  	s8 =	sadd.s32 s25, s2;
	s17 =	sadd.s32 s12, s16;
	s20 =	sshll.u32 s16, $0x7  }
0x18: {  	s21 =	sshll.u32 s19, $0x4;
	s9 =	sadd.s32 s9, s2;
	s16 =	simm.s32 $0xB080  }
0x19: {  	s6 =	sshll.u32 s6, $0x4;
	s18 =	sshll.u32 s17, $0x4;
	s24 =	sshrl.u32 s8, $0x3  }
0x1a: {  	s23 =	sadd.s32 s20, s2;
	s6 =	sadd.s32 s0, s6;
	[dreg:$0x10] =	wrdreg s24  }
0x1b: {  	s8 =	simm.s32 $0x0;
	s26 =	sshrl.u32 s23, $0x3;
	[dreg:$0xc] =	wrdreg s6  }
0x1c: {  	s6 =	sadd.s32 s12, s11;
	s11 =	sadd.s32 s15, s2;
	[dreg:$0x12] =	wrdreg s26  }
0x1d: {  	s26 =	sadd.s32 $0x10000, s7;
	s12 =	simm.s32 $0x5;
	s15 =	simm.s32 $0xA880  }
0x1e: {  	s6 =	sshll.u32 s6, $0x4;
	s25 =	sshrl.u32 s11, $0x3;
	s11 =	simm.s32 $0x4  }
0x1f: {  	s6 =	sadd.s32 s0, s6;
	[dreg:$0x11] =	wrdreg s25;
	s25 =	sshrl.u32 s9, $0x3  }
0x20: {  	s9 =	simm.s32 $0x2800;
	[dreg:$0xd] =	wrdreg s6;
	s6 =	sadd.s32 s0, s18  }
0x21: {  	s0 =	sadd.s32 s0, s21;
	s21 =	sadd.s32 $0x100, s1;
	[dreg:$0xe] =	wrdreg s6  }
0x22: {  	s1 =	simm.s32 $0x1;
	[dreg:$0xf] =	wrdreg s0;
	s0 =	sshrl.u32 s22, $0x3  }
0x23: {  	v0 =	vimm.f32 $0.0e+00;
	s6 =	simm.s32 $0x6880;
	s20 =	sadd.s32 s0, s5;
	s0 =	simm.s32 $0x3  }
.LBB2_1:
0x24: {  	s17 =	sand.u32 $0xFE00, s3  }
0x25: {  	s18 =	sand.u32 $0x70, s3;
	s19 =	sshrl.u32 s17, $0x2  }
0x26: {  	s17 =	simm.s32 $0x40;
	s19 =	sor.u32 s18, s19;
	s18 =	simm.s32 $0x0  }
.LBB2_2:
0x27: {  	p0 =	sne.s32 s17, $0xFFC0  }
0x28: {  	[tilespmem:s19+$0x2880] =	vst v0;
	s18 =	sadd.s32 $0x10, s18;
	s19 =	smov.u32 s17;
	s17 =	sadd.s32 $0x40, s17  }
.Ltmp0:
0x29: {  	(pc) =	sbr.rel @p0 .LBB2_2-.Ltmp0, $4  }
0x2a: {  	_ = 	snop  }
0x2b: {  	s19 =	sand.u32 $0xFE00, s19  }
0x2c: {  	s22 =	sand.u32 $0x70, s18;
	s19 =	sshrl.u32 s19, $0x2  }
0x2d: {  	s19 =	sor.u32 s22, s19  }
0x2e: {  	[tilespmem:s19+$0x2880] =	vst v0;
	s17 =	simm.s32 $0x0;
	s18 =	rddreg [dreg:$0x3]  }
0x2f: {  	[tilespmem:s17], [sflag:$0x7] =	stream.linear.gather [hbm4b:s18+s17], $0x2710, $0x38;
	[tilespmem:$0x1F100] =	vst v63  }
0x30: {  	_ =	swait.ge [sflag:s28], $0x2710  }
0x31: {  	[sflag:s28] =	ssyncset.done $0x0  }
0x32: {  	[sflag:s28] =	ssyncadd.s32 $0xFFFFD8F0  }
0x33: {  	[spmem:s7] =	stream.linear.scatter [tilespmem:s29], [sflag:$0x7], $0x4000, $0x38;
	[tilespmem:$0x1F100] =	vst v63  }
0x34: {  	_ =	swait.ge [sflag:s28], $0x4000  }
0x35: {  	[sflag:s28] =	ssyncset.done $0x0  }
0x36: {  	s24 =	rddreg [dreg:$0x9];
	[sflag:s28] =	ssyncadd.s32 $0xFFFFC000  }
0x37: {  	[spmem:s24] =	stream.linear.scatter [tilespmem:s29], [sflag:$0x7], $0x4000, $0x38;
	[tilespmem:$0x1F100] =	vst v63  }
0x38: {  	_ =	swait.ge [sflag:s28], $0x4000  }
0x39: {  	[sflag:s28] =	ssyncset.done $0x0  }
0x3a: {  	s19 =	rddreg [dreg:$0xa];
	[sflag:s28] =	ssyncadd.s32 $0xFFFFC000  }
0x3b: {  	[spmem:s19] =	stream.linear.scatter [tilespmem:s29], [sflag:$0x7], $0x4000, $0x38;
	[tilespmem:$0x1F100] =	vst v63  }
0x3c: {  	_ =	swait.ge [sflag:s28], $0x4000  }
0x3d: {  	[sflag:s28] =	ssyncset.done $0x0  }
0x3e: {  	s22 =	rddreg [dreg:$0xb];
	[sflag:s28] =	ssyncadd.s32 $0xFFFFC000  }
0x3f: {  	[spmem:s22] =	stream.linear.scatter [tilespmem:s29], [sflag:$0x7], $0x4000, $0x38;
	[tilespmem:$0x1F100] =	vst v63  }
0x40: {  	_ =	swait.ge [sflag:s28], $0x4000  }
0x41: {  	[sflag:s28] =	ssyncset.done $0x0  }
0x42: {  	[sflag:s28] =	ssyncadd.s32 $0xFFFFC000  }
0x43: {  	[spmem:s26] =	stream.linear.scatter [tilespmem:s29], [sflag:$0x7], $0x4000, $0x38;
	[tilespmem:$0x1F100] =	vst v63  }
0x44: {  	_ =	swait.ge [sflag:s28], $0x4000  }
0x45: {  	[sflag:s28] =	ssyncset.done $0x0  }
0x46: {  	[sflag:s28] =	ssyncadd.s32 $0xFFFFC000  }
0x47: {  	[bflag:$0x0] =	sbarrier.arrive $0xFFFF  }
0x48: {  	[tilespmem:s29], [sflag:$0x1] =	stream.indirect.gather [hbm4b:s4+s30], $0x80, s17, s30, $0xb8;
	[tilespmem:$0x1F100] =	vst v63  }
0x49: {  	s23 =	rddreg [dreg:$0x4]  }
0x4a: {  	[tilespmem:s31], [sflag:$0x3] =	stream.linear.gather [hbm4b:s23+s17], $0x80, $0x38;
	[tilespmem:$0x1F100] =	vst v63  }
0x4b: {  	_ =	swait.ge [sflag:s1], $0x4000  }
0x4c: {  	[sflag:s1] =	ssyncset.done $0x0  }
0x4d: {  	[sflag:s1] =	ssyncadd.s32 $0xFFFFC000  }
0x4e: {  	_ =	swait.ge [sflag:s0], $0x80  }
0x4f: {  	[sflag:s0] =	ssyncset.done $0x0  }
0x50: {  	[sflag:s0] =	ssyncadd.s32 $0xFFFFFF80  }
0x51: {  	[spmem:s2] =	stream.indirect.scatter.add.f32 [tilespmem:s29], [sflag:$0x5], $0x80, s31, s30, $0xb8;
	[tilespmem:$0x1F100] =	vst v63  }
0x52: {  	_ = 	snop  }
0x53: {  	[tilespmem:s6], [sflag:$0x2] =	stream.indirect.gather [hbm4b:s4+s30], $0x80, s30, s30, $0xb8;
	[tilespmem:$0x1F100] =	vst v63  }
0x54: {  	s24 =	rddreg [dreg:$0x5]  }
0x55: {  	[tilespmem:s9], [sflag:$0x4] =	stream.linear.gather [hbm4b:s24+s17], $0x80, $0x38;
	[tilespmem:$0x1F100] =	vst v63  }
0x56: {  	_ =	swait.ge [sflag:s10], $0x4000  }
0x57: {  	[sflag:s10] =	ssyncset.done $0x0  }
0x58: {  	[sflag:s10] =	ssyncadd.s32 $0xFFFFC000  }
0x59: {  	_ =	swait.ge [sflag:s11], $0x80  }
0x5a: {  	[sflag:s11] =	ssyncset.done $0x0  }
0x5b: {  	[sflag:s11] =	ssyncadd.s32 $0xFFFFFF80  }
0x5c: {  	[spmem:s2] =	stream.indirect.scatter.add.f32 [tilespmem:s6], [sflag:$0x6], $0x80, s9, s30, $0xb8;
	[tilespmem:$0x1F100] =	vst v63  }
0x5d: {  	_ =	swait.ge [sflag:s12], $0x4000  }
0x5e: {  	[sflag:s12] =	ssyncset.done $0x0  }
0x5f: {  	s19 =	simm.s32 $0x100;
	s22 =	sshrl.u32 s21, $0x3;
	[sflag:s12] =	ssyncadd.s32 $0xFFFFC000  }
0x60: {  	[tilespmem:s29], [sflag:$0x1] =	stream.indirect.gather [hbm4b:s4+s30], $0x80, s19, s30, $0xb8;
	[tilespmem:$0x1F100] =	vst v63  }
0x61: {  	s23 =	sadd.s32 s5, s22  }
0x62: {  	[tilespmem:s31], [sflag:$0x3] =	stream.linear.gather [hbm4b:s23+s3], $0x80, $0x38;
	[tilespmem:$0x1F100] =	vst v63  }
0x63: {  	_ =	swait.ge [sflag:s1], $0x4000  }
0x64: {  	[sflag:s1] =	ssyncset.done $0x0  }
0x65: {  	[sflag:s1] =	ssyncadd.s32 $0xFFFFC000  }
0x66: {  	_ =	swait.ge [sflag:s0], $0x80  }
0x67: {  	[sflag:s0] =	ssyncset.done $0x0  }
0x68: {  	[sflag:s0] =	ssyncadd.s32 $0xFFFFFF80  }
0x69: {  	[spmem:s2] =	stream.indirect.scatter.add.f32 [tilespmem:s29], [sflag:$0x5], $0x80, s31, s30, $0xb8;
	[tilespmem:$0x1F100] =	vst v63  }
0x6a: {  	s18 =	simm.s32 $0x280;
	_ =	swait.ge [sflag:s13], $0x4000  }
0x6b: {  	s22 =	sadd.s32 $0x0, s20;
	s24 =	simm.s32 $0x180;
	[sflag:s13] =	ssyncset.done $0x0  }
0x6c: {  	s17 =	simm.s32 $0x20;
	s19 =	sadd.s32 $0x100, s21;
	[sflag:s13] =	ssyncadd.s32 $0xFFFFC000  }
0x6d: {  	[tilespmem:s6], [sflag:$0x2] =	stream.indirect.gather [hbm4b:s4+s30], $0x80, s24, s30, $0xb8;
	[tilespmem:$0x1F100] =	vst v63  }
.LBB2_4:
0x6e: {  	[tilespmem:s9], [sflag:$0x4] =	stream.linear.gather [hbm4b:s22+s3], $0x80, $0x38;
	[tilespmem:$0x1F100] =	vst v63  }
0x6f: {  	s22 =	smov.u32 s17  }
0x70: {  	p0 =	sne.s32 s17, $0x4A0;
	s17 =	sadd.s32 $0x20, s17;
	_ =	swait.ge [sflag:s10], $0x4000  }
0x71: {  	[sflag:s10] =	ssyncset.done $0x0  }
0x72: {  	[sflag:s10] =	ssyncadd.s32 $0xFFFFC000  }
0x73: {  	_ =	swait.ge [sflag:s11], $0x80  }
0x74: {  	[sflag:s11] =	ssyncset.done $0x0  }
0x75: {  	[sflag:s11] =	ssyncadd.s32 $0xFFFFFF80  }
0x76: {  	[spmem:s2] =	stream.indirect.scatter.add.f32 [tilespmem:s6], [sflag:$0x6], $0x80, s9, s30, $0xb8;
	[tilespmem:$0x1F100] =	vst v63  }
0x77: {  	_ =	swait.ge [sflag:s12], $0x4000  }
0x78: {  	[sflag:s12] =	ssyncset.done $0x0  }
0x79: {  	s23 =	sadd.s32 $0xFFFFFF80, s18;
	s24 =	sshrl.u32 s19, $0x3;
	[sflag:s12] =	ssyncadd.s32 $0xFFFFC000  }
0x7a: {  	[tilespmem:s29], [sflag:$0x1] =	stream.indirect.gather [hbm4b:s4+s30], $0x80, s23, s30, $0xb8;
	[tilespmem:$0x1F100] =	vst v63  }
0x7b: {  	s23 =	sadd.s32 s5, s24  }
0x7c: {  	[tilespmem:s31], [sflag:$0x3] =	stream.linear.gather [hbm4b:s23+s3], $0x80, $0x38;
	[tilespmem:$0x1F100] =	vst v63  }
0x7d: {  	_ =	swait.ge [sflag:s1], $0x4000  }
0x7e: {  	[sflag:s1] =	ssyncset.done $0x0  }
0x7f: {  	[sflag:s1] =	ssyncadd.s32 $0xFFFFC000  }
0x80: {  	_ =	swait.ge [sflag:s0], $0x80  }
0x81: {  	[sflag:s0] =	ssyncset.done $0x0  }
0x82: {  	[sflag:s0] =	ssyncadd.s32 $0xFFFFFF80  }
0x83: {  	[spmem:s2] =	stream.indirect.scatter.add.f32 [tilespmem:s29], [sflag:$0x5], $0x80, s31, s30, $0xb8;
	[tilespmem:$0x1F100] =	vst v63  }
.Ltmp1:
0x84: {  	_ =	swait.ge [sflag:s13], $0x4000;
	(pc) =	sbr.rel @p0 .LBB2_4-.Ltmp1, $4  }
0x85: {  	[sflag:s13] =	ssyncset.done $0x0  }
0x86: {  	[sflag:s13] =	ssyncadd.s32 $0xFFFFC000  }
0x87: {  	[tilespmem:s6], [sflag:$0x2] =	stream.indirect.gather [hbm4b:s4+s30], $0x80, s18, s30, $0xb8;
	[tilespmem:$0x1F100] =	vst v63  }
0x88: {  	s19 =	sadd.s32 $0x100, s19;
	s22 =	sadd.s32 s22, s20;
	s18 =	sadd.s32 $0x100, s18  }
0x89: {  	[tilespmem:s9], [sflag:$0x4] =	stream.linear.gather [hbm4b:s22+s3], $0x80, $0x38;
	[tilespmem:$0x1F100] =	vst v63  }
0x8a: {  	_ =	swait.ge [sflag:s10], $0x4000  }
0x8b: {  	[sflag:s10] =	ssyncset.done $0x0  }
0x8c: {  	[sflag:s10] =	ssyncadd.s32 $0xFFFFC000  }
0x8d: {  	_ =	swait.ge [sflag:s11], $0x80  }
0x8e: {  	[sflag:s11] =	ssyncset.done $0x0  }
0x8f: {  	[sflag:s11] =	ssyncadd.s32 $0xFFFFFF80  }
0x90: {  	[spmem:s2] =	stream.indirect.scatter.add.f32 [tilespmem:s6], [sflag:$0x6], $0x80, s9, s30, $0xb8;
	[tilespmem:$0x1F100] =	vst v63  }
0x91: {  	s17 =	simm.s32 $0x2700  }
0x92: {  	[tilespmem:s15], [sflag:$0x1] =	stream.indirect.gather [hbm4b:s4+s14], $0x80, s17, s14, $0xb8;
	[tilespmem:$0x1F100] =	vst v63  }
0x93: {  	s24 =	rddreg [dreg:$0x6]  }
0x94: {  	[tilespmem:s16], [sflag:$0x3] =	stream.linear.gather [hbm4b:s24+s3], $0x10, $0x38;
	[tilespmem:$0x1F100] =	vst v63  }
0x95: {  	_ =	swait.ge [sflag:s1], $0x800  }
0x96: {  	[sflag:s1] =	ssyncset.done $0x0  }
0x97: {  	[sflag:s1] =	ssyncadd.s32 $0xFFFFF800  }
0x98: {  	_ =	swait.ge [sflag:s0], $0x10  }
0x99: {  	[sflag:s0] =	ssyncset.done $0x0  }
0x9a: {  	[sflag:s0] =	ssyncadd.s32 $0xFFFFFFF0  }
0x9b: {  	[spmem:s2] =	stream.indirect.scatter.add.f32 [tilespmem:s15], [sflag:$0x7], $0x80, s16, s14, $0xb8;
	[tilespmem:$0x1F100] =	vst v63  }
0x9c: {  	_ =	swait.ge [sflag:s28], $0x800  }
0x9d: {  	[sflag:s28] =	ssyncset.done $0x0  }
0x9e: {  	[sflag:s28] =	ssyncadd.s32 $0xFFFFF800  }
0x9f: {  	_ =	swait.ge [sflag:s12], $0x4000  }
0xa0: {  	[sflag:s12] =	ssyncset.done $0x0  }
0xa1: {  	[sflag:s12] =	ssyncadd.s32 $0xFFFFC000  }
0xa2: {  	_ =	swait.ge [sflag:s13], $0x4000  }
0xa3: {  	[sflag:s13] =	ssyncset.done $0x0  }
0xa4: {  	s18 =	stileid.u32;
	[sflag:s13] =	ssyncadd.s32 $0xFFFFC000  }
0xa5: {  	s17 =	sshll.u32 s18, $0x6;
	[bflag:$0x0] =	sbarrier.arrive $0xFFFF  }
0xa6: {  	s18 =	sshrl.u32 s7, $0x3;
	s17 =	sor.u32 $0x1C07, s17;
	s19 =	rddreg [dreg:$0x7]  }
0xa7: {  	[hbm:s19], [sflag:s17] =	dma.local [spmem:s18], $0x800  }
0xa8: {  	_ =	swait.ge [sflag:s28], $0x800  }
0xa9: {  	[sflag:s28] =	ssyncset.done $0x0;
	s19 =	rddreg [dreg:$0xc]  }
0xaa: {  	s22 =	rddreg [dreg:$0x10];
	[sflag:s28] =	ssyncadd.s32 $0xFFFFF800  }
0xab: {  	[hbm:s19], [sflag:s17] =	dma.local [spmem:s22], $0x800  }
0xac: {  	_ =	swait.ge [sflag:s28], $0x800  }
0xad: {  	[sflag:s28] =	ssyncset.done $0x0;
	s23 =	rddreg [dreg:$0xd]  }
0xae: {  	s24 =	rddreg [dreg:$0x11];
	[sflag:s28] =	ssyncadd.s32 $0xFFFFF800  }
0xaf: {  	[hbm:s23], [sflag:s17] =	dma.local [spmem:s24], $0x800  }
0xb0: {  	_ =	swait.ge [sflag:s28], $0x800  }
0xb1: {  	[sflag:s28] =	ssyncset.done $0x0;
	s19 =	rddreg [dreg:$0xe]  }
0xb2: {  	s22 =	rddreg [dreg:$0x12];
	[sflag:s28] =	ssyncadd.s32 $0xFFFFF800  }
0xb3: {  	[hbm:s19], [sflag:s17] =	dma.local [spmem:s22], $0x800  }
0xb4: {  	_ =	swait.ge [sflag:s28], $0x800  }
0xb5: {  	[sflag:s28] =	ssyncset.done $0x0  }
0xb6: {  	s23 =	rddreg [dreg:$0xf];
	[sflag:s28] =	ssyncadd.s32 $0xFFFFF800  }
0xb7: {  	[hbm:s23], [sflag:s17] =	dma.local [spmem:s25], $0x800  }
0xb8: {  	_ =	swait.ge [sflag:s28], $0x800  }
0xb9: {  	s8 =	sadd.s32 $0x1, s8;
	s24 =	rddreg [dreg:$0x8]  }
0xba: {  	p0 =	sne.s32 s8, s24  }
.Ltmp2:
0xbb: {  	_ = 	snop;
	(pc) =	sbr.rel @p0 .LBB2_1-.Ltmp2, $3  }
0xbc: {  	_ =	sdelay $0x1  }
0xbd: {  	[sflag:s28] =	ssyncset.done $0x0  }
0xbe: {  	[sflag:s28] =	ssyncadd.s32 $0xFFFFF800  }
0xbf: {  	_ =	sfence.sel $0x180000  }
0xc0: {  	[bflag:$0x0] =	sbarrier.arrive $0xFFFF  }
0xc1: {  	_ =	strace $0x9000004A  }
0xc2: {  	s0 =	stileid.u32;
	[bflag:$0x2] =	sbarrier.arrive $0xFFFF  }
0xc3: {  	p0 =	sne.s32 s0, $0x0;
	s0 =	rddreg [dreg:$0x2]  }
0xc4: {  	s0 =	sadd.s32 @!p0 $0x100000, s0  }
0xc5: {  	[sflag:s0] =	ssyncadd.tile.s32 @!p0 $0x1;
	_ =	shalt  }
.Lfunc_end2:
_tile_overlayer_lowered:
.L_overlay_start_2:
0xc6: {  	(tag) =	ssettag $0x2  }
0xc7: {  	s0 =	rddreg [dreg:$0x0];
	s2 =	stileid.u32  }
0xc8: {  	s1 =	rddreg [dreg:$0x1];
	p0 =	sne.s32 s2, $0x0  }
0xc9: {  	s3 =	rddreg [dreg:$0x2];
	[bflag:$0x3] =	sbarrier.arrive $0xFFFF;
	s2 =	simm.s32 @!p0 $0x1C07  }
0xca: {  	[timem:s3], [sflag:s2] =	dma.local @!p0 [hbm:s0], s1  }
0xcb: {  	s0 =	simm.s32 @!p0 $0x7  }
0xcc: {  	_ =	swait.ge @!p0 [sflag:s0], s1  }
0xcd: {  	s1 =	ssub.s32 @!p0 $0x0, s1;
	[sflag:s0] =	ssyncset.done @!p0 $0x0  }
0xce: {  	[sflag:s0] =	ssyncadd.s32 @!p0 s1  }
0xcf: {  	[bflag:$0x3] =	sbarrier.arrive $0xFFFF  }
0xd0: {  	_ =	shalt  }

// kernel: kernel.18.cloned.1.call-start
scs
__scs_entry_jumppad:
0x0: {  	(pc) =	sbr.rel $0x88, $3  }
0x1: {  	(tag) =	ssettag $0x0;
	lr =	simm.s32 $0x1  }
0x2: {  	[smem:$0x3F96] =	sst lr;
	_ =	strace $0xD0000000  }
0x3: {  	_ = 	snop  }
0x4: {  	_ = 	snop  }
0x5: {  	_ = 	snop  }
0x6: {  	_ = 	snop  }
0x7: {  	_ = 	snop  }
__scs_overlays_trampoline_lowered:
0x8: {  	[smem:$0x3FA5] =	sst s0  }
0x9: {  	[smem:$0x3FA6] =	sst s1  }
0xa: {  	[smem:$0x3FA7] =	sst s2  }
0xb: {  	[smem:$0x3FA8] =	sst s3  }
0xc: {  	[smem:$0x3FA9] =	sst s4  }
0xd: {  	[smem:$0x3FAA] =	sst s5  }
0xe: {  	[smem:$0x3FAB] =	sst s6  }
0xf: {  	[smem:$0x3FAC] =	sst s7  }
0x10: {  	[smem:$0x3FAD] =	sst s8  }
0x11: {  	[smem:$0x3FAE] =	sst s9;
	s0 =	simm.s32 @!p0 $0x0  }
0x12: {  	s1 =	sld [smem:$0x3F94];
	s0 =	simm.s32 @p0 $0x1  }
0x13: {  	[smem:$0x3FAF] =	sst s0;
	s0 =	simm.s32 @!p1 $0x0  }
0x14: {  	s2 =	sld [smem:$0x3F93];
	s0 =	simm.s32 @p1 $0x1  }
0x15: {  	[smem:$0x3FB0] =	sst s0;
	s0 =	simm.s32 @!p2 $0x0  }
0x16: {  	s3 =	sld [smem:$0x3FDB];
	s0 =	simm.s32 @p2 $0x1  }
0x17: {  	s4 =	simm.s32 $0x1BF5;
	[smem:$0x3FB2] =	sst s0  }
0x18: {  	s0 =	sld [smem:$0x3F95];
	_ =	swait.ge [sflag:s4], $0x0  }
0x19: {  	s7 =	sld [smem:$0x3F96]  }
0x1a: {  	s8 =	sadd.s32 $0xFFFFE003, lr  }
0x1b: {  	s9 =	sadd.s32 $0xFFFFFEF7, lr;
	s5 =	simm.s32 $0xFFFFFFFF;
	p2 =	slt.u32 s8, $0xFFFFF086  }
0x1c: {  	p1 =	slt.u32 s9, $0xF7A;
	s5 =	simm.s32 @!p2 $0x0  }
0x1d: {  	s5 =	simm.s32 @p1 $0x1;
	p0 =	seq.s32 s7, s2  }
0x1e: {  	s7 =	smul.u32 @!p0 $0xF7A, s2;
	p2 =	seq.s32 @!p0 s5, $0x0  }
0x1f: {  	s9 =	smul.u32 $0xF7A, s1;
	s8 =	simm.s32 @!p0 $0x1BF5;
	p2 =	por !p2, p0  }
0x20: {  	[sflag:s8] =	ssyncset.s32 @!p0 $0xFFFFF086;
	s6 =	sadd.s32 @!p0 s3, s7;
	s7 =	simm.s32 @!p0 $0x108  }
0x21: {  	s3 =	sadd.s32 s3, s9;
	s6 =	sadd.s32 @!p0 $0x88, s6;
	s7 =	simm.s32 @p2 $0x1082  }
0x22: {  	[simem:s7], [sflag:s8] =	dma.local @!p0 [hbm:s6], $0xF7A  }
0x23: {  	s9 =	sor.u32 $0xD0000000, s2;
	s6 =	simm.s32 $0x108;
	_ =	swait.ge @!p0 [sflag:s8], $0x0  }
0x24: {  	s3 =	sadd.s32 $0x88, s3;
	s6 =	simm.s32 @!p1 $0x1082;
	[sflag:s4] =	ssyncset.s32 $0xFFFFF086  }
0x25: {  	[simem:s6], [sflag:s4] =	dma.local [hbm:s3], $0xF7A  }
0x26: {  	[smem:$0x3F96] =	sst s1;
	(tag) =	ssettag s2;
	_ =	strace s9  }
0x27: {  	s1 =	sld [smem:$0x3FA6]  }
0x28: {  	s2 =	sld [smem:$0x3FA7]  }
0x29: {  	s4 =	sld [smem:$0x3FA9]  }
0x2a: {  	p0 =	seq.s32 s5, $0x0;
	s5 =	sld [smem:$0x3FAA]  }
0x2b: {  	s6 =	sld [smem:$0x3FAB]  }
0x2c: {  	s7 =	sld [smem:$0x3FAC]  }
0x2d: {  	s3 =	simm.s32 $0x108;
	s8 =	sld [smem:$0x3FAD]  }
0x2e: {  	s3 =	simm.s32 @!p0 $0x1082;
	s9 =	sld [smem:$0x3FAE]  }
0x2f: {  	lr =	sadd.s32 s0, s3;
	s0 =	sld [smem:$0x3FA5]  }
0x30: {  	s3 =	sld [smem:$0x3FA8]  }
0x31: {  	[smem:$0x3FB1] =	sst s10  }
0x32: {  	s10 =	sld [smem:$0x3FAF];
	_ =	sdelay $0x3  }
0x33: {  	p0 =	seq.s32 s10, $0x1;
	s10 =	sld [smem:$0x3FB1];
	_ =	sdelay $0x3  }
0x34: {  	[smem:$0x3FB1] =	sst s10  }
0x35: {  	s10 =	sld [smem:$0x3FB0];
	_ =	sdelay $0x3  }
0x36: {  	p1 =	seq.s32 s10, $0x1;
	s10 =	sld [smem:$0x3FB1];
	_ =	sdelay $0x3  }
0x37: {  	[smem:$0x3FB1] =	sst s10  }
0x38: {  	s10 =	sld [smem:$0x3FB2]  }
0x39: {  	_ = 	snop;
	(pc) =	sbr.ind lr, $3  }
0x3a: {  	_ = 	snop  }
0x3b: {  	_ = 	snop  }
0x3c: {  	p2 =	seq.s32 s10, $0x1;
	s10 =	sld [smem:$0x3FB1]  }
0x3d: {  	_ =	shalt  }
0x3e: {  	_ =	shalt  }
0x3f: {  	_ =	shalt  }
0x40: {  	_ =	shalt  }
0x41: {  	_ =	shalt  }
0x42: {  	_ =	shalt  }
0x43: {  	_ =	shalt  }
0x44: {  	_ =	shalt  }
0x45: {  	_ =	shalt  }
0x46: {  	_ =	shalt  }
0x47: {  	_ =	shalt  }
0x48: {  	_ =	shalt  }
0x49: {  	_ =	shalt  }
0x4a: {  	_ =	shalt  }
0x4b: {  	_ =	shalt  }
0x4c: {  	_ =	shalt  }
0x4d: {  	_ =	shalt  }
0x4e: {  	_ =	shalt  }
0x4f: {  	_ =	shalt  }
0x50: {  	_ =	shalt  }
0x51: {  	_ =	shalt  }
0x52: {  	_ =	shalt  }
0x53: {  	_ =	shalt  }
0x54: {  	_ =	shalt  }
0x55: {  	_ =	shalt  }
0x56: {  	_ =	shalt  }
0x57: {  	_ =	shalt  }
0x58: {  	_ =	shalt  }
0x59: {  	_ =	shalt  }
0x5a: {  	_ =	shalt  }
0x5b: {  	_ =	shalt  }
0x5c: {  	_ =	shalt  }
0x5d: {  	_ =	shalt  }
0x5e: {  	_ =	shalt  }
0x5f: {  	_ =	shalt  }
0x60: {  	_ =	shalt  }
0x61: {  	_ =	shalt  }
0x62: {  	_ =	shalt  }
0x63: {  	_ =	shalt  }
0x64: {  	_ =	shalt  }
0x65: {  	_ =	shalt  }
0x66: {  	_ =	shalt  }
0x67: {  	_ =	shalt  }
0x68: {  	_ =	shalt  }
0x69: {  	_ =	shalt  }
0x6a: {  	_ =	shalt  }
0x6b: {  	_ =	shalt  }
0x6c: {  	_ =	shalt  }
0x6d: {  	_ =	shalt  }
0x6e: {  	_ =	shalt  }
0x6f: {  	_ =	shalt  }
0x70: {  	_ =	shalt  }
0x71: {  	_ =	shalt  }
0x72: {  	_ =	shalt  }
0x73: {  	_ =	shalt  }
0x74: {  	_ =	shalt  }
0x75: {  	_ =	shalt  }
0x76: {  	_ =	shalt  }
0x77: {  	_ =	shalt  }
0x78: {  	_ =	shalt  }
0x79: {  	_ =	shalt  }
0x7a: {  	_ =	shalt  }
0x7b: {  	_ =	shalt  }
0x7c: {  	_ =	shalt  }
0x7d: {  	_ =	shalt  }
0x7e: {  	_ =	shalt  }
0x7f: {  	_ =	shalt  }
0x80: {  	_ =	shalt  }
0x81: {  	_ =	shalt  }
0x82: {  	_ =	shalt  }
0x83: {  	_ =	shalt  }
0x84: {  	_ =	shalt  }
0x85: {  	_ =	shalt  }
0x86: {  	_ =	shalt  }
0x87: {  	_ =	shalt  }
.Lfunc_end0:
.L_simem_size_0:
called_computation.2_lowered:
.L_overlay_start_0:
0x88: {  	s2 =	sld [smem:$0x3FD9]  }
0x89: {  	s3 =	sld [smem:$0x3FFE];
	_ =	sdelay $0x1  }
0x8a: {  	s1 =	srdreg.scid  }
0x8b: {  	s0 =	sand.u32 $0x1, s1  }
0x8c: {  	s16 =	sshll.u32 s0, $0xA;
	s2 =	sadd.s32 s3, s2  }
0x8d: {  	s2 =	sadd.s32 s2, s16  }
0x8e: {  	[smem:$0x3FBD] =	sst s2  }
0x8f: {  	_ = 	snop  }
0x90: {  	(tm) =	ssettm $0x1  }
0x91: {  	s17 =	sld [smem:$0x3FFB];
	_ =	sdelay $0x3  }
0x92: {  	_ =	strace s17  }
0x93: {  	s2 =	sld [smem:$0x3FFC];
	_ =	sdelay $0x3  }
0x94: {  	_ =	strace s2  }
0x95: {  	s2 =	sld [smem:$0x3FFD];
	_ =	sdelay $0x3  }
0x96: {  	_ =	strace s2  }
0x97: {  	_ =	strace $0x8FFFFFFF  }
0x98: {  	s18 =	sld [smem:$0x3FDB];
	_ =	sdelay $0x1  }
0x99: {  	s19 =	simm.s32 $_scs_section_size  }
0x9a: {  	s4 =	simm.s32 $_size__tile_overlayer_lowered;
	s5 =	simm.s32 $_tile_overlayer_lowered  }
0x9b: {  	s22 =	simm.s32 $0x1BFF;
	s21 =	sshll.u32 s5, $0x1;
	s2 =	sadd.s32 s19, s18  }
0x9c: {  	s6 =	simm.s32 $0x0;
	s20 =	sshll.u32 s4, $0x1;
	s4 =	sadd.s32 s21, s2  }
0x9d: {  	[timem:s6], [sflag:s22] =	dma.local [hbm:s4], s20  }
0x9e: {  	_ =	swait.ge [sflag:s22], s20  }
0x9f: {  	s3 =	ssub.s32 $0x0, s20;
	[sflag:s22] =	ssyncset.done $0x0  }
0xa0: {  	[sflag:s22] =	ssyncadd.s32 s3;
	_ =	sdelay $0x1  }
0xa1: {  	s23 =	simm.s32 $0x1B8B  }
0xa2: {  	_ =	swait.ge [sflag:s23], $0x1  }
0xa3: {  	[sflag:s23] =	ssyncset.done $0x0  }
0xa4: {  	s25 =	simm.s32 $0x1B8E;
	s24 =	sld [smem:$0x3FFE];
	[sflag:s23] =	ssyncadd.s32 $0xFFFFFFFF  }
0xa5: {  	s26 =	simm.s32 $execute0_lowered;
	[smem:$0x3FD2] =	sst s25  }
0xa6: {  	s4 =	sshll.u32 s26, $0x1;
	_ =	strace $0x8000004C;
	[dreg:$0x1] =	wrdreg $0xFFFFFFFF  }
0xa7: {  	s28 =	simm.s32 $_size_execute0_lowered;
	s2 =	sadd.s32 s2, s4;
	[dreg:$0x0] =	wrdreg $0x0  }
0xa8: {  	s4 =	sshll.u32 s28, $0x1;
	[dreg:$0x2] =	wrdreg s2  }
0xa9: {  	[dreg:$0x3] =	wrdreg s4  }
0xaa: {  	[dreg:$0x4] =	wrdreg $0xC0  }
0xab: {  	_ =	task [dreg:s6], $0x5FFFF  }
0xac: {  	[dreg:$0x1] =	wrdreg $0xFFFFFFFF  }
0xad: {  	[dreg:$0x0] =	wrdreg $0x60  }
0xae: {  	[dreg:$0x2] =	wrdreg s24  }
0xaf: {  	[dreg:$0x3] =	wrdreg $0xB1000  }
0xb0: {  	[dreg:$0x4] =	wrdreg $0x9  }
0xb1: {  	_ =	task.clear_ibuf [dreg:s6], $0x5FFFF;
	_ =	strace $0x9000004C  }
0xb2: {  	s29 =	simm.s32 $0x9;
	_ =	strace $0x8000004E  }
0xb3: {  	_ =	swait.ge [sflag:s29], $0x1  }
0xb4: {  	[sflag:s29] =	ssyncadd.s32 $0xFFFFFFFF  }
0xb5: {  	_ =	strace $0x9000004E  }
0xb6: {  	_ =	sfence  }
0xb7: {  	s30 =	sld [smem:$0x0];
	_ =	sdelay $0x2  }
0xb8: {  	s31 =	sshll.u32 s1, $0xD;
	s1 =	sshrl.u32 s1, $0x2  }
0xb9: {  	s3 =	sand.u32 $0x4000, s31;
	s1 =	sadd.s32 s1, s30  }
0xba: {  	s0 =	sor.u32 s3, s0;
	s1 =	sshll.u32 s1, $0x11  }
0xbb: {  	s0 =	sor.u32 s1, s0  }
0xbc: {  	s0 =	sadd.s32 $0x8F2B, s0  }
0xbd: {  	[sflag:s0] =	ssyncadd.remote.s32 $0x1  }
0xbe: {  	_ =	sfence.sel $0xFFFF  }
0xbf: {  	[dreg:$0x0] =	wrdreg $0xFFFFFFFF;
	(pc) =	sbr.abs _section_cstart, $3  }
0xc0: {  	[dreg:$0x1] =	wrdreg $0xFFFFFFFF  }
0xc1: {  	_ =	task.clear_ibuf [dreg:s6], $0x2FFFF;
	_ =	strace $0x9FFFFFFF  }
0xc2: {  	(tm) =	ssettm $0x7FFFFFFF  }
0xc3: {  	_ =	shalt  }
tec
execute0_lowered:
.L_overlay_start_1:
0x0: {  	(tag) =	ssettag $0x1  }
0x1: {  	s0 =	rddreg [dreg:$0x0];
	s1 =	srdreg.scid  }
0x2: {  	s13 =	stileid.u32;
	s2 =	rddreg [dreg:$0x1]  }
0x3: {  	s3 =	simm.s32 $0x0;
	s28 =	simm.s32 $0x7;
	s6 =	smul.u32 $0x50000, s13  }
0x4: {  	s29 =	simm.s32 $0x2880;
	s30 =	simm.s32 $0x80;
	s9 =	smul.u32 $0x280, s13  }
0x5: {  	s31 =	simm.s32 $0x2780;
	s1 =	sand.u32 $0x1, s1;
	s14 =	smul.u32 $0x4E20, s13  }
0x6: {  	s4 =	sshll.u32 s13, $0x1;
	[smem:$0x7FF] =	sst s3;
	s12 =	smul.u32 $0x2800, s1  }
0x7: {  	s4 =	sor.u32 s1, s4;
	s7 =	ssub.s32 $0x2, s1;
	s1 =	smul.u32 $0x2710, s1  }
0x8: {  	s13 =	simm.s32 $0x6;
	_ =	strace $0x8000004D;
	s5 =	smul.u32 $0x2710, s4  }
0x9: {  	s4 =	sadd.s32 $0x16A00, s0;
	s11 =	sshrl.u32 s7, $0x1;
	s6 =	sshrl.u32 s6, $0x2  }
0xa: {  	s23 =	sadd.s32 $0x80, s9;
	s16 =	sadd.s32 $0x180, s9;
	s11 =	ssub.s32 s7, s11  }
0xb: {  	s18 =	sadd.s32 s12, s9;
	s7 =	sadd.s32 s6, s2;
	s25 =	sshll.u32 s23, $0x7  }
0xc: {  	s1 =	sadd.s32 s1, s14;
	s14 =	simm.s32 $0x10;
	s8 =	sshrl.u32 s5, $0x3  }
0xd: {  	s5 =	sadd.s32 $0xCC00, s0;
	s19 =	sshll.u32 s18, $0x4;
	s21 =	smax.u32 s11, $0x1  }
0xe: {  	s22 =	sadd.s32 $0x4000, s7;
	s24 =	sadd.s32 $0x8000, s7;
	[dreg:$0x8] =	wrdreg s21  }
0xf: {  	s26 =	sadd.s32 $0xC000, s7;
	s11 =	sadd.s32 $0x100, s9;
	[dreg:$0x9] =	wrdreg s22  }
0x10: {  	s9 =	sadd.s32 $0x200, s9;
	s10 =	sadd.s32 s8, s0;
	[dreg:$0xa] =	wrdreg s24  }
0x11: {  	s0 =	sadd.s32 $0x3EA00, s0;
	s8 =	sadd.s32 s5, s8;
	[dreg:$0xb] =	wrdreg s26  }
0x12: {  	s15 =	sshll.u32 s11, $0x7;
	s17 =	sadd.s32 $0x2E00, s10;
	[dreg:$0x4] =	wrdreg s8  }
0x13: {  	s22 =	sadd.s32 $0x180, s1;
	s20 =	sadd.s32 $0x10, s8;
	[dreg:$0x3] =	wrdreg s17  }
0x14: {  	s8 =	sadd.s32 $0x4E0, s8;
	s6 =	sadd.s32 s0, s19;
	[dreg:$0x5] =	wrdreg s20  }
0x15: {  	s19 =	sadd.s32 s12, s9;
	s9 =	sshll.u32 s9, $0x7;
	[dreg:$0x6] =	wrdreg s8  }
0x16: {  	s10 =	simm.s32 $0x2;
	[dreg:$0x7] =	wrdreg s6;
	s6 =	sadd.s32 s12, s23  }
0x17: {  	s8 =	sadd.s32 s25, s2;
	s17 =	sadd.s32 s12, s16;
	s20 =	sshll.u32 s16, $0x7  }
0x18: {  	s21 =	sshll.u32 s19, $0x4;
	s9 =	sadd.s32 s9, s2;
	s16 =	simm.s32 $0xB080  }
0x19: {  	s6 =	sshll.u32 s6, $0x4;
	s18 =	sshll.u32 s17, $0x4;
	s24 =	sshrl.u32 s8, $0x3  }
0x1a: {  	s23 =	sadd.s32 s20, s2;
	s6 =	sadd.s32 s0, s6;
	[dreg:$0x10] =	wrdreg s24  }
0x1b: {  	s8 =	simm.s32 $0x0;
	s26 =	sshrl.u32 s23, $0x3;
	[dreg:$0xc] =	wrdreg s6  }
0x1c: {  	s6 =	sadd.s32 s12, s11;
	s11 =	sadd.s32 s15, s2;
	[dreg:$0x12] =	wrdreg s26  }
0x1d: {  	s26 =	sadd.s32 $0x10000, s7;
	s12 =	simm.s32 $0x5;
	s15 =	simm.s32 $0xA880  }
0x1e: {  	s6 =	sshll.u32 s6, $0x4;
	s25 =	sshrl.u32 s11, $0x3;
	s11 =	simm.s32 $0x4  }
0x1f: {  	s6 =	sadd.s32 s0, s6;
	[dreg:$0x11] =	wrdreg s25;
	s25 =	sshrl.u32 s9, $0x3  }
0x20: {  	s9 =	simm.s32 $0x2800;
	[dreg:$0xd] =	wrdreg s6;
	s6 =	sadd.s32 s0, s18  }
0x21: {  	s0 =	sadd.s32 s0, s21;
	s21 =	sadd.s32 $0x100, s1;
	[dreg:$0xe] =	wrdreg s6  }
0x22: {  	s1 =	simm.s32 $0x1;
	[dreg:$0xf] =	wrdreg s0;
	s0 =	sshrl.u32 s22, $0x3  }
0x23: {  	v0 =	vimm.f32 $0.0e+00;
	s6 =	simm.s32 $0x6880;
	s20 =	sadd.s32 s0, s5;
	s0 =	simm.s32 $0x3  }
.LBB2_1:
0x24: {  	s17 =	sand.u32 $0xFE00, s3  }
0x25: {  	s18 =	sand.u32 $0x70, s3;
	s19 =	sshrl.u32 s17, $0x2  }
0x26: {  	s17 =	simm.s32 $0x40;
	s19 =	sor.u32 s18, s19;
	s18 =	simm.s32 $0x0  }
.LBB2_2:
0x27: {  	p0 =	sne.s32 s17, $0xFFC0  }
0x28: {  	[tilespmem:s19+$0x2880] =	vst v0;
	s18 =	sadd.s32 $0x10, s18;
	s19 =	smov.u32 s17;
	s17 =	sadd.s32 $0x40, s17  }
.Ltmp0:
0x29: {  	(pc) =	sbr.rel @p0 .LBB2_2-.Ltmp0, $4  }
0x2a: {  	_ = 	snop  }
0x2b: {  	s19 =	sand.u32 $0xFE00, s19  }
0x2c: {  	s22 =	sand.u32 $0x70, s18;
	s19 =	sshrl.u32 s19, $0x2  }
0x2d: {  	s19 =	sor.u32 s22, s19  }
0x2e: {  	[tilespmem:s19+$0x2880] =	vst v0;
	s17 =	simm.s32 $0x0;
	s18 =	rddreg [dreg:$0x3]  }
0x2f: {  	[tilespmem:s17], [sflag:$0x7] =	stream.linear.gather [hbm4b:s18+s17], $0x2710, $0x38;
	[tilespmem:$0x1F100] =	vst v63  }
0x30: {  	_ =	swait.ge [sflag:s28], $0x2710  }
0x31: {  	[sflag:s28] =	ssyncset.done $0x0  }
0x32: {  	[sflag:s28] =	ssyncadd.s32 $0xFFFFD8F0  }
0x33: {  	[spmem:s7] =	stream.linear.scatter [tilespmem:s29], [sflag:$0x7], $0x4000, $0x38;
	[tilespmem:$0x1F100] =	vst v63  }
0x34: {  	_ =	swait.ge [sflag:s28], $0x4000  }
0x35: {  	[sflag:s28] =	ssyncset.done $0x0  }
0x36: {  	s24 =	rddreg [dreg:$0x9];
	[sflag:s28] =	ssyncadd.s32 $0xFFFFC000  }
0x37: {  	[spmem:s24] =	stream.linear.scatter [tilespmem:s29], [sflag:$0x7], $0x4000, $0x38;
	[tilespmem:$0x1F100] =	vst v63  }
0x38: {  	_ =	swait.ge [sflag:s28], $0x4000  }
0x39: {  	[sflag:s28] =	ssyncset.done $0x0  }
0x3a: {  	s19 =	rddreg [dreg:$0xa];
	[sflag:s28] =	ssyncadd.s32 $0xFFFFC000  }
0x3b: {  	[spmem:s19] =	stream.linear.scatter [tilespmem:s29], [sflag:$0x7], $0x4000, $0x38;
	[tilespmem:$0x1F100] =	vst v63  }
0x3c: {  	_ =	swait.ge [sflag:s28], $0x4000  }
0x3d: {  	[sflag:s28] =	ssyncset.done $0x0  }
0x3e: {  	s22 =	rddreg [dreg:$0xb];
	[sflag:s28] =	ssyncadd.s32 $0xFFFFC000  }
0x3f: {  	[spmem:s22] =	stream.linear.scatter [tilespmem:s29], [sflag:$0x7], $0x4000, $0x38;
	[tilespmem:$0x1F100] =	vst v63  }
0x40: {  	_ =	swait.ge [sflag:s28], $0x4000  }
0x41: {  	[sflag:s28] =	ssyncset.done $0x0  }
0x42: {  	[sflag:s28] =	ssyncadd.s32 $0xFFFFC000  }
0x43: {  	[spmem:s26] =	stream.linear.scatter [tilespmem:s29], [sflag:$0x7], $0x4000, $0x38;
	[tilespmem:$0x1F100] =	vst v63  }
0x44: {  	_ =	swait.ge [sflag:s28], $0x4000  }
0x45: {  	[sflag:s28] =	ssyncset.done $0x0  }
0x46: {  	[sflag:s28] =	ssyncadd.s32 $0xFFFFC000  }
0x47: {  	[bflag:$0x0] =	sbarrier.arrive $0xFFFF  }
0x48: {  	[tilespmem:s29], [sflag:$0x1] =	stream.indirect.gather [hbm4b:s4+s30], $0x80, s17, s30, $0xb8;
	[tilespmem:$0x1F100] =	vst v63  }
0x49: {  	s23 =	rddreg [dreg:$0x4]  }
0x4a: {  	[tilespmem:s31], [sflag:$0x3] =	stream.linear.gather [hbm4b:s23+s17], $0x80, $0x38;
	[tilespmem:$0x1F100] =	vst v63  }
0x4b: {  	_ =	swait.ge [sflag:s1], $0x4000  }
0x4c: {  	[sflag:s1] =	ssyncset.done $0x0  }
0x4d: {  	[sflag:s1] =	ssyncadd.s32 $0xFFFFC000  }
0x4e: {  	_ =	swait.ge [sflag:s0], $0x80  }
0x4f: {  	[sflag:s0] =	ssyncset.done $0x0  }
0x50: {  	[sflag:s0] =	ssyncadd.s32 $0xFFFFFF80  }
0x51: {  	[spmem:s2] =	stream.indirect.scatter.add.f32 [tilespmem:s29], [sflag:$0x5], $0x80, s31, s30, $0xb8;
	[tilespmem:$0x1F100] =	vst v63  }
0x52: {  	_ = 	snop  }
0x53: {  	[tilespmem:s6], [sflag:$0x2] =	stream.indirect.gather [hbm4b:s4+s30], $0x80, s30, s30, $0xb8;
	[tilespmem:$0x1F100] =	vst v63  }
0x54: {  	s24 =	rddreg [dreg:$0x5]  }
0x55: {  	[tilespmem:s9], [sflag:$0x4] =	stream.linear.gather [hbm4b:s24+s17], $0x80, $0x38;
	[tilespmem:$0x1F100] =	vst v63  }
0x56: {  	_ =	swait.ge [sflag:s10], $0x4000  }
0x57: {  	[sflag:s10] =	ssyncset.done $0x0  }
0x58: {  	[sflag:s10] =	ssyncadd.s32 $0xFFFFC000  }
0x59: {  	_ =	swait.ge [sflag:s11], $0x80  }
0x5a: {  	[sflag:s11] =	ssyncset.done $0x0  }
0x5b: {  	[sflag:s11] =	ssyncadd.s32 $0xFFFFFF80  }
0x5c: {  	[spmem:s2] =	stream.indirect.scatter.add.f32 [tilespmem:s6], [sflag:$0x6], $0x80, s9, s30, $0xb8;
	[tilespmem:$0x1F100] =	vst v63  }
0x5d: {  	_ =	swait.ge [sflag:s12], $0x4000  }
0x5e: {  	[sflag:s12] =	ssyncset.done $0x0  }
0x5f: {  	s19 =	simm.s32 $0x100;
	s22 =	sshrl.u32 s21, $0x3;
	[sflag:s12] =	ssyncadd.s32 $0xFFFFC000  }
0x60: {  	[tilespmem:s29], [sflag:$0x1] =	stream.indirect.gather [hbm4b:s4+s30], $0x80, s19, s30, $0xb8;
	[tilespmem:$0x1F100] =	vst v63  }
0x61: {  	s23 =	sadd.s32 s5, s22  }
0x62: {  	[tilespmem:s31], [sflag:$0x3] =	stream.linear.gather [hbm4b:s23+s3], $0x80, $0x38;
	[tilespmem:$0x1F100] =	vst v63  }
0x63: {  	_ =	swait.ge [sflag:s1], $0x4000  }
0x64: {  	[sflag:s1] =	ssyncset.done $0x0  }
0x65: {  	[sflag:s1] =	ssyncadd.s32 $0xFFFFC000  }
0x66: {  	_ =	swait.ge [sflag:s0], $0x80  }
0x67: {  	[sflag:s0] =	ssyncset.done $0x0  }
0x68: {  	[sflag:s0] =	ssyncadd.s32 $0xFFFFFF80  }
0x69: {  	[spmem:s2] =	stream.indirect.scatter.add.f32 [tilespmem:s29], [sflag:$0x5], $0x80, s31, s30, $0xb8;
	[tilespmem:$0x1F100] =	vst v63  }
0x6a: {  	s18 =	simm.s32 $0x280;
	_ =	swait.ge [sflag:s13], $0x4000  }
0x6b: {  	s22 =	sadd.s32 $0x0, s20;
	s24 =	simm.s32 $0x180;
	[sflag:s13] =	ssyncset.done $0x0  }
0x6c: {  	s17 =	simm.s32 $0x20;
	s19 =	sadd.s32 $0x100, s21;
	[sflag:s13] =	ssyncadd.s32 $0xFFFFC000  }
0x6d: {  	[tilespmem:s6], [sflag:$0x2] =	stream.indirect.gather [hbm4b:s4+s30], $0x80, s24, s30, $0xb8;
	[tilespmem:$0x1F100] =	vst v63  }
.LBB2_4:
0x6e: {  	[tilespmem:s9], [sflag:$0x4] =	stream.linear.gather [hbm4b:s22+s3], $0x80, $0x38;
	[tilespmem:$0x1F100] =	vst v63  }
0x6f: {  	s22 =	smov.u32 s17  }
0x70: {  	p0 =	sne.s32 s17, $0x4A0;
	s17 =	sadd.s32 $0x20, s17;
	_ =	swait.ge [sflag:s10], $0x4000  }
0x71: {  	[sflag:s10] =	ssyncset.done $0x0  }
0x72: {  	[sflag:s10] =	ssyncadd.s32 $0xFFFFC000  }
0x73: {  	_ =	swait.ge [sflag:s11], $0x80  }
0x74: {  	[sflag:s11] =	ssyncset.done $0x0  }
0x75: {  	[sflag:s11] =	ssyncadd.s32 $0xFFFFFF80  }
0x76: {  	[spmem:s2] =	stream.indirect.scatter.add.f32 [tilespmem:s6], [sflag:$0x6], $0x80, s9, s30, $0xb8;
	[tilespmem:$0x1F100] =	vst v63  }
0x77: {  	_ =	swait.ge [sflag:s12], $0x4000  }
0x78: {  	[sflag:s12] =	ssyncset.done $0x0  }
0x79: {  	s23 =	sadd.s32 $0xFFFFFF80, s18;
	s24 =	sshrl.u32 s19, $0x3;
	[sflag:s12] =	ssyncadd.s32 $0xFFFFC000  }
0x7a: {  	[tilespmem:s29], [sflag:$0x1] =	stream.indirect.gather [hbm4b:s4+s30], $0x80, s23, s30, $0xb8;
	[tilespmem:$0x1F100] =	vst v63  }
0x7b: {  	s23 =	sadd.s32 s5, s24  }
0x7c: {  	[tilespmem:s31], [sflag:$0x3] =	stream.linear.gather [hbm4b:s23+s3], $0x80, $0x38;
	[tilespmem:$0x1F100] =	vst v63  }
0x7d: {  	_ =	swait.ge [sflag:s1], $0x4000  }
0x7e: {  	[sflag:s1] =	ssyncset.done $0x0  }
0x7f: {  	[sflag:s1] =	ssyncadd.s32 $0xFFFFC000  }
0x80: {  	_ =	swait.ge [sflag:s0], $0x80  }
0x81: {  	[sflag:s0] =	ssyncset.done $0x0  }
0x82: {  	[sflag:s0] =	ssyncadd.s32 $0xFFFFFF80  }
0x83: {  	[spmem:s2] =	stream.indirect.scatter.add.f32 [tilespmem:s29], [sflag:$0x5], $0x80, s31, s30, $0xb8;
	[tilespmem:$0x1F100] =	vst v63  }
.Ltmp1:
0x84: {  	_ =	swait.ge [sflag:s13], $0x4000;
	(pc) =	sbr.rel @p0 .LBB2_4-.Ltmp1, $4  }
0x85: {  	[sflag:s13] =	ssyncset.done $0x0  }
0x86: {  	[sflag:s13] =	ssyncadd.s32 $0xFFFFC000  }
0x87: {  	[tilespmem:s6], [sflag:$0x2] =	stream.indirect.gather [hbm4b:s4+s30], $0x80, s18, s30, $0xb8;
	[tilespmem:$0x1F100] =	vst v63  }
0x88: {  	s19 =	sadd.s32 $0x100, s19;
	s22 =	sadd.s32 s22, s20;
	s18 =	sadd.s32 $0x100, s18  }
0x89: {  	[tilespmem:s9], [sflag:$0x4] =	stream.linear.gather [hbm4b:s22+s3], $0x80, $0x38;
	[tilespmem:$0x1F100] =	vst v63  }
0x8a: {  	_ =	swait.ge [sflag:s10], $0x4000  }
0x8b: {  	[sflag:s10] =	ssyncset.done $0x0  }
0x8c: {  	[sflag:s10] =	ssyncadd.s32 $0xFFFFC000  }
0x8d: {  	_ =	swait.ge [sflag:s11], $0x80  }
0x8e: {  	[sflag:s11] =	ssyncset.done $0x0  }
0x8f: {  	[sflag:s11] =	ssyncadd.s32 $0xFFFFFF80  }
0x90: {  	[spmem:s2] =	stream.indirect.scatter.add.f32 [tilespmem:s6], [sflag:$0x6], $0x80, s9, s30, $0xb8;
	[tilespmem:$0x1F100] =	vst v63  }
0x91: {  	s17 =	simm.s32 $0x2700  }
0x92: {  	[tilespmem:s15], [sflag:$0x1] =	stream.indirect.gather [hbm4b:s4+s14], $0x80, s17, s14, $0xb8;
	[tilespmem:$0x1F100] =	vst v63  }
0x93: {  	s24 =	rddreg [dreg:$0x6]  }
0x94: {  	[tilespmem:s16], [sflag:$0x3] =	stream.linear.gather [hbm4b:s24+s3], $0x10, $0x38;
	[tilespmem:$0x1F100] =	vst v63  }
0x95: {  	_ =	swait.ge [sflag:s1], $0x800  }
0x96: {  	[sflag:s1] =	ssyncset.done $0x0  }
0x97: {  	[sflag:s1] =	ssyncadd.s32 $0xFFFFF800  }
0x98: {  	_ =	swait.ge [sflag:s0], $0x10  }
0x99: {  	[sflag:s0] =	ssyncset.done $0x0  }
0x9a: {  	[sflag:s0] =	ssyncadd.s32 $0xFFFFFFF0  }
0x9b: {  	[spmem:s2] =	stream.indirect.scatter.add.f32 [tilespmem:s15], [sflag:$0x7], $0x80, s16, s14, $0xb8;
	[tilespmem:$0x1F100] =	vst v63  }
0x9c: {  	_ =	swait.ge [sflag:s28], $0x800  }
0x9d: {  	[sflag:s28] =	ssyncset.done $0x0  }
0x9e: {  	[sflag:s28] =	ssyncadd.s32 $0xFFFFF800  }
0x9f: {  	_ =	swait.ge [sflag:s12], $0x4000  }
0xa0: {  	[sflag:s12] =	ssyncset.done $0x0  }
0xa1: {  	[sflag:s12] =	ssyncadd.s32 $0xFFFFC000  }
0xa2: {  	_ =	swait.ge [sflag:s13], $0x4000  }
0xa3: {  	[sflag:s13] =	ssyncset.done $0x0  }
0xa4: {  	s18 =	stileid.u32;
	[sflag:s13] =	ssyncadd.s32 $0xFFFFC000  }
0xa5: {  	s17 =	sshll.u32 s18, $0x6;
	[bflag:$0x0] =	sbarrier.arrive $0xFFFF  }
0xa6: {  	s18 =	sshrl.u32 s7, $0x3;
	s17 =	sor.u32 $0x1C07, s17;
	s19 =	rddreg [dreg:$0x7]  }
0xa7: {  	[hbm:s19], [sflag:s17] =	dma.local [spmem:s18], $0x800  }
0xa8: {  	_ =	swait.ge [sflag:s28], $0x800  }
0xa9: {  	[sflag:s28] =	ssyncset.done $0x0;
	s19 =	rddreg [dreg:$0xc]  }
0xaa: {  	s22 =	rddreg [dreg:$0x10];
	[sflag:s28] =	ssyncadd.s32 $0xFFFFF800  }
0xab: {  	[hbm:s19], [sflag:s17] =	dma.local [spmem:s22], $0x800  }
0xac: {  	_ =	swait.ge [sflag:s28], $0x800  }
0xad: {  	[sflag:s28] =	ssyncset.done $0x0;
	s23 =	rddreg [dreg:$0xd]  }
0xae: {  	s24 =	rddreg [dreg:$0x11];
	[sflag:s28] =	ssyncadd.s32 $0xFFFFF800  }
0xaf: {  	[hbm:s23], [sflag:s17] =	dma.local [spmem:s24], $0x800  }
0xb0: {  	_ =	swait.ge [sflag:s28], $0x800  }
0xb1: {  	[sflag:s28] =	ssyncset.done $0x0;
	s19 =	rddreg [dreg:$0xe]  }
0xb2: {  	s22 =	rddreg [dreg:$0x12];
	[sflag:s28] =	ssyncadd.s32 $0xFFFFF800  }
0xb3: {  	[hbm:s19], [sflag:s17] =	dma.local [spmem:s22], $0x800  }
0xb4: {  	_ =	swait.ge [sflag:s28], $0x800  }
0xb5: {  	[sflag:s28] =	ssyncset.done $0x0  }
0xb6: {  	s23 =	rddreg [dreg:$0xf];
	[sflag:s28] =	ssyncadd.s32 $0xFFFFF800  }
0xb7: {  	[hbm:s23], [sflag:s17] =	dma.local [spmem:s25], $0x800  }
0xb8: {  	_ =	swait.ge [sflag:s28], $0x800  }
0xb9: {  	s8 =	sadd.s32 $0x1, s8;
	s24 =	rddreg [dreg:$0x8]  }
0xba: {  	p0 =	sne.s32 s8, s24  }
.Ltmp2:
0xbb: {  	_ = 	snop;
	(pc) =	sbr.rel @p0 .LBB2_1-.Ltmp2, $3  }
0xbc: {  	_ =	sdelay $0x1  }
0xbd: {  	[sflag:s28] =	ssyncset.done $0x0  }
0xbe: {  	[sflag:s28] =	ssyncadd.s32 $0xFFFFF800  }
0xbf: {  	_ =	sfence.sel $0x180000  }
0xc0: {  	[bflag:$0x0] =	sbarrier.arrive $0xFFFF  }
0xc1: {  	_ =	strace $0x9000004D  }
0xc2: {  	s0 =	stileid.u32;
	[bflag:$0x2] =	sbarrier.arrive $0xFFFF  }
0xc3: {  	p0 =	sne.s32 s0, $0x0;
	s0 =	rddreg [dreg:$0x2]  }
0xc4: {  	s0 =	sadd.s32 @!p0 $0x100000, s0  }
0xc5: {  	[sflag:s0] =	ssyncadd.tile.s32 @!p0 $0x1;
	_ =	shalt  }
.Lfunc_end2:
_tile_overlayer_lowered:
.L_overlay_start_2:
0xc6: {  	(tag) =	ssettag $0x2  }
0xc7: {  	s0 =	rddreg [dreg:$0x0];
	s2 =	stileid.u32  }
0xc8: {  	s1 =	rddreg [dreg:$0x1];
	p0 =	sne.s32 s2, $0x0  }
0xc9: {  	s3 =	rddreg [dreg:$0x2];
	[bflag:$0x3] =	sbarrier.arrive $0xFFFF;
	s2 =	simm.s32 @!p0 $0x1C07  }
0xca: {  	[timem:s3], [sflag:s2] =	dma.local @!p0 [hbm:s0], s1  }
0xcb: {  	s0 =	simm.s32 @!p0 $0x7  }
0xcc: {  	_ =	swait.ge @!p0 [sflag:s0], s1  }
0xcd: {  	s1 =	ssub.s32 @!p0 $0x0, s1;
	[sflag:s0] =	ssyncset.done @!p0 $0x0  }
0xce: {  	[sflag:s0] =	ssyncadd.s32 @!p0 s1  }
0xcf: {  	[bflag:$0x3] =	sbarrier.arrive $0xFFFF  }
0xd0: {  	_ =	shalt  }

// kernel: kernel.21.cloned.1.call-start
scs
__scs_entry_jumppad:
0x0: {  	(pc) =	sbr.rel $0x88, $3  }
0x1: {  	(tag) =	ssettag $0x0;
	lr =	simm.s32 $0x1  }
0x2: {  	[smem:$0x3F96] =	sst lr;
	_ =	strace $0xD0000000  }
0x3: {  	_ = 	snop  }
0x4: {  	_ = 	snop  }
0x5: {  	_ = 	snop  }
0x6: {  	_ = 	snop  }
0x7: {  	_ = 	snop  }
__scs_overlays_trampoline_lowered:
0x8: {  	[smem:$0x3FA5] =	sst s0  }
0x9: {  	[smem:$0x3FA6] =	sst s1  }
0xa: {  	[smem:$0x3FA7] =	sst s2  }
0xb: {  	[smem:$0x3FA8] =	sst s3  }
0xc: {  	[smem:$0x3FA9] =	sst s4  }
0xd: {  	[smem:$0x3FAA] =	sst s5  }
0xe: {  	[smem:$0x3FAB] =	sst s6  }
0xf: {  	[smem:$0x3FAC] =	sst s7  }
0x10: {  	[smem:$0x3FAD] =	sst s8  }
0x11: {  	[smem:$0x3FAE] =	sst s9;
	s0 =	simm.s32 @!p0 $0x0  }
0x12: {  	s1 =	sld [smem:$0x3F94];
	s0 =	simm.s32 @p0 $0x1  }
0x13: {  	[smem:$0x3FAF] =	sst s0;
	s0 =	simm.s32 @!p1 $0x0  }
0x14: {  	s2 =	sld [smem:$0x3F93];
	s0 =	simm.s32 @p1 $0x1  }
0x15: {  	[smem:$0x3FB0] =	sst s0;
	s0 =	simm.s32 @!p2 $0x0  }
0x16: {  	s3 =	sld [smem:$0x3FDB];
	s0 =	simm.s32 @p2 $0x1  }
0x17: {  	s4 =	simm.s32 $0x1BF5;
	[smem:$0x3FB2] =	sst s0  }
0x18: {  	s0 =	sld [smem:$0x3F95];
	_ =	swait.ge [sflag:s4], $0x0  }
0x19: {  	s7 =	sld [smem:$0x3F96]  }
0x1a: {  	s8 =	sadd.s32 $0xFFFFE003, lr  }
0x1b: {  	s9 =	sadd.s32 $0xFFFFFEF7, lr;
	s5 =	simm.s32 $0xFFFFFFFF;
	p2 =	slt.u32 s8, $0xFFFFF086  }
0x1c: {  	p1 =	slt.u32 s9, $0xF7A;
	s5 =	simm.s32 @!p2 $0x0  }
0x1d: {  	s5 =	simm.s32 @p1 $0x1;
	p0 =	seq.s32 s7, s2  }
0x1e: {  	s7 =	smul.u32 @!p0 $0xF7A, s2;
	p2 =	seq.s32 @!p0 s5, $0x0  }
0x1f: {  	s9 =	smul.u32 $0xF7A, s1;
	s8 =	simm.s32 @!p0 $0x1BF5;
	p2 =	por !p2, p0  }
0x20: {  	[sflag:s8] =	ssyncset.s32 @!p0 $0xFFFFF086;
	s6 =	sadd.s32 @!p0 s3, s7;
	s7 =	simm.s32 @!p0 $0x108  }
0x21: {  	s3 =	sadd.s32 s3, s9;
	s6 =	sadd.s32 @!p0 $0x88, s6;
	s7 =	simm.s32 @p2 $0x1082  }
0x22: {  	[simem:s7], [sflag:s8] =	dma.local @!p0 [hbm:s6], $0xF7A  }
0x23: {  	s9 =	sor.u32 $0xD0000000, s2;
	s6 =	simm.s32 $0x108;
	_ =	swait.ge @!p0 [sflag:s8], $0x0  }
0x24: {  	s3 =	sadd.s32 $0x88, s3;
	s6 =	simm.s32 @!p1 $0x1082;
	[sflag:s4] =	ssyncset.s32 $0xFFFFF086  }
0x25: {  	[simem:s6], [sflag:s4] =	dma.local [hbm:s3], $0xF7A  }
0x26: {  	[smem:$0x3F96] =	sst s1;
	(tag) =	ssettag s2;
	_ =	strace s9  }
0x27: {  	s1 =	sld [smem:$0x3FA6]  }
0x28: {  	s2 =	sld [smem:$0x3FA7]  }
0x29: {  	s4 =	sld [smem:$0x3FA9]  }
0x2a: {  	p0 =	seq.s32 s5, $0x0;
	s5 =	sld [smem:$0x3FAA]  }
0x2b: {  	s6 =	sld [smem:$0x3FAB]  }
0x2c: {  	s7 =	sld [smem:$0x3FAC]  }
0x2d: {  	s3 =	simm.s32 $0x108;
	s8 =	sld [smem:$0x3FAD]  }
0x2e: {  	s3 =	simm.s32 @!p0 $0x1082;
	s9 =	sld [smem:$0x3FAE]  }
0x2f: {  	lr =	sadd.s32 s0, s3;
	s0 =	sld [smem:$0x3FA5]  }
0x30: {  	s3 =	sld [smem:$0x3FA8]  }
0x31: {  	[smem:$0x3FB1] =	sst s10  }
0x32: {  	s10 =	sld [smem:$0x3FAF];
	_ =	sdelay $0x3  }
0x33: {  	p0 =	seq.s32 s10, $0x1;
	s10 =	sld [smem:$0x3FB1];
	_ =	sdelay $0x3  }
0x34: {  	[smem:$0x3FB1] =	sst s10  }
0x35: {  	s10 =	sld [smem:$0x3FB0];
	_ =	sdelay $0x3  }
0x36: {  	p1 =	seq.s32 s10, $0x1;
	s10 =	sld [smem:$0x3FB1];
	_ =	sdelay $0x3  }
0x37: {  	[smem:$0x3FB1] =	sst s10  }
0x38: {  	s10 =	sld [smem:$0x3FB2]  }
0x39: {  	_ = 	snop;
	(pc) =	sbr.ind lr, $3  }
0x3a: {  	_ = 	snop  }
0x3b: {  	_ = 	snop  }
0x3c: {  	p2 =	seq.s32 s10, $0x1;
	s10 =	sld [smem:$0x3FB1]  }
0x3d: {  	_ =	shalt  }
0x3e: {  	_ =	shalt  }
0x3f: {  	_ =	shalt  }
0x40: {  	_ =	shalt  }
0x41: {  	_ =	shalt  }
0x42: {  	_ =	shalt  }
0x43: {  	_ =	shalt  }
0x44: {  	_ =	shalt  }
0x45: {  	_ =	shalt  }
0x46: {  	_ =	shalt  }
0x47: {  	_ =	shalt  }
0x48: {  	_ =	shalt  }
0x49: {  	_ =	shalt  }
0x4a: {  	_ =	shalt  }
0x4b: {  	_ =	shalt  }
0x4c: {  	_ =	shalt  }
0x4d: {  	_ =	shalt  }
0x4e: {  	_ =	shalt  }
0x4f: {  	_ =	shalt  }
0x50: {  	_ =	shalt  }
0x51: {  	_ =	shalt  }
0x52: {  	_ =	shalt  }
0x53: {  	_ =	shalt  }
0x54: {  	_ =	shalt  }
0x55: {  	_ =	shalt  }
0x56: {  	_ =	shalt  }
0x57: {  	_ =	shalt  }
0x58: {  	_ =	shalt  }
0x59: {  	_ =	shalt  }
0x5a: {  	_ =	shalt  }
0x5b: {  	_ =	shalt  }
0x5c: {  	_ =	shalt  }
0x5d: {  	_ =	shalt  }
0x5e: {  	_ =	shalt  }
0x5f: {  	_ =	shalt  }
0x60: {  	_ =	shalt  }
0x61: {  	_ =	shalt  }
0x62: {  	_ =	shalt  }
0x63: {  	_ =	shalt  }
0x64: {  	_ =	shalt  }
0x65: {  	_ =	shalt  }
0x66: {  	_ =	shalt  }
0x67: {  	_ =	shalt  }
0x68: {  	_ =	shalt  }
0x69: {  	_ =	shalt  }
0x6a: {  	_ =	shalt  }
0x6b: {  	_ =	shalt  }
0x6c: {  	_ =	shalt  }
0x6d: {  	_ =	shalt  }
0x6e: {  	_ =	shalt  }
0x6f: {  	_ =	shalt  }
0x70: {  	_ =	shalt  }
0x71: {  	_ =	shalt  }
0x72: {  	_ =	shalt  }
0x73: {  	_ =	shalt  }
0x74: {  	_ =	shalt  }
0x75: {  	_ =	shalt  }
0x76: {  	_ =	shalt  }
0x77: {  	_ =	shalt  }
0x78: {  	_ =	shalt  }
0x79: {  	_ =	shalt  }
0x7a: {  	_ =	shalt  }
0x7b: {  	_ =	shalt  }
0x7c: {  	_ =	shalt  }
0x7d: {  	_ =	shalt  }
0x7e: {  	_ =	shalt  }
0x7f: {  	_ =	shalt  }
0x80: {  	_ =	shalt  }
0x81: {  	_ =	shalt  }
0x82: {  	_ =	shalt  }
0x83: {  	_ =	shalt  }
0x84: {  	_ =	shalt  }
0x85: {  	_ =	shalt  }
0x86: {  	_ =	shalt  }
0x87: {  	_ =	shalt  }
.Lfunc_end0:
.L_simem_size_0:
called_computation.3_lowered:
.L_overlay_start_0:
0x88: {  	s2 =	sld [smem:$0x3FD9]  }
0x89: {  	s3 =	sld [smem:$0x3FFE];
	_ =	sdelay $0x1  }
0x8a: {  	s1 =	srdreg.scid  }
0x8b: {  	s0 =	sand.u32 $0x1, s1  }
0x8c: {  	s16 =	sshll.u32 s0, $0xA;
	s2 =	sadd.s32 s3, s2  }
0x8d: {  	s2 =	sadd.s32 s2, s16  }
0x8e: {  	[smem:$0x3FBD] =	sst s2  }
0x8f: {  	_ = 	snop  }
0x90: {  	(tm) =	ssettm $0x1  }
0x91: {  	s17 =	sld [smem:$0x3FFB];
	_ =	sdelay $0x3  }
0x92: {  	_ =	strace s17  }
0x93: {  	s2 =	sld [smem:$0x3FFC];
	_ =	sdelay $0x3  }
0x94: {  	_ =	strace s2  }
0x95: {  	s2 =	sld [smem:$0x3FFD];
	_ =	sdelay $0x3  }
0x96: {  	_ =	strace s2  }
0x97: {  	_ =	strace $0x8FFFFFFF  }
0x98: {  	s18 =	sld [smem:$0x3FDB];
	_ =	sdelay $0x1  }
0x99: {  	s19 =	simm.s32 $_scs_section_size  }
0x9a: {  	s4 =	simm.s32 $_size__tile_overlayer_lowered;
	s5 =	simm.s32 $_tile_overlayer_lowered  }
0x9b: {  	s22 =	simm.s32 $0x1BFF;
	s21 =	sshll.u32 s5, $0x1;
	s2 =	sadd.s32 s19, s18  }
0x9c: {  	s6 =	simm.s32 $0x0;
	s20 =	sshll.u32 s4, $0x1;
	s4 =	sadd.s32 s21, s2  }
0x9d: {  	[timem:s6], [sflag:s22] =	dma.local [hbm:s4], s20  }
0x9e: {  	_ =	swait.ge [sflag:s22], s20  }
0x9f: {  	s3 =	ssub.s32 $0x0, s20;
	[sflag:s22] =	ssyncset.done $0x0  }
0xa0: {  	[sflag:s22] =	ssyncadd.s32 s3;
	_ =	sdelay $0x1  }
0xa1: {  	s23 =	simm.s32 $0x1B8B  }
0xa2: {  	_ =	swait.ge [sflag:s23], $0x1  }
0xa3: {  	[sflag:s23] =	ssyncset.done $0x0  }
0xa4: {  	s25 =	simm.s32 $0x1B8E;
	s24 =	sld [smem:$0x3FFE];
	[sflag:s23] =	ssyncadd.s32 $0xFFFFFFFF  }
0xa5: {  	s26 =	simm.s32 $execute0_lowered;
	[smem:$0x3FD2] =	sst s25  }
0xa6: {  	s4 =	sshll.u32 s26, $0x1;
	_ =	strace $0x8000004F;
	[dreg:$0x1] =	wrdreg $0xFFFFFFFF  }
0xa7: {  	s28 =	simm.s32 $_size_execute0_lowered;
	s2 =	sadd.s32 s2, s4;
	[dreg:$0x0] =	wrdreg $0x0  }
0xa8: {  	s4 =	sshll.u32 s28, $0x1;
	[dreg:$0x2] =	wrdreg s2  }
0xa9: {  	[dreg:$0x3] =	wrdreg s4  }
0xaa: {  	[dreg:$0x4] =	wrdreg $0xC0  }
0xab: {  	_ =	task [dreg:s6], $0x5FFFF  }
0xac: {  	[dreg:$0x1] =	wrdreg $0xFFFFFFFF  }
0xad: {  	[dreg:$0x0] =	wrdreg $0x60  }
0xae: {  	[dreg:$0x2] =	wrdreg s24  }
0xaf: {  	[dreg:$0x3] =	wrdreg $0xB1000  }
0xb0: {  	[dreg:$0x4] =	wrdreg $0x9  }
0xb1: {  	_ =	task.clear_ibuf [dreg:s6], $0x5FFFF;
	_ =	strace $0x9000004F  }
0xb2: {  	s29 =	simm.s32 $0x9;
	_ =	strace $0x80000051  }
0xb3: {  	_ =	swait.ge [sflag:s29], $0x1  }
0xb4: {  	[sflag:s29] =	ssyncadd.s32 $0xFFFFFFFF  }
0xb5: {  	_ =	strace $0x90000051  }
0xb6: {  	_ =	sfence  }
0xb7: {  	s30 =	sld [smem:$0x0];
	_ =	sdelay $0x2  }
0xb8: {  	s31 =	sshll.u32 s1, $0xD;
	s1 =	sshrl.u32 s1, $0x2  }
0xb9: {  	s3 =	sand.u32 $0x4000, s31;
	s1 =	sadd.s32 s1, s30  }
0xba: {  	s0 =	sor.u32 s3, s0;
	s1 =	sshll.u32 s1, $0x11  }
0xbb: {  	s0 =	sor.u32 s1, s0  }
0xbc: {  	s0 =	sadd.s32 $0x8F2B, s0  }
0xbd: {  	[sflag:s0] =	ssyncadd.remote.s32 $0x1  }
0xbe: {  	_ =	sfence.sel $0xFFFF  }
0xbf: {  	[dreg:$0x0] =	wrdreg $0xFFFFFFFF;
	(pc) =	sbr.abs _section_cstart, $3  }
0xc0: {  	[dreg:$0x1] =	wrdreg $0xFFFFFFFF  }
0xc1: {  	_ =	task.clear_ibuf [dreg:s6], $0x2FFFF;
	_ =	strace $0x9FFFFFFF  }
0xc2: {  	(tm) =	ssettm $0x7FFFFFFF  }
0xc3: {  	_ =	shalt  }
tec
execute0_lowered:
.L_overlay_start_1:
0x0: {  	(tag) =	ssettag $0x1  }
0x1: {  	s0 =	rddreg [dreg:$0x0];
	s1 =	srdreg.scid  }
0x2: {  	s13 =	stileid.u32;
	s2 =	rddreg [dreg:$0x1]  }
0x3: {  	s3 =	simm.s32 $0x0;
	s28 =	simm.s32 $0x7;
	s6 =	smul.u32 $0x50000, s13  }
0x4: {  	s29 =	simm.s32 $0x2880;
	s30 =	simm.s32 $0x80;
	s9 =	smul.u32 $0x280, s13  }
0x5: {  	s31 =	simm.s32 $0x2780;
	s1 =	sand.u32 $0x1, s1;
	s14 =	smul.u32 $0x4E20, s13  }
0x6: {  	s4 =	sshll.u32 s13, $0x1;
	[smem:$0x7FF] =	sst s3;
	s12 =	smul.u32 $0x2800, s1  }
0x7: {  	s4 =	sor.u32 s1, s4;
	s7 =	ssub.s32 $0x2, s1;
	s1 =	smul.u32 $0x2710, s1  }
0x8: {  	s13 =	simm.s32 $0x6;
	_ =	strace $0x80000050;
	s5 =	smul.u32 $0x2710, s4  }
0x9: {  	s4 =	sadd.s32 $0x16A00, s0;
	s11 =	sshrl.u32 s7, $0x1;
	s6 =	sshrl.u32 s6, $0x2  }
0xa: {  	s23 =	sadd.s32 $0x80, s9;
	s16 =	sadd.s32 $0x180, s9;
	s11 =	ssub.s32 s7, s11  }
0xb: {  	s18 =	sadd.s32 s12, s9;
	s7 =	sadd.s32 s6, s2;
	s25 =	sshll.u32 s23, $0x7  }
0xc: {  	s1 =	sadd.s32 s1, s14;
	s14 =	simm.s32 $0x10;
	s8 =	sshrl.u32 s5, $0x3  }
0xd: {  	s5 =	sadd.s32 $0xCC00, s0;
	s19 =	sshll.u32 s18, $0x4;
	s21 =	smax.u32 s11, $0x1  }
0xe: {  	s22 =	sadd.s32 $0x4000, s7;
	s24 =	sadd.s32 $0x8000, s7;
	[dreg:$0x8] =	wrdreg s21  }
0xf: {  	s26 =	sadd.s32 $0xC000, s7;
	s11 =	sadd.s32 $0x100, s9;
	[dreg:$0x9] =	wrdreg s22  }
0x10: {  	s9 =	sadd.s32 $0x200, s9;
	s10 =	sadd.s32 s8, s0;
	[dreg:$0xa] =	wrdreg s24  }
0x11: {  	s0 =	sadd.s32 $0x3EA00, s0;
	s8 =	sadd.s32 s5, s8;
	[dreg:$0xb] =	wrdreg s26  }
0x12: {  	s15 =	sshll.u32 s11, $0x7;
	s17 =	sadd.s32 $0x2E00, s10;
	[dreg:$0x4] =	wrdreg s8  }
0x13: {  	s22 =	sadd.s32 $0x180, s1;
	s20 =	sadd.s32 $0x10, s8;
	[dreg:$0x3] =	wrdreg s17  }
0x14: {  	s8 =	sadd.s32 $0x4E0, s8;
	s6 =	sadd.s32 s0, s19;
	[dreg:$0x5] =	wrdreg s20  }
0x15: {  	s19 =	sadd.s32 s12, s9;
	s9 =	sshll.u32 s9, $0x7;
	[dreg:$0x6] =	wrdreg s8  }
0x16: {  	s10 =	simm.s32 $0x2;
	[dreg:$0x7] =	wrdreg s6;
	s6 =	sadd.s32 s12, s23  }
0x17: {  	s8 =	sadd.s32 s25, s2;
	s17 =	sadd.s32 s12, s16;
	s20 =	sshll.u32 s16, $0x7  }
0x18: {  	s21 =	sshll.u32 s19, $0x4;
	s9 =	sadd.s32 s9, s2;
	s16 =	simm.s32 $0xB080  }
0x19: {  	s6 =	sshll.u32 s6, $0x4;
	s18 =	sshll.u32 s17, $0x4;
	s24 =	sshrl.u32 s8, $0x3  }
0x1a: {  	s23 =	sadd.s32 s20, s2;
	s6 =	sadd.s32 s0, s6;
	[dreg:$0x10] =	wrdreg s24  }
0x1b: {  	s8 =	simm.s32 $0x0;
	s26 =	sshrl.u32 s23, $0x3;
	[dreg:$0xc] =	wrdreg s6  }
0x1c: {  	s6 =	sadd.s32 s12, s11;
	s11 =	sadd.s32 s15, s2;
	[dreg:$0x12] =	wrdreg s26  }
0x1d: {  	s26 =	sadd.s32 $0x10000, s7;
	s12 =	simm.s32 $0x5;
	s15 =	simm.s32 $0xA880  }
0x1e: {  	s6 =	sshll.u32 s6, $0x4;
	s25 =	sshrl.u32 s11, $0x3;
	s11 =	simm.s32 $0x4  }
0x1f: {  	s6 =	sadd.s32 s0, s6;
	[dreg:$0x11] =	wrdreg s25;
	s25 =	sshrl.u32 s9, $0x3  }
0x20: {  	s9 =	simm.s32 $0x2800;
	[dreg:$0xd] =	wrdreg s6;
	s6 =	sadd.s32 s0, s18  }
0x21: {  	s0 =	sadd.s32 s0, s21;
	s21 =	sadd.s32 $0x100, s1;
	[dreg:$0xe] =	wrdreg s6  }
0x22: {  	s1 =	simm.s32 $0x1;
	[dreg:$0xf] =	wrdreg s0;
	s0 =	sshrl.u32 s22, $0x3  }
0x23: {  	v0 =	vimm.f32 $0.0e+00;
	s6 =	simm.s32 $0x6880;
	s20 =	sadd.s32 s0, s5;
	s0 =	simm.s32 $0x3  }
.LBB2_1:
0x24: {  	s17 =	sand.u32 $0xFE00, s3  }
0x25: {  	s18 =	sand.u32 $0x70, s3;
	s19 =	sshrl.u32 s17, $0x2  }
0x26: {  	s17 =	simm.s32 $0x40;
	s19 =	sor.u32 s18, s19;
	s18 =	simm.s32 $0x0  }
.LBB2_2:
0x27: {  	p0 =	sne.s32 s17, $0xFFC0  }
0x28: {  	[tilespmem:s19+$0x2880] =	vst v0;
	s18 =	sadd.s32 $0x10, s18;
	s19 =	smov.u32 s17;
	s17 =	sadd.s32 $0x40, s17  }
.Ltmp0:
0x29: {  	(pc) =	sbr.rel @p0 .LBB2_2-.Ltmp0, $4  }
0x2a: {  	_ = 	snop  }
0x2b: {  	s19 =	sand.u32 $0xFE00, s19  }
0x2c: {  	s22 =	sand.u32 $0x70, s18;
	s19 =	sshrl.u32 s19, $0x2  }
0x2d: {  	s19 =	sor.u32 s22, s19  }
0x2e: {  	[tilespmem:s19+$0x2880] =	vst v0;
	s17 =	simm.s32 $0x0;
	s18 =	rddreg [dreg:$0x3]  }
0x2f: {  	[tilespmem:s17], [sflag:$0x7] =	stream.linear.gather [hbm4b:s18+s17], $0x2710, $0x38;
	[tilespmem:$0x1F100] =	vst v63  }
0x30: {  	_ =	swait.ge [sflag:s28], $0x2710  }
0x31: {  	[sflag:s28] =	ssyncset.done $0x0  }
0x32: {  	[sflag:s28] =	ssyncadd.s32 $0xFFFFD8F0  }
0x33: {  	[spmem:s7] =	stream.linear.scatter [tilespmem:s29], [sflag:$0x7], $0x4000, $0x38;
	[tilespmem:$0x1F100] =	vst v63  }
0x34: {  	_ =	swait.ge [sflag:s28], $0x4000  }
0x35: {  	[sflag:s28] =	ssyncset.done $0x0  }
0x36: {  	s24 =	rddreg [dreg:$0x9];
	[sflag:s28] =	ssyncadd.s32 $0xFFFFC000  }
0x37: {  	[spmem:s24] =	stream.linear.scatter [tilespmem:s29], [sflag:$0x7], $0x4000, $0x38;
	[tilespmem:$0x1F100] =	vst v63  }
0x38: {  	_ =	swait.ge [sflag:s28], $0x4000  }
0x39: {  	[sflag:s28] =	ssyncset.done $0x0  }
0x3a: {  	s19 =	rddreg [dreg:$0xa];
	[sflag:s28] =	ssyncadd.s32 $0xFFFFC000  }
0x3b: {  	[spmem:s19] =	stream.linear.scatter [tilespmem:s29], [sflag:$0x7], $0x4000, $0x38;
	[tilespmem:$0x1F100] =	vst v63  }
0x3c: {  	_ =	swait.ge [sflag:s28], $0x4000  }
0x3d: {  	[sflag:s28] =	ssyncset.done $0x0  }
0x3e: {  	s22 =	rddreg [dreg:$0xb];
	[sflag:s28] =	ssyncadd.s32 $0xFFFFC000  }
0x3f: {  	[spmem:s22] =	stream.linear.scatter [tilespmem:s29], [sflag:$0x7], $0x4000, $0x38;
	[tilespmem:$0x1F100] =	vst v63  }
0x40: {  	_ =	swait.ge [sflag:s28], $0x4000  }
0x41: {  	[sflag:s28] =	ssyncset.done $0x0  }
0x42: {  	[sflag:s28] =	ssyncadd.s32 $0xFFFFC000  }
0x43: {  	[spmem:s26] =	stream.linear.scatter [tilespmem:s29], [sflag:$0x7], $0x4000, $0x38;
	[tilespmem:$0x1F100] =	vst v63  }
0x44: {  	_ =	swait.ge [sflag:s28], $0x4000  }
0x45: {  	[sflag:s28] =	ssyncset.done $0x0  }
0x46: {  	[sflag:s28] =	ssyncadd.s32 $0xFFFFC000  }
0x47: {  	[bflag:$0x0] =	sbarrier.arrive $0xFFFF  }
0x48: {  	[tilespmem:s29], [sflag:$0x1] =	stream.indirect.gather [hbm4b:s4+s30], $0x80, s17, s30, $0xb8;
	[tilespmem:$0x1F100] =	vst v63  }
0x49: {  	s23 =	rddreg [dreg:$0x4]  }
0x4a: {  	[tilespmem:s31], [sflag:$0x3] =	stream.linear.gather [hbm4b:s23+s17], $0x80, $0x38;
	[tilespmem:$0x1F100] =	vst v63  }
0x4b: {  	_ =	swait.ge [sflag:s1], $0x4000  }
0x4c: {  	[sflag:s1] =	ssyncset.done $0x0  }
0x4d: {  	[sflag:s1] =	ssyncadd.s32 $0xFFFFC000  }
0x4e: {  	_ =	swait.ge [sflag:s0], $0x80  }
0x4f: {  	[sflag:s0] =	ssyncset.done $0x0  }
0x50: {  	[sflag:s0] =	ssyncadd.s32 $0xFFFFFF80  }
0x51: {  	[spmem:s2] =	stream.indirect.scatter.add.f32 [tilespmem:s29], [sflag:$0x5], $0x80, s31, s30, $0xb8;
	[tilespmem:$0x1F100] =	vst v63  }
0x52: {  	_ = 	snop  }
0x53: {  	[tilespmem:s6], [sflag:$0x2] =	stream.indirect.gather [hbm4b:s4+s30], $0x80, s30, s30, $0xb8;
	[tilespmem:$0x1F100] =	vst v63  }
0x54: {  	s24 =	rddreg [dreg:$0x5]  }
0x55: {  	[tilespmem:s9], [sflag:$0x4] =	stream.linear.gather [hbm4b:s24+s17], $0x80, $0x38;
	[tilespmem:$0x1F100] =	vst v63  }
0x56: {  	_ =	swait.ge [sflag:s10], $0x4000  }
0x57: {  	[sflag:s10] =	ssyncset.done $0x0  }
0x58: {  	[sflag:s10] =	ssyncadd.s32 $0xFFFFC000  }
0x59: {  	_ =	swait.ge [sflag:s11], $0x80  }
0x5a: {  	[sflag:s11] =	ssyncset.done $0x0  }
0x5b: {  	[sflag:s11] =	ssyncadd.s32 $0xFFFFFF80  }
0x5c: {  	[spmem:s2] =	stream.indirect.scatter.add.f32 [tilespmem:s6], [sflag:$0x6], $0x80, s9, s30, $0xb8;
	[tilespmem:$0x1F100] =	vst v63  }
0x5d: {  	_ =	swait.ge [sflag:s12], $0x4000  }
0x5e: {  	[sflag:s12] =	ssyncset.done $0x0  }
0x5f: {  	s19 =	simm.s32 $0x100;
	s22 =	sshrl.u32 s21, $0x3;
	[sflag:s12] =	ssyncadd.s32 $0xFFFFC000  }
0x60: {  	[tilespmem:s29], [sflag:$0x1] =	stream.indirect.gather [hbm4b:s4+s30], $0x80, s19, s30, $0xb8;
	[tilespmem:$0x1F100] =	vst v63  }
0x61: {  	s23 =	sadd.s32 s5, s22  }
0x62: {  	[tilespmem:s31], [sflag:$0x3] =	stream.linear.gather [hbm4b:s23+s3], $0x80, $0x38;
	[tilespmem:$0x1F100] =	vst v63  }
0x63: {  	_ =	swait.ge [sflag:s1], $0x4000  }
0x64: {  	[sflag:s1] =	ssyncset.done $0x0  }
0x65: {  	[sflag:s1] =	ssyncadd.s32 $0xFFFFC000  }
0x66: {  	_ =	swait.ge [sflag:s0], $0x80  }
0x67: {  	[sflag:s0] =	ssyncset.done $0x0  }
0x68: {  	[sflag:s0] =	ssyncadd.s32 $0xFFFFFF80  }
0x69: {  	[spmem:s2] =	stream.indirect.scatter.add.f32 [tilespmem:s29], [sflag:$0x5], $0x80, s31, s30, $0xb8;
	[tilespmem:$0x1F100] =	vst v63  }
0x6a: {  	s18 =	simm.s32 $0x280;
	_ =	swait.ge [sflag:s13], $0x4000  }
0x6b: {  	s22 =	sadd.s32 $0x0, s20;
	s24 =	simm.s32 $0x180;
	[sflag:s13] =	ssyncset.done $0x0  }
0x6c: {  	s17 =	simm.s32 $0x20;
	s19 =	sadd.s32 $0x100, s21;
	[sflag:s13] =	ssyncadd.s32 $0xFFFFC000  }
0x6d: {  	[tilespmem:s6], [sflag:$0x2] =	stream.indirect.gather [hbm4b:s4+s30], $0x80, s24, s30, $0xb8;
	[tilespmem:$0x1F100] =	vst v63  }
.LBB2_4:
0x6e: {  	[tilespmem:s9], [sflag:$0x4] =	stream.linear.gather [hbm4b:s22+s3], $0x80, $0x38;
	[tilespmem:$0x1F100] =	vst v63  }
0x6f: {  	s22 =	smov.u32 s17  }
0x70: {  	p0 =	sne.s32 s17, $0x4A0;
	s17 =	sadd.s32 $0x20, s17;
	_ =	swait.ge [sflag:s10], $0x4000  }
0x71: {  	[sflag:s10] =	ssyncset.done $0x0  }
0x72: {  	[sflag:s10] =	ssyncadd.s32 $0xFFFFC000  }
0x73: {  	_ =	swait.ge [sflag:s11], $0x80  }
0x74: {  	[sflag:s11] =	ssyncset.done $0x0  }
0x75: {  	[sflag:s11] =	ssyncadd.s32 $0xFFFFFF80  }
0x76: {  	[spmem:s2] =	stream.indirect.scatter.add.f32 [tilespmem:s6], [sflag:$0x6], $0x80, s9, s30, $0xb8;
	[tilespmem:$0x1F100] =	vst v63  }
0x77: {  	_ =	swait.ge [sflag:s12], $0x4000  }
0x78: {  	[sflag:s12] =	ssyncset.done $0x0  }
0x79: {  	s23 =	sadd.s32 $0xFFFFFF80, s18;
	s24 =	sshrl.u32 s19, $0x3;
	[sflag:s12] =	ssyncadd.s32 $0xFFFFC000  }
0x7a: {  	[tilespmem:s29], [sflag:$0x1] =	stream.indirect.gather [hbm4b:s4+s30], $0x80, s23, s30, $0xb8;
	[tilespmem:$0x1F100] =	vst v63  }
0x7b: {  	s23 =	sadd.s32 s5, s24  }
0x7c: {  	[tilespmem:s31], [sflag:$0x3] =	stream.linear.gather [hbm4b:s23+s3], $0x80, $0x38;
	[tilespmem:$0x1F100] =	vst v63  }
0x7d: {  	_ =	swait.ge [sflag:s1], $0x4000  }
0x7e: {  	[sflag:s1] =	ssyncset.done $0x0  }
0x7f: {  	[sflag:s1] =	ssyncadd.s32 $0xFFFFC000  }
0x80: {  	_ =	swait.ge [sflag:s0], $0x80  }
0x81: {  	[sflag:s0] =	ssyncset.done $0x0  }
0x82: {  	[sflag:s0] =	ssyncadd.s32 $0xFFFFFF80  }
0x83: {  	[spmem:s2] =	stream.indirect.scatter.add.f32 [tilespmem:s29], [sflag:$0x5], $0x80, s31, s30, $0xb8;
	[tilespmem:$0x1F100] =	vst v63  }
.Ltmp1:
0x84: {  	_ =	swait.ge [sflag:s13], $0x4000;
	(pc) =	sbr.rel @p0 .LBB2_4-.Ltmp1, $4  }
0x85: {  	[sflag:s13] =	ssyncset.done $0x0  }
0x86: {  	[sflag:s13] =	ssyncadd.s32 $0xFFFFC000  }
0x87: {  	[tilespmem:s6], [sflag:$0x2] =	stream.indirect.gather [hbm4b:s4+s30], $0x80, s18, s30, $0xb8;
	[tilespmem:$0x1F100] =	vst v63  }
0x88: {  	s19 =	sadd.s32 $0x100, s19;
	s22 =	sadd.s32 s22, s20;
	s18 =	sadd.s32 $0x100, s18  }
0x89: {  	[tilespmem:s9], [sflag:$0x4] =	stream.linear.gather [hbm4b:s22+s3], $0x80, $0x38;
	[tilespmem:$0x1F100] =	vst v63  }
0x8a: {  	_ =	swait.ge [sflag:s10], $0x4000  }
0x8b: {  	[sflag:s10] =	ssyncset.done $0x0  }
0x8c: {  	[sflag:s10] =	ssyncadd.s32 $0xFFFFC000  }
0x8d: {  	_ =	swait.ge [sflag:s11], $0x80  }
0x8e: {  	[sflag:s11] =	ssyncset.done $0x0  }
0x8f: {  	[sflag:s11] =	ssyncadd.s32 $0xFFFFFF80  }
0x90: {  	[spmem:s2] =	stream.indirect.scatter.add.f32 [tilespmem:s6], [sflag:$0x6], $0x80, s9, s30, $0xb8;
	[tilespmem:$0x1F100] =	vst v63  }
0x91: {  	s17 =	simm.s32 $0x2700  }
0x92: {  	[tilespmem:s15], [sflag:$0x1] =	stream.indirect.gather [hbm4b:s4+s14], $0x80, s17, s14, $0xb8;
	[tilespmem:$0x1F100] =	vst v63  }
0x93: {  	s24 =	rddreg [dreg:$0x6]  }
0x94: {  	[tilespmem:s16], [sflag:$0x3] =	stream.linear.gather [hbm4b:s24+s3], $0x10, $0x38;
	[tilespmem:$0x1F100] =	vst v63  }
0x95: {  	_ =	swait.ge [sflag:s1], $0x800  }
0x96: {  	[sflag:s1] =	ssyncset.done $0x0  }
0x97: {  	[sflag:s1] =	ssyncadd.s32 $0xFFFFF800  }
0x98: {  	_ =	swait.ge [sflag:s0], $0x10  }
0x99: {  	[sflag:s0] =	ssyncset.done $0x0  }
0x9a: {  	[sflag:s0] =	ssyncadd.s32 $0xFFFFFFF0  }
0x9b: {  	[spmem:s2] =	stream.indirect.scatter.add.f32 [tilespmem:s15], [sflag:$0x7], $0x80, s16, s14, $0xb8;
	[tilespmem:$0x1F100] =	vst v63  }
0x9c: {  	_ =	swait.ge [sflag:s28], $0x800  }
0x9d: {  	[sflag:s28] =	ssyncset.done $0x0  }
0x9e: {  	[sflag:s28] =	ssyncadd.s32 $0xFFFFF800  }
0x9f: {  	_ =	swait.ge [sflag:s12], $0x4000  }
0xa0: {  	[sflag:s12] =	ssyncset.done $0x0  }
0xa1: {  	[sflag:s12] =	ssyncadd.s32 $0xFFFFC000  }
0xa2: {  	_ =	swait.ge [sflag:s13], $0x4000  }
0xa3: {  	[sflag:s13] =	ssyncset.done $0x0  }
0xa4: {  	s18 =	stileid.u32;
	[sflag:s13] =	ssyncadd.s32 $0xFFFFC000  }
0xa5: {  	s17 =	sshll.u32 s18, $0x6;
	[bflag:$0x0] =	sbarrier.arrive $0xFFFF  }
0xa6: {  	s18 =	sshrl.u32 s7, $0x3;
	s17 =	sor.u32 $0x1C07, s17;
	s19 =	rddreg [dreg:$0x7]  }
0xa7: {  	[hbm:s19], [sflag:s17] =	dma.local [spmem:s18], $0x800  }
0xa8: {  	_ =	swait.ge [sflag:s28], $0x800  }
0xa9: {  	[sflag:s28] =	ssyncset.done $0x0;
	s19 =	rddreg [dreg:$0xc]  }
0xaa: {  	s22 =	rddreg [dreg:$0x10];
	[sflag:s28] =	ssyncadd.s32 $0xFFFFF800  }
0xab: {  	[hbm:s19], [sflag:s17] =	dma.local [spmem:s22], $0x800  }
0xac: {  	_ =	swait.ge [sflag:s28], $0x800  }
0xad: {  	[sflag:s28] =	ssyncset.done $0x0;
	s23 =	rddreg [dreg:$0xd]  }
0xae: {  	s24 =	rddreg [dreg:$0x11];
	[sflag:s28] =	ssyncadd.s32 $0xFFFFF800  }
0xaf: {  	[hbm:s23], [sflag:s17] =	dma.local [spmem:s24], $0x800  }
0xb0: {  	_ =	swait.ge [sflag:s28], $0x800  }
0xb1: {  	[sflag:s28] =	ssyncset.done $0x0;
	s19 =	rddreg [dreg:$0xe]  }
0xb2: {  	s22 =	rddreg [dreg:$0x12];
	[sflag:s28] =	ssyncadd.s32 $0xFFFFF800  }
0xb3: {  	[hbm:s19], [sflag:s17] =	dma.local [spmem:s22], $0x800  }
0xb4: {  	_ =	swait.ge [sflag:s28], $0x800  }
0xb5: {  	[sflag:s28] =	ssyncset.done $0x0  }
0xb6: {  	s23 =	rddreg [dreg:$0xf];
	[sflag:s28] =	ssyncadd.s32 $0xFFFFF800  }
0xb7: {  	[hbm:s23], [sflag:s17] =	dma.local [spmem:s25], $0x800  }
0xb8: {  	_ =	swait.ge [sflag:s28], $0x800  }
0xb9: {  	s8 =	sadd.s32 $0x1, s8;
	s24 =	rddreg [dreg:$0x8]  }
0xba: {  	p0 =	sne.s32 s8, s24  }
.Ltmp2:
0xbb: {  	_ = 	snop;
	(pc) =	sbr.rel @p0 .LBB2_1-.Ltmp2, $3  }
0xbc: {  	_ =	sdelay $0x1  }
0xbd: {  	[sflag:s28] =	ssyncset.done $0x0  }
0xbe: {  	[sflag:s28] =	ssyncadd.s32 $0xFFFFF800  }
0xbf: {  	_ =	sfence.sel $0x180000  }
0xc0: {  	[bflag:$0x0] =	sbarrier.arrive $0xFFFF  }
0xc1: {  	_ =	strace $0x90000050  }
0xc2: {  	s0 =	stileid.u32;
	[bflag:$0x2] =	sbarrier.arrive $0xFFFF  }
0xc3: {  	p0 =	sne.s32 s0, $0x0;
	s0 =	rddreg [dreg:$0x2]  }
0xc4: {  	s0 =	sadd.s32 @!p0 $0x100000, s0  }
0xc5: {  	[sflag:s0] =	ssyncadd.tile.s32 @!p0 $0x1;
	_ =	shalt  }
.Lfunc_end2:
_tile_overlayer_lowered:
.L_overlay_start_2:
0xc6: {  	(tag) =	ssettag $0x2  }
0xc7: {  	s0 =	rddreg [dreg:$0x0];
	s2 =	stileid.u32  }
0xc8: {  	s1 =	rddreg [dreg:$0x1];
	p0 =	sne.s32 s2, $0x0  }
0xc9: {  	s3 =	rddreg [dreg:$0x2];
	[bflag:$0x3] =	sbarrier.arrive $0xFFFF;
	s2 =	simm.s32 @!p0 $0x1C07  }
0xca: {  	[timem:s3], [sflag:s2] =	dma.local @!p0 [hbm:s0], s1  }
0xcb: {  	s0 =	simm.s32 @!p0 $0x7  }
0xcc: {  	_ =	swait.ge @!p0 [sflag:s0], s1  }
0xcd: {  	s1 =	ssub.s32 @!p0 $0x0, s1;
	[sflag:s0] =	ssyncset.done @!p0 $0x0  }
0xce: {  	[sflag:s0] =	ssyncadd.s32 @!p0 s1  }
0xcf: {  	[bflag:$0x3] =	sbarrier.arrive $0xFFFF  }
0xd0: {  	_ =	shalt  }

</sc_bundles>
